<compile_context>
chip_gen: v7x
topology: tpu7x:2x2x1
jax: 0.10.2.dev20260603
libtpu: 0.0.44.dev20260713+nightly
codegen_flags: <defaults>
</compile_context>

<pallas_src>
import functools

import jax
import jax.numpy as jnp
from jax import lax
from jax.experimental import pallas as pl
from jax.experimental.pallas import tpu as pltpu
from jax.experimental.pallas import tpu_sc as plsc

T = 2048
D = 1024
E = 64
F = 128
C = 64
SEL = 64
FH = 256
NV = 2

NC = 2
NS = 16
NW = NC * NS
TPW = T // NW

TRASH = E * C
XE_ROWS = E * C + C
TB = 256
_F32 = jnp.float32
_I32 = jnp.int32


def _routing_body(lg_ref, mk_ref, sidx_ref, cidx_ref, gk_ref, eidx_ref,
                  guide_ref):
    r = lax.broadcasted_iota(_I32, (TB, TB), 0)
    c = lax.broadcasted_iota(_I32, (TB, TB), 1)
    ut = (r <= c).astype(_F32)

    guide_sum = jnp.float32(0.0)
    for v in range(NV):
        lg = lg_ref[v]
        mk = mk_ref[v]
        masked = jnp.where(mk > 0, lg, jnp.float32(-1e9))
        mx = jnp.max(masked, axis=0, keepdims=True)
        ex = jnp.exp(masked - mx)
        den = jnp.sum(ex, axis=0, keepdims=True)
        probs = ex / den
        gate = jnp.max(probs, axis=0, keepdims=True)
        iota_e = lax.broadcasted_iota(_I32, (E, T), 0)
        eidx = jnp.min(jnp.where(probs == gate, iota_e, E), axis=0,
                       keepdims=True)
        oh = (iota_e == eidx).astype(_F32)

        eidx_ref[pl.ds(v, 1), :] = eidx

        carry = jnp.zeros((E, 1), _F32)
        for k in range(T // TB):
            sl = pl.ds(k * TB, TB)
            blk = oh[:, k * TB:(k + 1) * TB]
            cum = jnp.dot(blk, ut, preferred_element_type=_F32) + carry
            carry = carry + jnp.sum(blk, axis=1, keepdims=True)
            cnt = jnp.sum(cum * blk, axis=0, keepdims=True)
            pos = cnt.astype(_I32) - 1
            keep = pos < C
            pos_c = jnp.minimum(pos, C - 1)
            e_blk = eidx[:, k * TB:(k + 1) * TB]
            flat = e_blk * C + pos_c
            sidx_ref[pl.ds(v, 1), sl] = jnp.where(keep, flat, TRASH)
            cidx_ref[pl.ds(v, 1), sl] = jnp.where(keep, flat, 0)
            g_blk = gate[:, k * TB:(k + 1) * TB]
            gk_ref[pl.ds(v, 1), sl] = g_blk * keep.astype(_F32)

        count_e = jnp.sum(oh, axis=1, keepdims=True)
        sump_e = jnp.sum(probs, axis=1, keepdims=True)
        guide_sum = guide_sum + jnp.sum(count_e * sump_e)

    scale = jnp.float32(E) / (jnp.float32(T) * jnp.float32(T))
    guide_ref[...] = jnp.full((1, 1), guide_sum * scale / NV, _F32)


def _routing_call(tl_t, tm_t):
    return pl.pallas_call(
        _routing_body,
        out_shape=(
            jax.ShapeDtypeStruct((NV, T), _I32),
            jax.ShapeDtypeStruct((NV, T), _I32),
            jax.ShapeDtypeStruct((NV, T), _F32),
            jax.ShapeDtypeStruct((NV, T), _I32),
            jax.ShapeDtypeStruct((1, 1), _F32),
        ),
    )(tl_t, tm_t)


def _dispatch_body(x_hbm, sidx_hbm, xe0, xe1, xrows, i0v, i1v, sem0, sem1):
    wid = lax.axis_index("s") * NC + lax.axis_index("c")
    base = wid * TPW
    pltpu.sync_copy(x_hbm.at[pl.ds(base, TPW)], xrows)
    pltpu.sync_copy(sidx_hbm.at[0, pl.ds(base, TPW)], i0v)
    pltpu.sync_copy(sidx_hbm.at[1, pl.ds(base, TPW)], i1v)
    d0 = pltpu.async_copy(xrows, xe0.at[i0v], sem0)
    d1 = pltpu.async_copy(xrows, xe1.at[i1v], sem1)
    d0.wait()
    d1.wait()


def _dispatch_call(x, sidx):
    mesh = plsc.VectorSubcoreMesh(core_axis_name="c", subcore_axis_name="s")
    fn = pl.kernel(
        _dispatch_body,
        out_type=(
            jax.ShapeDtypeStruct((XE_ROWS, D), _F32),
            jax.ShapeDtypeStruct((XE_ROWS, D), _F32),
        ),
        mesh=mesh,
        scratch_types=[
            pltpu.VMEM((TPW, D), _F32),
            pltpu.VMEM((TPW,), _I32),
            pltpu.VMEM((TPW,), _I32),
            pltpu.SemaphoreType.DMA,
            pltpu.SemaphoreType.DMA,
        ],
    )
    return fn(x, sidx)


def _ffn_body(xe_ref, w1_ref, b1_ref, w2_ref, b2_ref, ye_ref):
    xb = xe_ref[...]
    h = jax.nn.gelu(jnp.dot(xb, w1_ref[0], preferred_element_type=_F32)
                    + b1_ref[0])
    ye_ref[...] = (jnp.dot(h, w2_ref[0], preferred_element_type=_F32)
                   + b2_ref[0])


def _ffn_call(xe, w1, b1, w2, b2):
    return pl.pallas_call(
        _ffn_body,
        grid=(E,),
        in_specs=[
            pl.BlockSpec((C, D), lambda e: (e, 0)),
            pl.BlockSpec((1, D, F), lambda e: (e, 0, 0)),
            pl.BlockSpec((1, 1, F), lambda e: (e, 0, 0)),
            pl.BlockSpec((1, F, D), lambda e: (e, 0, 0)),
            pl.BlockSpec((1, 1, D), lambda e: (e, 0, 0)),
        ],
        out_specs=pl.BlockSpec((C, D), lambda e: (e, 0)),
        out_shape=jax.ShapeDtypeStruct((E * C, D), _F32),
    )(xe, w1, b1, w2, b2)


def _combine_body(ye0, ye1, cidx_hbm, yv0, yv1, rows, c0v, sem):
    wid = lax.axis_index("s") * NC + lax.axis_index("c")
    base = wid * TPW
    pltpu.sync_copy(cidx_hbm.at[0, pl.ds(base, TPW)], c0v)
    pltpu.async_copy(ye0.at[c0v], rows, sem).wait()
    pltpu.sync_copy(rows, yv0.at[pl.ds(base, TPW)])
    pltpu.sync_copy(cidx_hbm.at[1, pl.ds(base, TPW)], c0v)
    pltpu.async_copy(ye1.at[c0v], rows, sem).wait()
    pltpu.sync_copy(rows, yv1.at[pl.ds(base, TPW)])


def _combine_call(ye0, ye1, cidx):
    mesh = plsc.VectorSubcoreMesh(core_axis_name="c", subcore_axis_name="s")
    fn = pl.kernel(
        _combine_body,
        out_type=(
            jax.ShapeDtypeStruct((T, D), _F32),
            jax.ShapeDtypeStruct((T, D), _F32),
        ),
        mesh=mesh,
        scratch_types=[
            pltpu.VMEM((TPW, D), _F32),
            pltpu.VMEM((TPW,), _I32),
            pltpu.SemaphoreType.DMA,
        ],
    )
    return fn(ye0, ye1, cidx)


def _dense_body(x_ref, yv0_ref, yv1_ref, gkt_ref, eidx_ref, selt_ref, let_ref,
                wh1_ref, bh1_ref, wh2_ref, u_ref, bu_ref, v_ref, bv_ref,
                wg1_ref, bg1_ref, wg2_ref, bg2_ref, gamma_ref, beta_ref,
                out_ref):
    xb = x_ref[...]
    selt = selt_ref[...]
    let = jnp.broadcast_to(let_ref[...], (SEL, TB))

    modsum_t = jnp.zeros((FH, TB), _F32)
    for v in range(NV):
        erow = eidx_ref[...][v:v + 1, :]
        oht = (lax.broadcasted_iota(_I32, (E, TB), 0) == erow).astype(_F32)
        selv_t = jnp.sum(selt * oht[:, None, :], axis=0)
        hit = jnp.concatenate([selv_t, let], axis=0)
        zt = jax.nn.relu(
            lax.dot_general(wh1_ref[...], hit, (((0,), (0,)), ((), ())),
                            preferred_element_type=_F32) + bh1_ref[...])
        modsum_t = modsum_t + lax.dot_general(
            wh2_ref[...], zt, (((0,), (0,)), ((), ())),
            preferred_element_type=_F32)

    modsum = jnp.transpose(modsum_t)

    h = jax.nn.relu(jnp.dot(xb, u_ref[...], preferred_element_type=_F32)
                    + bu_ref[...])
    hyper = (jnp.dot(h * modsum, v_ref[...], preferred_element_type=_F32)
             + 2.0 * bv_ref[...])

    g = jax.nn.relu(jnp.dot(xb, wg1_ref[...], preferred_element_type=_F32)
                    + bg1_ref[...])
    gen = jnp.dot(g, wg2_ref[...], preferred_element_type=_F32) + bg2_ref[...]

    gkt = gkt_ref[...]
    g0 = gkt[:, 0:1]
    g1 = gkt[:, 1:2]
    ve = (jnp.where(g0 == 0.0, 0.0, yv0_ref[...] * g0)
          + jnp.where(g1 == 0.0, 0.0, yv1_ref[...] * g1))

    tot = ve + hyper + gen + xb
    mu = jnp.mean(tot, axis=1, keepdims=True)
    dev = tot - mu
    var = jnp.mean(dev * dev, axis=1, keepdims=True)
    out_ref[...] = (dev / jnp.sqrt(var + 1e-5) * gamma_ref[...]
                    + beta_ref[...])


def _dense_call(x, yv0, yv1, gkt, eidx, selt, let, wh1, bh1, wh2, u, bu,
                v, bv, wg1, bg1, wg2, bg2, gamma, beta):
    full = lambda *s: pl.BlockSpec(s, lambda i: tuple(0 for _ in s))
    blk = lambda *s: pl.BlockSpec(s, lambda i: (i,) + tuple(0 for _ in s[1:]))
    return pl.pallas_call(
        _dense_body,
        grid=(T // TB,),
        in_specs=[
            blk(TB, D),
            blk(TB, D),
            blk(TB, D),
            blk(TB, NV),
            pl.BlockSpec((NV, TB), lambda i: (0, i)),
            pl.BlockSpec((E, SEL, TB), lambda i: (0, 0, i)),
            full(SEL, 1),
            full(2 * SEL, 2 * SEL),
            full(2 * SEL, 1),
            full(2 * SEL, FH),
            full(D, FH),
            full(1, FH),
            full(FH, D),
            full(1, D),
            full(D, FH),
            full(1, FH),
            full(FH, D),
            full(1, D),
            full(1, D),
            full(1, D),
        ],
        out_specs=pl.BlockSpec((TB, D), lambda i: (i, 0)),
        out_shape=jax.ShapeDtypeStruct((T, D), _F32),
    )(x, yv0, yv1, gkt, eidx, selt, let, wh1, bh1, wh2, u, bu, v, bv,
      wg1, bg1, wg2, bg2, gamma, beta)


def kernel(x, total_logits, total_masks, selection_embeddings, layer_embedding,
           vW1, vb1, vW2, vb2, Wh1, bh1, Wh2, U, bU, V, bV, Wg1, bg1, Wg2, bg2,
           gamma, beta):
    tl_t = jnp.transpose(total_logits, (0, 2, 1))
    tm_t = jnp.transpose(total_masks, (0, 2, 1))
    sidx, cidx, gk, eidx, guide = _routing_call(tl_t, tm_t)

    xe0, xe1 = _dispatch_call(x, sidx)

    ye0 = _ffn_call(xe0, vW1[0], vb1[0].reshape(E, 1, F), vW2[0],
                    vb2[0].reshape(E, 1, D))
    ye1 = _ffn_call(xe1, vW1[1], vb1[1].reshape(E, 1, F), vW2[1],
                    vb2[1].reshape(E, 1, D))

    yv0, yv1 = _combine_call(ye0, ye1, cidx)

    gkt = jnp.transpose(gk)
    selt = jnp.transpose(selection_embeddings, (1, 2, 0))
    final = _dense_call(
        x, yv0, yv1, gkt, eidx, selt, jnp.transpose(layer_embedding),
        Wh1, bh1.reshape(2 * SEL, 1), Wh2, U, bU.reshape(1, FH), V,
        bV.reshape(1, D), Wg1, bg1.reshape(1, FH), Wg2, bg2.reshape(1, D),
        gamma.reshape(1, D), beta.reshape(1, D))

    return (final, guide[0, 0])

# --- scband reference (transcript-rebuilt; emitter-appended) ---
"""Pipeline reference for scband-multi-view-layer-29686813950418 (READ-ONLY COPY).

The authoritative reference and input builder live on the scoring server;
editing this copy changes nothing except your own understanding.
"""

import jax, jax.numpy as jnp
import numpy as np

T = 2048
D = 1024
E = 64
F = 128
C = 64
SEL = 64
FH = 256
NV = 2


def setup_inputs(seed: int = 0):
    key = jax.random.key(seed)
    ks = jax.random.split(key, 16)
    s = 0.02
    inp = {
        "x": jax.random.normal(ks[0], (T, D), jnp.float32),
        "total_logits": jax.random.normal(ks[1], (NV, T, E), jnp.float32),
        "total_masks": jnp.ones((NV, T, E), jnp.float32),
        "selection_embeddings": jax.random.normal(ks[2], (T, E, SEL), jnp.float32),
        "layer_embedding": jax.random.normal(ks[3], (1, SEL), jnp.float32),
        "vW1": jax.random.normal(ks[4], (NV, E, D, F), jnp.float32) * s,
        "vb1": jnp.zeros((NV, E, F), jnp.float32),
        "vW2": jax.random.normal(ks[5], (NV, E, F, D), jnp.float32) * s,
        "vb2": jnp.zeros((NV, E, D), jnp.float32),
        "Wh1": jax.random.normal(ks[6], (2 * SEL, 2 * SEL), jnp.float32) * s,
        "bh1": jnp.zeros((2 * SEL,), jnp.float32),
        "Wh2": jax.random.normal(ks[7], (2 * SEL, FH), jnp.float32) * s,
        "U": jax.random.normal(ks[8], (D, FH), jnp.float32) * s,
        "bU": jnp.zeros((FH,), jnp.float32),
        "V": jax.random.normal(ks[9], (FH, D), jnp.float32) * s,
        "bV": jnp.zeros((D,), jnp.float32),
        "Wg1": jax.random.normal(ks[10], (D, FH), jnp.float32) * s,
        "bg1": jnp.zeros((FH,), jnp.float32),
        "Wg2": jax.random.normal(ks[11], (FH, D), jnp.float32) * s,
        "bg2": jnp.zeros((D,), jnp.float32),
        "gamma": jnp.ones((D,), jnp.float32),
        "beta": jnp.zeros((D,), jnp.float32),
    }
    return inp


def _view_expert(x, logits, mask, sel, W1, b1, W2, b2):
    masked = jnp.where(mask > 0, logits, -1e9)
    probs = jax.nn.softmax(masked, axis=-1)
    eidx = jnp.argmax(probs, axis=-1)
    gate = jnp.take_along_axis(probs, eidx[:, None], axis=1)[:, 0]
    oh = jax.nn.one_hot(eidx, E, dtype=x.dtype)
    pos = (jnp.cumsum(oh, axis=0) * oh).sum(axis=-1).astype(jnp.int32) - 1
    keep = (pos < C).astype(x.dtype)
    pos_c = jnp.clip(pos, 0, C - 1)
    xe = jnp.zeros((E, C, D), x.dtype).at[eidx, pos_c].add(x * keep[:, None])
    h = jax.nn.gelu(jnp.einsum('ecd,edf->ecf', xe, W1) + b1[:, None, :])
    y = jnp.einsum('ecf,efd->ecd', h, W2) + b2[:, None, :]
    out = y[eidx, pos_c] * (gate * keep)[:, None]
    frac = oh.mean(axis=0)
    imp = probs.mean(axis=0)
    guide_loss = E * jnp.sum(frac * imp)
    sel_out = jnp.take_along_axis(sel, eidx[:, None, None], axis=1)[:, 0, :]
    return out, guide_loss, sel_out


def _hyper_moe(x, hyper_input, Wh1, bh1, Wh2, U, bU, V, bV):
    z = jax.nn.relu(hyper_input @ Wh1 + bh1)
    mod = z @ Wh2
    h = jax.nn.relu(x @ U + bU)
    return (h * mod) @ V + bV


def _layer_norm(x, gamma, beta):
    mu = x.mean(-1, keepdims=True)
    var = x.var(-1, keepdims=True)
    return (x - mu) / jnp.sqrt(var + 1e-5) * gamma + beta


def reference(x, total_logits, total_masks, selection_embeddings, layer_embedding, vW1, vb1, vW2, vb2, Wh1, bh1, Wh2, U, bU, V, bV, Wg1, bg1, Wg2, bg2, gamma, beta):
    B = x.shape[0]
    le = jnp.broadcast_to(layer_embedding, (B, layer_embedding.shape[1]))
    total_guide = jnp.asarray(0.0, jnp.float32)
    final_out = jnp.zeros_like(x)
    for i in range(NV):
        out, gl, sel_emb = _view_expert(x, total_logits[i], total_masks[i], selection_embeddings, vW1[i], vb1[i], vW2[i], vb2[i])
        final_out = final_out + out
        total_guide = total_guide + gl
        hyper_input = jnp.concatenate([sel_emb, le], axis=1)
        final_out = final_out + _hyper_moe(x, hyper_input, Wh1, bh1, Wh2, U, bU, V, bV)
    gen = jax.nn.relu(x @ Wg1 + bg1) @ Wg2 + bg2
    final_out = final_out + gen
    final_out = _layer_norm(final_out + x, gamma, beta)
    return (final_out, total_guide / NV)

if __name__ == "__main__":
    import jax
    _d = setup_inputs()
    print(jax.jit(kernel)(*tuple(_d.values())))

</pallas_src>

<mosaic_0001>
#map = affine_map<(d0, d1) -> (0, 0)>
module attributes {stable_mosaic.version = 14 : i64} {
  func.func @_dispatch_body(%arg0: i32, %arg1: i32, %arg2: memref<2048x1024xf32, #tpu.memory_space<hbm>>, %arg3: memref<2x2048xi32, #tpu.memory_space<hbm>>, %arg4: memref<4160x1024xf32, #tpu.memory_space<hbm>>, %arg5: memref<4160x1024xf32, #tpu.memory_space<hbm>>, %arg6: memref<64x1024xf32, #tpu.memory_space<vmem>>, %arg7: memref<64xi32, #tpu.memory_space<vmem>>, %arg8: memref<64xi32, #tpu.memory_space<vmem>>, %arg9: memref<!tpu.dma_semaphore, #tpu.memory_space<semaphore_mem>>, %arg10: memref<!tpu.dma_semaphore, #tpu.memory_space<semaphore_mem>>) attributes {dimension_semantics = [#tpu.dimension_semantics<core_parallel>, #tpu.dimension_semantics<subcore_parallel>], iteration_bounds = array<i64: 2, 16>, scalar_prefetch = 0 : i64, scratch_operands = 5 : i64, tpu.core_type = #tpu.core_type<sc_vector_subcore>, window_params = [{transform_indices = #map}, {transform_indices = #map}, {transform_indices = #map}, {transform_indices = #map}]} {
    %mul3A = arith.constant 2 : i32
    %mul3A_0 = arith.muli %arg1, %mul3A : i32
    %add3A = arith.addi %mul3A_0, %arg0 : i32
    %mul3A_1 = arith.constant 64 : i32
    %mul3A_2 = arith.muli %add3A, %mul3A_1 : i32
    "tpu.region"() ({
      %run_scoped3A_14 = tpu.sem_alloc : memref<!tpu.dma_semaphore, #tpu.memory_space<semaphore_mem>>
      %dma_start3A_15 = arith.constant 0 : i32
      %dma_start3A_16 = tpu.memref_slice %arg2[%mul3A_2, %dma_start3A_15] : memref<2048x1024xf32, #tpu.memory_space<hbm>> -> memref<64x1024xf32, #tpu.memory_space<hbm>>
      %dma_start3A_17 = arith.constant 0 : i32
      %dma_start3A_18 = tpu.memref_slice %arg2[%mul3A_2, %dma_start3A_17] : memref<2048x1024xf32, #tpu.memory_space<hbm>> -> memref<64x1024xf32, #tpu.memory_space<hbm>>
      tpu.enqueue_dma source(%dma_start3A_18 : memref<64x1024xf32, #tpu.memory_space<hbm>>) target(%arg6 : memref<64x1024xf32, #tpu.memory_space<vmem>>) target_semaphore(%run_scoped3A_14 : memref<!tpu.dma_semaphore, #tpu.memory_space<semaphore_mem>>)
      %dma_wait3A_19 = arith.constant 0 : i32
      %dma_wait3A_20 = tpu.memref_slice %arg2[%mul3A_2, %dma_wait3A_19] : memref<2048x1024xf32, #tpu.memory_space<hbm>> -> memref<64x1024xf32, #tpu.memory_space<hbm>>
      %dma_wait3A_21 = arith.constant 0 : i32
      %dma_wait3A_22 = tpu.memref_slice %arg2[%mul3A_2, %dma_wait3A_21] : memref<2048x1024xf32, #tpu.memory_space<hbm>> -> memref<64x1024xf32, #tpu.memory_space<hbm>>
      tpu.wait_dma2 semaphore(%run_scoped3A_14 : memref<!tpu.dma_semaphore, #tpu.memory_space<semaphore_mem>>) src(%dma_wait3A_22 : memref<64x1024xf32, #tpu.memory_space<hbm>>) dst(%arg6 : memref<64x1024xf32, #tpu.memory_space<vmem>>)
      tpu.yield
    }) : () -> ()
    %run_scoped3A = arith.constant 0 : i32
    "tpu.region"() ({
      %run_scoped3A_14 = tpu.sem_alloc : memref<!tpu.dma_semaphore, #tpu.memory_space<semaphore_mem>>
      %dma_start3A_15 = tpu.memref_slice %arg3[%run_scoped3A, %mul3A_2] : memref<2x2048xi32, #tpu.memory_space<hbm>> -> memref<1x64xi32, #tpu.memory_space<hbm>>
      %dma_start3A_16 = tpu.memref_squeeze %dma_start3A_15 : memref<1x64xi32, #tpu.memory_space<hbm>> -> memref<64xi32, #tpu.memory_space<hbm>>
      %dma_start3A_17 = tpu.memref_slice %arg3[%run_scoped3A, %mul3A_2] : memref<2x2048xi32, #tpu.memory_space<hbm>> -> memref<1x64xi32, #tpu.memory_space<hbm>>
      %dma_start3A_18 = tpu.memref_squeeze %dma_start3A_17 : memref<1x64xi32, #tpu.memory_space<hbm>> -> memref<64xi32, #tpu.memory_space<hbm>>
      tpu.enqueue_dma source(%dma_start3A_18 : memref<64xi32, #tpu.memory_space<hbm>>) target(%arg7 : memref<64xi32, #tpu.memory_space<vmem>>) target_semaphore(%run_scoped3A_14 : memref<!tpu.dma_semaphore, #tpu.memory_space<semaphore_mem>>)
      %dma_wait3A_19 = tpu.memref_slice %arg3[%run_scoped3A, %mul3A_2] : memref<2x2048xi32, #tpu.memory_space<hbm>> -> memref<1x64xi32, #tpu.memory_space<hbm>>
      %dma_wait3A_20 = tpu.memref_squeeze %dma_wait3A_19 : memref<1x64xi32, #tpu.memory_space<hbm>> -> memref<64xi32, #tpu.memory_space<hbm>>
      %dma_wait3A_21 = tpu.memref_slice %arg3[%run_scoped3A, %mul3A_2] : memref<2x2048xi32, #tpu.memory_space<hbm>> -> memref<1x64xi32, #tpu.memory_space<hbm>>
      %dma_wait3A_22 = tpu.memref_squeeze %dma_wait3A_21 : memref<1x64xi32, #tpu.memory_space<hbm>> -> memref<64xi32, #tpu.memory_space<hbm>>
      tpu.wait_dma2 semaphore(%run_scoped3A_14 : memref<!tpu.dma_semaphore, #tpu.memory_space<semaphore_mem>>) src(%dma_wait3A_22 : memref<64xi32, #tpu.memory_space<hbm>>) dst(%arg7 : memref<64xi32, #tpu.memory_space<vmem>>)
      tpu.yield
    }) : () -> ()
    %run_scoped3A_3 = arith.constant 1 : i32
    "tpu.region"() ({
      %run_scoped3A_14 = tpu.sem_alloc : memref<!tpu.dma_semaphore, #tpu.memory_space<semaphore_mem>>
      %dma_start3A_15 = tpu.memref_slice %arg3[%run_scoped3A_3, %mul3A_2] : memref<2x2048xi32, #tpu.memory_space<hbm>> -> memref<1x64xi32, #tpu.memory_space<hbm>>
      %dma_start3A_16 = tpu.memref_squeeze %dma_start3A_15 : memref<1x64xi32, #tpu.memory_space<hbm>> -> memref<64xi32, #tpu.memory_space<hbm>>
      %dma_start3A_17 = tpu.memref_slice %arg3[%run_scoped3A_3, %mul3A_2] : memref<2x2048xi32, #tpu.memory_space<hbm>> -> memref<1x64xi32, #tpu.memory_space<hbm>>
      %dma_start3A_18 = tpu.memref_squeeze %dma_start3A_17 : memref<1x64xi32, #tpu.memory_space<hbm>> -> memref<64xi32, #tpu.memory_space<hbm>>
      tpu.enqueue_dma source(%dma_start3A_18 : memref<64xi32, #tpu.memory_space<hbm>>) target(%arg8 : memref<64xi32, #tpu.memory_space<vmem>>) target_semaphore(%run_scoped3A_14 : memref<!tpu.dma_semaphore, #tpu.memory_space<semaphore_mem>>)
      %dma_wait3A_19 = tpu.memref_slice %arg3[%run_scoped3A_3, %mul3A_2] : memref<2x2048xi32, #tpu.memory_space<hbm>> -> memref<1x64xi32, #tpu.memory_space<hbm>>
      %dma_wait3A_20 = tpu.memref_squeeze %dma_wait3A_19 : memref<1x64xi32, #tpu.memory_space<hbm>> -> memref<64xi32, #tpu.memory_space<hbm>>
      %dma_wait3A_21 = tpu.memref_slice %arg3[%run_scoped3A_3, %mul3A_2] : memref<2x2048xi32, #tpu.memory_space<hbm>> -> memref<1x64xi32, #tpu.memory_space<hbm>>
      %dma_wait3A_22 = tpu.memref_squeeze %dma_wait3A_21 : memref<1x64xi32, #tpu.memory_space<hbm>> -> memref<64xi32, #tpu.memory_space<hbm>>
      tpu.wait_dma2 semaphore(%run_scoped3A_14 : memref<!tpu.dma_semaphore, #tpu.memory_space<semaphore_mem>>) src(%dma_wait3A_22 : memref<64xi32, #tpu.memory_space<hbm>>) dst(%arg8 : memref<64xi32, #tpu.memory_space<vmem>>)
      tpu.yield
    }) : () -> ()
    %dma_start3A = arith.constant 0 : i32
    %dma_start3A_4 = arith.constant 0 : i32
    %dma_start3A_5 = tpu.memref_slice %arg4[%dma_start3A, %dma_start3A_4] : memref<4160x1024xf32, #tpu.memory_space<hbm>> -> memref<4160x1024xf32, #tpu.memory_space<hbm>>
    tpu.enqueue_indirect_dma source(%arg6 : memref<64x1024xf32, #tpu.memory_space<vmem>>) target(%dma_start3A_5 : memref<4160x1024xf32, #tpu.memory_space<hbm>>) offsets(%arg7 : memref<64xi32, #tpu.memory_space<vmem>>) semaphore(%arg9 : memref<!tpu.dma_semaphore, #tpu.memory_space<semaphore_mem>>)
    %dma_start3A_6 = arith.constant 0 : i32
    %dma_start3A_7 = arith.constant 0 : i32
    %dma_start3A_8 = tpu.memref_slice %arg5[%dma_start3A_6, %dma_start3A_7] : memref<4160x1024xf32, #tpu.memory_space<hbm>> -> memref<4160x1024xf32, #tpu.memory_space<hbm>>
    tpu.enqueue_indirect_dma source(%arg6 : memref<64x1024xf32, #tpu.memory_space<vmem>>) target(%dma_start3A_8 : memref<4160x1024xf32, #tpu.memory_space<hbm>>) offsets(%arg8 : memref<64xi32, #tpu.memory_space<vmem>>) semaphore(%arg10 : memref<!tpu.dma_semaphore, #tpu.memory_space<semaphore_mem>>)
    %dma_wait3A = arith.constant 0 : i32
    %dma_wait3A_9 = arith.constant 0 : i32
    %dma_wait3A_10 = tpu.memref_slice %arg4[%dma_wait3A, %dma_wait3A_9] : memref<4160x1024xf32, #tpu.memory_space<hbm>> -> memref<4160x1024xf32, #tpu.memory_space<hbm>>
    tpu.wait_indirect_dma semaphore(%arg9 : memref<!tpu.dma_semaphore, #tpu.memory_space<semaphore_mem>>) src(%arg6 : memref<64x1024xf32, #tpu.memory_space<vmem>>) dst(%dma_wait3A_10 : memref<4160x1024xf32, #tpu.memory_space<hbm>>)
    %dma_wait3A_11 = arith.constant 0 : i32
    %dma_wait3A_12 = arith.constant 0 : i32
    %dma_wait3A_13 = tpu.memref_slice %arg5[%dma_wait3A_11, %dma_wait3A_12] : memref<4160x1024xf32, #tpu.memory_space<hbm>> -> memref<4160x1024xf32, #tpu.memory_space<hbm>>
    tpu.wait_indirect_dma semaphore(%arg10 : memref<!tpu.dma_semaphore, #tpu.memory_space<semaphore_mem>>) src(%arg6 : memref<64x1024xf32, #tpu.memory_space<vmem>>) dst(%dma_wait3A_13 : memref<4160x1024xf32, #tpu.memory_space<hbm>>)
    return
  }
}

#map = affine_map<(d0, d1) -> (0, 0)>
module attributes {stable_mosaic.version = 14 : i64} {
  func.func @_combine_body(%arg0: i32, %arg1: i32, %arg2: memref<4096x1024xf32, #tpu.memory_space<hbm>>, %arg3: memref<4096x1024xf32, #tpu.memory_space<hbm>>, %arg4: memref<2x2048xi32, #tpu.memory_space<hbm>>, %arg5: memref<2048x1024xf32, #tpu.memory_space<hbm>>, %arg6: memref<2048x1024xf32, #tpu.memory_space<hbm>>, %arg7: memref<64x1024xf32, #tpu.memory_space<vmem>>, %arg8: memref<64xi32, #tpu.memory_space<vmem>>, %arg9: memref<!tpu.dma_semaphore, #tpu.memory_space<semaphore_mem>>) attributes {dimension_semantics = [#tpu.dimension_semantics<core_parallel>, #tpu.dimension_semantics<subcore_parallel>], iteration_bounds = array<i64: 2, 16>, scalar_prefetch = 0 : i64, scratch_operands = 3 : i64, tpu.core_type = #tpu.core_type<sc_vector_subcore>, window_params = [{transform_indices = #map}, {transform_indices = #map}, {transform_indices = #map}, {transform_indices = #map}, {transform_indices = #map}]} {
    %mul3A = arith.constant 2 : i32
    %mul3A_0 = arith.muli %arg1, %mul3A : i32
    %add3A = arith.addi %mul3A_0, %arg0 : i32
    %mul3A_1 = arith.constant 64 : i32
    %mul3A_2 = arith.muli %add3A, %mul3A_1 : i32
    %run_scoped3A = arith.constant 0 : i32
    "tpu.region"() ({
      %run_scoped3A_14 = tpu.sem_alloc : memref<!tpu.dma_semaphore, #tpu.memory_space<semaphore_mem>>
      %dma_start3A_15 = tpu.memref_slice %arg4[%run_scoped3A, %mul3A_2] : memref<2x2048xi32, #tpu.memory_space<hbm>> -> memref<1x64xi32, #tpu.memory_space<hbm>>
      %dma_start3A_16 = tpu.memref_squeeze %dma_start3A_15 : memref<1x64xi32, #tpu.memory_space<hbm>> -> memref<64xi32, #tpu.memory_space<hbm>>
      %dma_start3A_17 = tpu.memref_slice %arg4[%run_scoped3A, %mul3A_2] : memref<2x2048xi32, #tpu.memory_space<hbm>> -> memref<1x64xi32, #tpu.memory_space<hbm>>
      %dma_start3A_18 = tpu.memref_squeeze %dma_start3A_17 : memref<1x64xi32, #tpu.memory_space<hbm>> -> memref<64xi32, #tpu.memory_space<hbm>>
      tpu.enqueue_dma source(%dma_start3A_18 : memref<64xi32, #tpu.memory_space<hbm>>) target(%arg8 : memref<64xi32, #tpu.memory_space<vmem>>) target_semaphore(%run_scoped3A_14 : memref<!tpu.dma_semaphore, #tpu.memory_space<semaphore_mem>>)
      %dma_wait3A_19 = tpu.memref_slice %arg4[%run_scoped3A, %mul3A_2] : memref<2x2048xi32, #tpu.memory_space<hbm>> -> memref<1x64xi32, #tpu.memory_space<hbm>>
      %dma_wait3A_20 = tpu.memref_squeeze %dma_wait3A_19 : memref<1x64xi32, #tpu.memory_space<hbm>> -> memref<64xi32, #tpu.memory_space<hbm>>
      %dma_wait3A_21 = tpu.memref_slice %arg4[%run_scoped3A, %mul3A_2] : memref<2x2048xi32, #tpu.memory_space<hbm>> -> memref<1x64xi32, #tpu.memory_space<hbm>>
      %dma_wait3A_22 = tpu.memref_squeeze %dma_wait3A_21 : memref<1x64xi32, #tpu.memory_space<hbm>> -> memref<64xi32, #tpu.memory_space<hbm>>
      tpu.wait_dma2 semaphore(%run_scoped3A_14 : memref<!tpu.dma_semaphore, #tpu.memory_space<semaphore_mem>>) src(%dma_wait3A_22 : memref<64xi32, #tpu.memory_space<hbm>>) dst(%arg8 : memref<64xi32, #tpu.memory_space<vmem>>)
      tpu.yield
    }) : () -> ()
    %dma_start3A = arith.constant 0 : i32
    %dma_start3A_3 = arith.constant 0 : i32
    %dma_start3A_4 = tpu.memref_slice %arg2[%dma_start3A, %dma_start3A_3] : memref<4096x1024xf32, #tpu.memory_space<hbm>> -> memref<4096x1024xf32, #tpu.memory_space<hbm>>
    tpu.enqueue_indirect_dma source(%dma_start3A_4 : memref<4096x1024xf32, #tpu.memory_space<hbm>>) target(%arg7 : memref<64x1024xf32, #tpu.memory_space<vmem>>) offsets(%arg8 : memref<64xi32, #tpu.memory_space<vmem>>) semaphore(%arg9 : memref<!tpu.dma_semaphore, #tpu.memory_space<semaphore_mem>>)
    %dma_wait3A = arith.constant 0 : i32
    %dma_wait3A_5 = arith.constant 0 : i32
    %dma_wait3A_6 = tpu.memref_slice %arg2[%dma_wait3A, %dma_wait3A_5] : memref<4096x1024xf32, #tpu.memory_space<hbm>> -> memref<4096x1024xf32, #tpu.memory_space<hbm>>
    tpu.wait_indirect_dma semaphore(%arg9 : memref<!tpu.dma_semaphore, #tpu.memory_space<semaphore_mem>>) src(%dma_wait3A_6 : memref<4096x1024xf32, #tpu.memory_space<hbm>>) dst(%arg7 : memref<64x1024xf32, #tpu.memory_space<vmem>>)
    "tpu.region"() ({
      %run_scoped3A_14 = tpu.sem_alloc : memref<!tpu.dma_semaphore, #tpu.memory_space<semaphore_mem>>
      %dma_start3A_15 = arith.constant 0 : i32
      %dma_start3A_16 = tpu.memref_slice %arg5[%mul3A_2, %dma_start3A_15] : memref<2048x1024xf32, #tpu.memory_space<hbm>> -> memref<64x1024xf32, #tpu.memory_space<hbm>>
      %dma_start3A_17 = arith.constant 0 : i32
      %dma_start3A_18 = tpu.memref_slice %arg5[%mul3A_2, %dma_start3A_17] : memref<2048x1024xf32, #tpu.memory_space<hbm>> -> memref<64x1024xf32, #tpu.memory_space<hbm>>
      tpu.enqueue_dma source(%arg7 : memref<64x1024xf32, #tpu.memory_space<vmem>>) target(%dma_start3A_18 : memref<64x1024xf32, #tpu.memory_space<hbm>>) target_semaphore(%run_scoped3A_14 : memref<!tpu.dma_semaphore, #tpu.memory_space<semaphore_mem>>)
      %dma_wait3A_19 = arith.constant 0 : i32
      %dma_wait3A_20 = tpu.memref_slice %arg5[%mul3A_2, %dma_wait3A_19] : memref<2048x1024xf32, #tpu.memory_space<hbm>> -> memref<64x1024xf32, #tpu.memory_space<hbm>>
      %dma_wait3A_21 = arith.constant 0 : i32
      %dma_wait3A_22 = tpu.memref_slice %arg5[%mul3A_2, %dma_wait3A_21] : memref<2048x1024xf32, #tpu.memory_space<hbm>> -> memref<64x1024xf32, #tpu.memory_space<hbm>>
      tpu.wait_dma2 semaphore(%run_scoped3A_14 : memref<!tpu.dma_semaphore, #tpu.memory_space<semaphore_mem>>) src(%arg7 : memref<64x1024xf32, #tpu.memory_space<vmem>>) dst(%dma_wait3A_22 : memref<64x1024xf32, #tpu.memory_space<hbm>>)
      tpu.yield
    }) : () -> ()
    %run_scoped3A_7 = arith.constant 1 : i32
    "tpu.region"() ({
      %run_scoped3A_14 = tpu.sem_alloc : memref<!tpu.dma_semaphore, #tpu.memory_space<semaphore_mem>>
      %dma_start3A_15 = tpu.memref_slice %arg4[%run_scoped3A_7, %mul3A_2] : memref<2x2048xi32, #tpu.memory_space<hbm>> -> memref<1x64xi32, #tpu.memory_space<hbm>>
      %dma_start3A_16 = tpu.memref_squeeze %dma_start3A_15 : memref<1x64xi32, #tpu.memory_space<hbm>> -> memref<64xi32, #tpu.memory_space<hbm>>
      %dma_start3A_17 = tpu.memref_slice %arg4[%run_scoped3A_7, %mul3A_2] : memref<2x2048xi32, #tpu.memory_space<hbm>> -> memref<1x64xi32, #tpu.memory_space<hbm>>
      %dma_start3A_18 = tpu.memref_squeeze %dma_start3A_17 : memref<1x64xi32, #tpu.memory_space<hbm>> -> memref<64xi32, #tpu.memory_space<hbm>>
      tpu.enqueue_dma source(%dma_start3A_18 : memref<64xi32, #tpu.memory_space<hbm>>) target(%arg8 : memref<64xi32, #tpu.memory_space<vmem>>) target_semaphore(%run_scoped3A_14 : memref<!tpu.dma_semaphore, #tpu.memory_space<semaphore_mem>>)
      %dma_wait3A_19 = tpu.memref_slice %arg4[%run_scoped3A_7, %mul3A_2] : memref<2x2048xi32, #tpu.memory_space<hbm>> -> memref<1x64xi32, #tpu.memory_space<hbm>>
      %dma_wait3A_20 = tpu.memref_squeeze %dma_wait3A_19 : memref<1x64xi32, #tpu.memory_space<hbm>> -> memref<64xi32, #tpu.memory_space<hbm>>
      %dma_wait3A_21 = tpu.memref_slice %arg4[%run_scoped3A_7, %mul3A_2] : memref<2x2048xi32, #tpu.memory_space<hbm>> -> memref<1x64xi32, #tpu.memory_space<hbm>>
      %dma_wait3A_22 = tpu.memref_squeeze %dma_wait3A_21 : memref<1x64xi32, #tpu.memory_space<hbm>> -> memref<64xi32, #tpu.memory_space<hbm>>
      tpu.wait_dma2 semaphore(%run_scoped3A_14 : memref<!tpu.dma_semaphore, #tpu.memory_space<semaphore_mem>>) src(%dma_wait3A_22 : memref<64xi32, #tpu.memory_space<hbm>>) dst(%arg8 : memref<64xi32, #tpu.memory_space<vmem>>)
      tpu.yield
    }) : () -> ()
    %dma_start3A_8 = arith.constant 0 : i32
    %dma_start3A_9 = arith.constant 0 : i32
    %dma_start3A_10 = tpu.memref_slice %arg3[%dma_start3A_8, %dma_start3A_9] : memref<4096x1024xf32, #tpu.memory_space<hbm>> -> memref<4096x1024xf32, #tpu.memory_space<hbm>>
    tpu.enqueue_indirect_dma source(%dma_start3A_10 : memref<4096x1024xf32, #tpu.memory_space<hbm>>) target(%arg7 : memref<64x1024xf32, #tpu.memory_space<vmem>>) offsets(%arg8 : memref<64xi32, #tpu.memory_space<vmem>>) semaphore(%arg9 : memref<!tpu.dma_semaphore, #tpu.memory_space<semaphore_mem>>)
    %dma_wait3A_11 = arith.constant 0 : i32
    %dma_wait3A_12 = arith.constant 0 : i32
    %dma_wait3A_13 = tpu.memref_slice %arg3[%dma_wait3A_11, %dma_wait3A_12] : memref<4096x1024xf32, #tpu.memory_space<hbm>> -> memref<4096x1024xf32, #tpu.memory_space<hbm>>
    tpu.wait_indirect_dma semaphore(%arg9 : memref<!tpu.dma_semaphore, #tpu.memory_space<semaphore_mem>>) src(%dma_wait3A_13 : memref<4096x1024xf32, #tpu.memory_space<hbm>>) dst(%arg7 : memref<64x1024xf32, #tpu.memory_space<vmem>>)
    "tpu.region"() ({
      %run_scoped3A_14 = tpu.sem_alloc : memref<!tpu.dma_semaphore, #tpu.memory_space<semaphore_mem>>
      %dma_start3A_15 = arith.constant 0 : i32
      %dma_start3A_16 = tpu.memref_slice %arg6[%mul3A_2, %dma_start3A_15] : memref<2048x1024xf32, #tpu.memory_space<hbm>> -> memref<64x1024xf32, #tpu.memory_space<hbm>>
      %dma_start3A_17 = arith.constant 0 : i32
      %dma_start3A_18 = tpu.memref_slice %arg6[%mul3A_2, %dma_start3A_17] : memref<2048x1024xf32, #tpu.memory_space<hbm>> -> memref<64x1024xf32, #tpu.memory_space<hbm>>
      tpu.enqueue_dma source(%arg7 : memref<64x1024xf32, #tpu.memory_space<vmem>>) target(%dma_start3A_18 : memref<64x1024xf32, #tpu.memory_space<hbm>>) target_semaphore(%run_scoped3A_14 : memref<!tpu.dma_semaphore, #tpu.memory_space<semaphore_mem>>)
      %dma_wait3A_19 = arith.constant 0 : i32
      %dma_wait3A_20 = tpu.memref_slice %arg6[%mul3A_2, %dma_wait3A_19] : memref<2048x1024xf32, #tpu.memory_space<hbm>> -> memref<64x1024xf32, #tpu.memory_space<hbm>>
      %dma_wait3A_21 = arith.constant 0 : i32
      %dma_wait3A_22 = tpu.memref_slice %arg6[%mul3A_2, %dma_wait3A_21] : memref<2048x1024xf32, #tpu.memory_space<hbm>> -> memref<64x1024xf32, #tpu.memory_space<hbm>>
      tpu.wait_dma2 semaphore(%run_scoped3A_14 : memref<!tpu.dma_semaphore, #tpu.memory_space<semaphore_mem>>) src(%arg7 : memref<64x1024xf32, #tpu.memory_space<vmem>>) dst(%dma_wait3A_22 : memref<64x1024xf32, #tpu.memory_space<hbm>>)
      tpu.yield
    }) : () -> ()
    return
  }
}

module attributes {stable_mosaic.version = 14 : i64} {
  func.func @_routing_body(%arg0: memref<2x64x2048xf32, #tpu.memory_space<vmem>>, %arg1: memref<2x64x2048xf32, #tpu.memory_space<vmem>>, %arg2: memref<2x2048xi32, #tpu.memory_space<vmem>>, %arg3: memref<2x2048xi32, #tpu.memory_space<vmem>>, %arg4: memref<2x2048xf32, #tpu.memory_space<vmem>>, %arg5: memref<2x2048xi32, #tpu.memory_space<vmem>>, %arg6: memref<1x1xf32, #tpu.memory_space<vmem>>) attributes {dimension_semantics = [], scalar_prefetch = 0 : i64, scratch_operands = 0 : i64, tpu.core_type = #tpu.core_type<tc>} {
    %iota3A = tpu.iota {dimensions = array<i32: 0>} : vector<256x256xi32>
    %iota3A_0 = tpu.iota {dimensions = array<i32: 1>} : vector<256x256xi32>
    %le3A = arith.cmpi sle, %iota3A, %iota3A_0 : vector<256x256xi32>
    %convert_element_type3A = arith.extui %le3A : vector<256x256xi1> to vector<256x256xi32>
    %convert_element_type3A_1 = arith.sitofp %convert_element_type3A : vector<256x256xi32> to vector<256x256xf32>
    %get3A = arith.constant 0 : index
    %get3A_2 = arith.constant 0 : index
    %get3A_3 = arith.constant 0 : index
    %get3A_4 = vector.load %arg0[%get3A, %get3A_2, %get3A_3] : memref<2x64x2048xf32, #tpu.memory_space<vmem>>, vector<1x64x2048xf32>
    %get3A_5 = vector.shape_cast %get3A_4 : vector<1x64x2048xf32> to vector<64x2048xf32>
    %get3A_6 = arith.constant 0 : index
    %get3A_7 = arith.constant 0 : index
    %get3A_8 = arith.constant 0 : index
    %get3A_9 = vector.load %arg1[%get3A_6, %get3A_7, %get3A_8] : memref<2x64x2048xf32, #tpu.memory_space<vmem>>, vector<1x64x2048xf32>
    %get3A_10 = vector.shape_cast %get3A_9 : vector<1x64x2048xf32> to vector<64x2048xf32>
    %gt3A = arith.constant 0.000000e+00 : f32
    %gt3A_11 = vector.broadcast %gt3A : f32 to vector<64x2048xf32>
    %gt3A_12 = arith.cmpf ogt, %get3A_10, %gt3A_11 : vector<64x2048xf32>
    %jit3A = arith.constant -1.000000e+09 : f32
    %broadcast_in_dim3A = vector.broadcast %jit3A : f32 to vector<64x2048xf32>
    %select_n3A = arith.select %gt3A_12, %get3A_5, %broadcast_in_dim3A : vector<64x2048xi1>, vector<64x2048xf32>
    %reduce_max3A = arith.constant dense<0xFF800000> : vector<2048xf32>
    %reduce_max3A_13 = vector.multi_reduction <maximumf>, %select_n3A, %reduce_max3A [0] : vector<64x2048xf32> to vector<2048xf32>
    %broadcast_in_dim3A_14 = vector.shape_cast %reduce_max3A_13 : vector<2048xf32> to vector<1x2048xf32>
    %sub3A = vector.broadcast %broadcast_in_dim3A_14 : vector<1x2048xf32> to vector<64x2048xf32>
    %sub3A_15 = arith.subf %select_n3A, %sub3A : vector<64x2048xf32>
    %exp3A = math.exp %sub3A_15 : vector<64x2048xf32>
    %reduce_sum3A = arith.constant dense<0.000000e+00> : vector<2048xf32>
    %reduce_sum3A_16 = vector.multi_reduction <add>, %exp3A, %reduce_sum3A [0] : vector<64x2048xf32> to vector<2048xf32>
    %broadcast_in_dim3A_17 = vector.shape_cast %reduce_sum3A_16 : vector<2048xf32> to vector<1x2048xf32>
    %div3A = vector.broadcast %broadcast_in_dim3A_17 : vector<1x2048xf32> to vector<64x2048xf32>
    %div3A_18 = arith.divf %exp3A, %div3A : vector<64x2048xf32>
    %reduce_max3A_19 = arith.constant dense<0xFF800000> : vector<2048xf32>
    %reduce_max3A_20 = vector.multi_reduction <maximumf>, %div3A_18, %reduce_max3A_19 [0] : vector<64x2048xf32> to vector<2048xf32>
    %broadcast_in_dim3A_21 = vector.shape_cast %reduce_max3A_20 : vector<2048xf32> to vector<1x2048xf32>
    %iota3A_22 = tpu.iota {dimensions = array<i32: 0>} : vector<64x2048xi32>
    %eq3A = vector.broadcast %broadcast_in_dim3A_21 : vector<1x2048xf32> to vector<64x2048xf32>
    %eq3A_23 = arith.cmpf oeq, %div3A_18, %eq3A : vector<64x2048xf32>
    %jit3A_24 = arith.constant 64 : i32
    %broadcast_in_dim3A_25 = vector.broadcast %jit3A_24 : i32 to vector<64x2048xi32>
    %select_n3A_26 = arith.select %eq3A_23, %iota3A_22, %broadcast_in_dim3A_25 : vector<64x2048xi1>, vector<64x2048xi32>
    %reduce_min3A = arith.constant dense<2147483647> : vector<2048xi32>
    %reduce_min3A_27 = vector.multi_reduction <minsi>, %select_n3A_26, %reduce_min3A [0] : vector<64x2048xi32> to vector<2048xi32>
    %broadcast_in_dim3A_28 = vector.shape_cast %reduce_min3A_27 : vector<2048xi32> to vector<1x2048xi32>
    %eq3A_29 = vector.broadcast %broadcast_in_dim3A_28 : vector<1x2048xi32> to vector<64x2048xi32>
    %eq3A_30 = arith.cmpi eq, %iota3A_22, %eq3A_29 : vector<64x2048xi32>
    %convert_element_type3A_31 = arith.extui %eq3A_30 : vector<64x2048xi1> to vector<64x2048xi32>
    %convert_element_type3A_32 = arith.sitofp %convert_element_type3A_31 : vector<64x2048xi32> to vector<64x2048xf32>
    %swap3A = arith.constant 0 : index
    %swap3A_33 = arith.constant 0 : index
    %swap3A_34 = vector.load %arg5[%swap3A, %swap3A_33] : memref<2x2048xi32, #tpu.memory_space<vmem>>, vector<1x2048xi32>
    tpu.vector_store %arg5[%swap3A, %swap3A_33], %broadcast_in_dim3A_28 {strides = array<i32>} : memref<2x2048xi32, #tpu.memory_space<vmem>>, vector<1x2048xi32>,
    %broadcast_in_dim3A_35 = arith.constant 0.000000e+00 : f32
    %broadcast_in_dim3A_36 = vector.broadcast %broadcast_in_dim3A_35 : f32 to vector<64x1xf32>
    %slice3A = vector.extract_strided_slice %convert_element_type3A_32 {offsets = [0, 0], sizes = [64, 256], strides = [1, 1]} : vector<64x2048xf32> to vector<64x256xf32>
    %dot_general3A = arith.constant dense<0.000000e+00> : vector<64x256xf32>
    %dot_general3A_37 = tpu.matmul %slice3A, %convert_element_type3A_1, %dot_general3A {dimension_numbers = #tpu.dot_dimension_numbers<[1], [0], [0], [1], [0, 0, 1, 1], [], []>, transpose_lhs_hint = false} : vector<64x256xf32>, vector<256x256xf32>, vector<64x256xf32> -> vector<64x256xf32>
    %add3A = vector.broadcast %broadcast_in_dim3A_36 : vector<64x1xf32> to vector<64x256xf32>
    %add3A_38 = arith.addf %dot_general3A_37, %add3A : vector<64x256xf32>
    %reduce_sum3A_39 = arith.constant dense<0.000000e+00> : vector<64xf32>
    %reduce_sum3A_40 = vector.multi_reduction <add>, %slice3A, %reduce_sum3A_39 [1] : vector<64x256xf32> to vector<64xf32>
    %broadcast_in_dim3A_41 = vector.shape_cast %reduce_sum3A_40 : vector<64xf32> to vector<64x1xf32>
    %add3A_42 = arith.addf %broadcast_in_dim3A_36, %broadcast_in_dim3A_41 : vector<64x1xf32>
    %mul3A = arith.mulf %add3A_38, %slice3A : vector<64x256xf32>
    %reduce_sum3A_43 = arith.constant dense<0.000000e+00> : vector<256xf32>
    %reduce_sum3A_44 = vector.multi_reduction <add>, %mul3A, %reduce_sum3A_43 [0] : vector<64x256xf32> to vector<256xf32>
    %broadcast_in_dim3A_45 = vector.shape_cast %reduce_sum3A_44 : vector<256xf32> to vector<1x256xf32>
    %convert_element_type3A_46 = arith.fptosi %broadcast_in_dim3A_45 : vector<1x256xf32> to vector<1x256xi32>
    %sub3A_47 = arith.constant 1 : i32
    %sub3A_48 = vector.broadcast %sub3A_47 : i32 to vector<1x256xi32>
    %sub3A_49 = arith.subi %convert_element_type3A_46, %sub3A_48 : vector<1x256xi32>
    %lt3A = arith.constant 64 : i32
    %lt3A_50 = vector.broadcast %lt3A : i32 to vector<1x256xi32>
    %lt3A_51 = arith.cmpi slt, %sub3A_49, %lt3A_50 : vector<1x256xi32>
    %min3A = arith.constant 63 : i32
    %min3A_52 = vector.broadcast %min3A : i32 to vector<1x256xi32>
    %min3A_53 = arith.minsi %sub3A_49, %min3A_52 : vector<1x256xi32>
    %slice3A_54 = vector.extract_strided_slice %broadcast_in_dim3A_28 {offsets = [0, 0], sizes = [1, 256], strides = [1, 1]} : vector<1x2048xi32> to vector<1x256xi32>
    %mul3A_55 = arith.constant 64 : i32
    %mul3A_56 = vector.broadcast %mul3A_55 : i32 to vector<1x256xi32>
    %mul3A_57 = arith.muli %slice3A_54, %mul3A_56 : vector<1x256xi32>
    %add3A_58 = arith.addi %mul3A_57, %min3A_53 : vector<1x256xi32>
    %jit3A_59 = arith.constant 4096 : i32
    %broadcast_in_dim3A_60 = vector.broadcast %jit3A_59 : i32 to vector<1x256xi32>
    %select_n3A_61 = arith.select %lt3A_51, %add3A_58, %broadcast_in_dim3A_60 : vector<1x256xi1>, vector<1x256xi32>
    %swap3A_62 = arith.constant 0 : index
    %swap3A_63 = arith.constant 0 : index
    %swap3A_64 = vector.load %arg2[%swap3A_62, %swap3A_63] : memref<2x2048xi32, #tpu.memory_space<vmem>>, vector<1x256xi32>
    tpu.vector_store %arg2[%swap3A_62, %swap3A_63], %select_n3A_61 {strides = array<i32>} : memref<2x2048xi32, #tpu.memory_space<vmem>>, vector<1x256xi32>,
    %jit3A_65 = arith.constant 0 : i32
    %broadcast_in_dim3A_66 = vector.broadcast %jit3A_65 : i32 to vector<1x256xi32>
    %select_n3A_67 = arith.select %lt3A_51, %add3A_58, %broadcast_in_dim3A_66 : vector<1x256xi1>, vector<1x256xi32>
    %swap3A_68 = arith.constant 0 : index
    %swap3A_69 = arith.constant 0 : index
    %swap3A_70 = vector.load %arg3[%swap3A_68, %swap3A_69] : memref<2x2048xi32, #tpu.memory_space<vmem>>, vector<1x256xi32>
    tpu.vector_store %arg3[%swap3A_68, %swap3A_69], %select_n3A_67 {strides = array<i32>} : memref<2x2048xi32, #tpu.memory_space<vmem>>, vector<1x256xi32>,
    %slice3A_71 = vector.extract_strided_slice %broadcast_in_dim3A_21 {offsets = [0, 0], sizes = [1, 256], strides = [1, 1]} : vector<1x2048xf32> to vector<1x256xf32>
    %convert_element_type3A_72 = arith.extui %lt3A_51 : vector<1x256xi1> to vector<1x256xi32>
    %convert_element_type3A_73 = arith.sitofp %convert_element_type3A_72 : vector<1x256xi32> to vector<1x256xf32>
    %mul3A_74 = arith.mulf %slice3A_71, %convert_element_type3A_73 : vector<1x256xf32>
    %swap3A_75 = arith.constant 0 : index
    %swap3A_76 = arith.constant 0 : index
    %swap3A_77 = vector.load %arg4[%swap3A_75, %swap3A_76] : memref<2x2048xf32, #tpu.memory_space<vmem>>, vector<1x256xf32>
    tpu.vector_store %arg4[%swap3A_75, %swap3A_76], %mul3A_74 {strides = array<i32>} : memref<2x2048xf32, #tpu.memory_space<vmem>>, vector<1x256xf32>,
    %slice3A_78 = vector.extract_strided_slice %convert_element_type3A_32 {offsets = [0, 256], sizes = [64, 256], strides = [1, 1]} : vector<64x2048xf32> to vector<64x256xf32>
    %dot_general3A_79 = arith.constant dense<0.000000e+00> : vector<64x256xf32>
    %dot_general3A_80 = tpu.matmul %slice3A_78, %convert_element_type3A_1, %dot_general3A_79 {dimension_numbers = #tpu.dot_dimension_numbers<[1], [0], [0], [1], [0, 0, 1, 1], [], []>, transpose_lhs_hint = false} : vector<64x256xf32>, vector<256x256xf32>, vector<64x256xf32> -> vector<64x256xf32>
    %add3A_81 = vector.broadcast %add3A_42 : vector<64x1xf32> to vector<64x256xf32>
    %add3A_82 = arith.addf %dot_general3A_80, %add3A_81 : vector<64x256xf32>
    %reduce_sum3A_83 = arith.constant dense<0.000000e+00> : vector<64xf32>
    %reduce_sum3A_84 = vector.multi_reduction <add>, %slice3A_78, %reduce_sum3A_83 [1] : vector<64x256xf32> to vector<64xf32>
    %broadcast_in_dim3A_85 = vector.shape_cast %reduce_sum3A_84 : vector<64xf32> to vector<64x1xf32>
    %add3A_86 = arith.addf %add3A_42, %broadcast_in_dim3A_85 : vector<64x1xf32>
    %mul3A_87 = arith.mulf %add3A_82, %slice3A_78 : vector<64x256xf32>
    %reduce_sum3A_88 = arith.constant dense<0.000000e+00> : vector<256xf32>
    %reduce_sum3A_89 = vector.multi_reduction <add>, %mul3A_87, %reduce_sum3A_88 [0] : vector<64x256xf32> to vector<256xf32>
    %broadcast_in_dim3A_90 = vector.shape_cast %reduce_sum3A_89 : vector<256xf32> to vector<1x256xf32>
    %convert_element_type3A_91 = arith.fptosi %broadcast_in_dim3A_90 : vector<1x256xf32> to vector<1x256xi32>
    %sub3A_92 = arith.constant 1 : i32
    %sub3A_93 = vector.broadcast %sub3A_92 : i32 to vector<1x256xi32>
    %sub3A_94 = arith.subi %convert_element_type3A_91, %sub3A_93 : vector<1x256xi32>
    %lt3A_95 = arith.constant 64 : i32
    %lt3A_96 = vector.broadcast %lt3A_95 : i32 to vector<1x256xi32>
    %lt3A_97 = arith.cmpi slt, %sub3A_94, %lt3A_96 : vector<1x256xi32>
    %min3A_98 = arith.constant 63 : i32
    %min3A_99 = vector.broadcast %min3A_98 : i32 to vector<1x256xi32>
    %min3A_100 = arith.minsi %sub3A_94, %min3A_99 : vector<1x256xi32>
    %slice3A_101 = vector.extract_strided_slice %broadcast_in_dim3A_28 {offsets = [0, 256], sizes = [1, 256], strides = [1, 1]} : vector<1x2048xi32> to vector<1x256xi32>
    %mul3A_102 = arith.constant 64 : i32
    %mul3A_103 = vector.broadcast %mul3A_102 : i32 to vector<1x256xi32>
    %mul3A_104 = arith.muli %slice3A_101, %mul3A_103 : vector<1x256xi32>
    %add3A_105 = arith.addi %mul3A_104, %min3A_100 : vector<1x256xi32>
    %jit3A_106 = arith.constant 4096 : i32
    %broadcast_in_dim3A_107 = vector.broadcast %jit3A_106 : i32 to vector<1x256xi32>
    %select_n3A_108 = arith.select %lt3A_97, %add3A_105, %broadcast_in_dim3A_107 : vector<1x256xi1>, vector<1x256xi32>
    %swap3A_109 = arith.constant 0 : index
    %swap3A_110 = arith.constant 256 : index
    %swap3A_111 = vector.load %arg2[%swap3A_109, %swap3A_110] : memref<2x2048xi32, #tpu.memory_space<vmem>>, vector<1x256xi32>
    tpu.vector_store %arg2[%swap3A_109, %swap3A_110], %select_n3A_108 {strides = array<i32>} : memref<2x2048xi32, #tpu.memory_space<vmem>>, vector<1x256xi32>,
    %jit3A_112 = arith.constant 0 : i32
    %broadcast_in_dim3A_113 = vector.broadcast %jit3A_112 : i32 to vector<1x256xi32>
    %select_n3A_114 = arith.select %lt3A_97, %add3A_105, %broadcast_in_dim3A_113 : vector<1x256xi1>, vector<1x256xi32>
    %swap3A_115 = arith.constant 0 : index
    %swap3A_116 = arith.constant 256 : index
    %swap3A_117 = vector.load %arg3[%swap3A_115, %swap3A_116] : memref<2x2048xi32, #tpu.memory_space<vmem>>, vector<1x256xi32>
    tpu.vector_store %arg3[%swap3A_115, %swap3A_116], %select_n3A_114 {strides = array<i32>} : memref<2x2048xi32, #tpu.memory_space<vmem>>, vector<1x256xi32>,
    %slice3A_118 = vector.extract_strided_slice %broadcast_in_dim3A_21 {offsets = [0, 256], sizes = [1, 256], strides = [1, 1]} : vector<1x2048xf32> to vector<1x256xf32>
    %convert_element_type3A_119 = arith.extui %lt3A_97 : vector<1x256xi1> to vector<1x256xi32>
    %convert_element_type3A_120 = arith.sitofp %convert_element_type3A_119 : vector<1x256xi32> to vector<1x256xf32>
    %mul3A_121 = arith.mulf %slice3A_118, %convert_element_type3A_120 : vector<1x256xf32>
    %swap3A_122 = arith.constant 0 : index
    %swap3A_123 = arith.constant 256 : index
    %swap3A_124 = vector.load %arg4[%swap3A_122, %swap3A_123] : memref<2x2048xf32, #tpu.memory_space<vmem>>, vector<1x256xf32>
    tpu.vector_store %arg4[%swap3A_122, %swap3A_123], %mul3A_121 {strides = array<i32>} : memref<2x2048xf32, #tpu.memory_space<vmem>>, vector<1x256xf32>,
    %slice3A_125 = vector.extract_strided_slice %convert_element_type3A_32 {offsets = [0, 512], sizes = [64, 256], strides = [1, 1]} : vector<64x2048xf32> to vector<64x256xf32>
    %dot_general3A_126 = arith.constant dense<0.000000e+00> : vector<64x256xf32>
    %dot_general3A_127 = tpu.matmul %slice3A_125, %convert_element_type3A_1, %dot_general3A_126 {dimension_numbers = #tpu.dot_dimension_numbers<[1], [0], [0], [1], [0, 0, 1, 1], [], []>, transpose_lhs_hint = false} : vector<64x256xf32>, vector<256x256xf32>, vector<64x256xf32> -> vector<64x256xf32>
    %add3A_128 = vector.broadcast %add3A_86 : vector<64x1xf32> to vector<64x256xf32>
    %add3A_129 = arith.addf %dot_general3A_127, %add3A_128 : vector<64x256xf32>
    %reduce_sum3A_130 = arith.constant dense<0.000000e+00> : vector<64xf32>
    %reduce_sum3A_131 = vector.multi_reduction <add>, %slice3A_125, %reduce_sum3A_130 [1] : vector<64x256xf32> to vector<64xf32>
    %broadcast_in_dim3A_132 = vector.shape_cast %reduce_sum3A_131 : vector<64xf32> to vector<64x1xf32>
    %add3A_133 = arith.addf %add3A_86, %broadcast_in_dim3A_132 : vector<64x1xf32>
    %mul3A_134 = arith.mulf %add3A_129, %slice3A_125 : vector<64x256xf32>
    %reduce_sum3A_135 = arith.constant dense<0.000000e+00> : vector<256xf32>
    %reduce_sum3A_136 = vector.multi_reduction <add>, %mul3A_134, %reduce_sum3A_135 [0] : vector<64x256xf32> to vector<256xf32>
    %broadcast_in_dim3A_137 = vector.shape_cast %reduce_sum3A_136 : vector<256xf32> to vector<1x256xf32>
    %convert_element_type3A_138 = arith.fptosi %broadcast_in_dim3A_137 : vector<1x256xf32> to vector<1x256xi32>
    %sub3A_139 = arith.constant 1 : i32
    %sub3A_140 = vector.broadcast %sub3A_139 : i32 to vector<1x256xi32>
    %sub3A_141 = arith.subi %convert_element_type3A_138, %sub3A_140 : vector<1x256xi32>
    %lt3A_142 = arith.constant 64 : i32
    %lt3A_143 = vector.broadcast %lt3A_142 : i32 to vector<1x256xi32>
    %lt3A_144 = arith.cmpi slt, %sub3A_141, %lt3A_143 : vector<1x256xi32>
    %min3A_145 = arith.constant 63 : i32
    %min3A_146 = vector.broadcast %min3A_145 : i32 to vector<1x256xi32>
    %min3A_147 = arith.minsi %sub3A_141, %min3A_146 : vector<1x256xi32>
    %slice3A_148 = vector.extract_strided_slice %broadcast_in_dim3A_28 {offsets = [0, 512], sizes = [1, 256], strides = [1, 1]} : vector<1x2048xi32> to vector<1x256xi32>
    %mul3A_149 = arith.constant 64 : i32
    %mul3A_150 = vector.broadcast %mul3A_149 : i32 to vector<1x256xi32>
    %mul3A_151 = arith.muli %slice3A_148, %mul3A_150 : vector<1x256xi32>
    %add3A_152 = arith.addi %mul3A_151, %min3A_147 : vector<1x256xi32>
    %jit3A_153 = arith.constant 4096 : i32
    %broadcast_in_dim3A_154 = vector.broadcast %jit3A_153 : i32 to vector<1x256xi32>
    %select_n3A_155 = arith.select %lt3A_144, %add3A_152, %broadcast_in_dim3A_154 : vector<1x256xi1>, vector<1x256xi32>
    %swap3A_156 = arith.constant 0 : index
    %swap3A_157 = arith.constant 512 : index
    %swap3A_158 = vector.load %arg2[%swap3A_156, %swap3A_157] : memref<2x2048xi32, #tpu.memory_space<vmem>>, vector<1x256xi32>
    tpu.vector_store %arg2[%swap3A_156, %swap3A_157], %select_n3A_155 {strides = array<i32>} : memref<2x2048xi32, #tpu.memory_space<vmem>>, vector<1x256xi32>,
    %jit3A_159 = arith.constant 0 : i32
    %broadcast_in_dim3A_160 = vector.broadcast %jit3A_159 : i32 to vector<1x256xi32>
    %select_n3A_161 = arith.select %lt3A_144, %add3A_152, %broadcast_in_dim3A_160 : vector<1x256xi1>, vector<1x256xi32>
    %swap3A_162 = arith.constant 0 : index
    %swap3A_163 = arith.constant 512 : index
    %swap3A_164 = vector.load %arg3[%swap3A_162, %swap3A_163] : memref<2x2048xi32, #tpu.memory_space<vmem>>, vector<1x256xi32>
    tpu.vector_store %arg3[%swap3A_162, %swap3A_163], %select_n3A_161 {strides = array<i32>} : memref<2x2048xi32, #tpu.memory_space<vmem>>, vector<1x256xi32>,
    %slice3A_165 = vector.extract_strided_slice %broadcast_in_dim3A_21 {offsets = [0, 512], sizes = [1, 256], strides = [1, 1]} : vector<1x2048xf32> to vector<1x256xf32>
    %convert_element_type3A_166 = arith.extui %lt3A_144 : vector<1x256xi1> to vector<1x256xi32>
    %convert_element_type3A_167 = arith.sitofp %convert_element_type3A_166 : vector<1x256xi32> to vector<1x256xf32>
    %mul3A_168 = arith.mulf %slice3A_165, %convert_element_type3A_167 : vector<1x256xf32>
    %swap3A_169 = arith.constant 0 : index
    %swap3A_170 = arith.constant 512 : index
    %swap3A_171 = vector.load %arg4[%swap3A_169, %swap3A_170] : memref<2x2048xf32, #tpu.memory_space<vmem>>, vector<1x256xf32>
    tpu.vector_store %arg4[%swap3A_169, %swap3A_170], %mul3A_168 {strides = array<i32>} : memref<2x2048xf32, #tpu.memory_space<vmem>>, vector<1x256xf32>,
    %slice3A_172 = vector.extract_strided_slice %convert_element_type3A_32 {offsets = [0, 768], sizes = [64, 256], strides = [1, 1]} : vector<64x2048xf32> to vector<64x256xf32>
    %dot_general3A_173 = arith.constant dense<0.000000e+00> : vector<64x256xf32>
    %dot_general3A_174 = tpu.matmul %slice3A_172, %convert_element_type3A_1, %dot_general3A_173 {dimension_numbers = #tpu.dot_dimension_numbers<[1], [0], [0], [1], [0, 0, 1, 1], [], []>, transpose_lhs_hint = false} : vector<64x256xf32>, vector<256x256xf32>, vector<64x256xf32> -> vector<64x256xf32>
    %add3A_175 = vector.broadcast %add3A_133 : vector<64x1xf32> to vector<64x256xf32>
    %add3A_176 = arith.addf %dot_general3A_174, %add3A_175 : vector<64x256xf32>
    %reduce_sum3A_177 = arith.constant dense<0.000000e+00> : vector<64xf32>
    %reduce_sum3A_178 = vector.multi_reduction <add>, %slice3A_172, %reduce_sum3A_177 [1] : vector<64x256xf32> to vector<64xf32>
    %broadcast_in_dim3A_179 = vector.shape_cast %reduce_sum3A_178 : vector<64xf32> to vector<64x1xf32>
    %add3A_180 = arith.addf %add3A_133, %broadcast_in_dim3A_179 : vector<64x1xf32>
    %mul3A_181 = arith.mulf %add3A_176, %slice3A_172 : vector<64x256xf32>
    %reduce_sum3A_182 = arith.constant dense<0.000000e+00> : vector<256xf32>
    %reduce_sum3A_183 = vector.multi_reduction <add>, %mul3A_181, %reduce_sum3A_182 [0] : vector<64x256xf32> to vector<256xf32>
    %broadcast_in_dim3A_184 = vector.shape_cast %reduce_sum3A_183 : vector<256xf32> to vector<1x256xf32>
    %convert_element_type3A_185 = arith.fptosi %broadcast_in_dim3A_184 : vector<1x256xf32> to vector<1x256xi32>
    %sub3A_186 = arith.constant 1 : i32
    %sub3A_187 = vector.broadcast %sub3A_186 : i32 to vector<1x256xi32>
    %sub3A_188 = arith.subi %convert_element_type3A_185, %sub3A_187 : vector<1x256xi32>
    %lt3A_189 = arith.constant 64 : i32
    %lt3A_190 = vector.broadcast %lt3A_189 : i32 to vector<1x256xi32>
    %lt3A_191 = arith.cmpi slt, %sub3A_188, %lt3A_190 : vector<1x256xi32>
    %min3A_192 = arith.constant 63 : i32
    %min3A_193 = vector.broadcast %min3A_192 : i32 to vector<1x256xi32>
    %min3A_194 = arith.minsi %sub3A_188, %min3A_193 : vector<1x256xi32>
    %slice3A_195 = vector.extract_strided_slice %broadcast_in_dim3A_28 {offsets = [0, 768], sizes = [1, 256], strides = [1, 1]} : vector<1x2048xi32> to vector<1x256xi32>
    %mul3A_196 = arith.constant 64 : i32
    %mul3A_197 = vector.broadcast %mul3A_196 : i32 to vector<1x256xi32>
    %mul3A_198 = arith.muli %slice3A_195, %mul3A_197 : vector<1x256xi32>
    %add3A_199 = arith.addi %mul3A_198, %min3A_194 : vector<1x256xi32>
    %jit3A_200 = arith.constant 4096 : i32
    %broadcast_in_dim3A_201 = vector.broadcast %jit3A_200 : i32 to vector<1x256xi32>
    %select_n3A_202 = arith.select %lt3A_191, %add3A_199, %broadcast_in_dim3A_201 : vector<1x256xi1>, vector<1x256xi32>
    %swap3A_203 = arith.constant 0 : index
    %swap3A_204 = arith.constant 768 : index
    %swap3A_205 = vector.load %arg2[%swap3A_203, %swap3A_204] : memref<2x2048xi32, #tpu.memory_space<vmem>>, vector<1x256xi32>
    tpu.vector_store %arg2[%swap3A_203, %swap3A_204], %select_n3A_202 {strides = array<i32>} : memref<2x2048xi32, #tpu.memory_space<vmem>>, vector<1x256xi32>,
    %jit3A_206 = arith.constant 0 : i32
    %broadcast_in_dim3A_207 = vector.broadcast %jit3A_206 : i32 to vector<1x256xi32>
    %select_n3A_208 = arith.select %lt3A_191, %add3A_199, %broadcast_in_dim3A_207 : vector<1x256xi1>, vector<1x256xi32>
    %swap3A_209 = arith.constant 0 : index
    %swap3A_210 = arith.constant 768 : index
    %swap3A_211 = vector.load %arg3[%swap3A_209, %swap3A_210] : memref<2x2048xi32, #tpu.memory_space<vmem>>, vector<1x256xi32>
    tpu.vector_store %arg3[%swap3A_209, %swap3A_210], %select_n3A_208 {strides = array<i32>} : memref<2x2048xi32, #tpu.memory_space<vmem>>, vector<1x256xi32>,
    %slice3A_212 = vector.extract_strided_slice %broadcast_in_dim3A_21 {offsets = [0, 768], sizes = [1, 256], strides = [1, 1]} : vector<1x2048xf32> to vector<1x256xf32>
    %convert_element_type3A_213 = arith.extui %lt3A_191 : vector<1x256xi1> to vector<1x256xi32>
    %convert_element_type3A_214 = arith.sitofp %convert_element_type3A_213 : vector<1x256xi32> to vector<1x256xf32>
    %mul3A_215 = arith.mulf %slice3A_212, %convert_element_type3A_214 : vector<1x256xf32>
    %swap3A_216 = arith.constant 0 : index
    %swap3A_217 = arith.constant 768 : index
    %swap3A_218 = vector.load %arg4[%swap3A_216, %swap3A_217] : memref<2x2048xf32, #tpu.memory_space<vmem>>, vector<1x256xf32>
    tpu.vector_store %arg4[%swap3A_216, %swap3A_217], %mul3A_215 {strides = array<i32>} : memref<2x2048xf32, #tpu.memory_space<vmem>>, vector<1x256xf32>,
    %slice3A_219 = vector.extract_strided_slice %convert_element_type3A_32 {offsets = [0, 1024], sizes = [64, 256], strides = [1, 1]} : vector<64x2048xf32> to vector<64x256xf32>
    %dot_general3A_220 = arith.constant dense<0.000000e+00> : vector<64x256xf32>
    %dot_general3A_221 = tpu.matmul %slice3A_219, %convert_element_type3A_1, %dot_general3A_220 {dimension_numbers = #tpu.dot_dimension_numbers<[1], [0], [0], [1], [0, 0, 1, 1], [], []>, transpose_lhs_hint = false} : vector<64x256xf32>, vector<256x256xf32>, vector<64x256xf32> -> vector<64x256xf32>
    %add3A_222 = vector.broadcast %add3A_180 : vector<64x1xf32> to vector<64x256xf32>
    %add3A_223 = arith.addf %dot_general3A_221, %add3A_222 : vector<64x256xf32>
    %reduce_sum3A_224 = arith.constant dense<0.000000e+00> : vector<64xf32>
    %reduce_sum3A_225 = vector.multi_reduction <add>, %slice3A_219, %reduce_sum3A_224 [1] : vector<64x256xf32> to vector<64xf32>
    %broadcast_in_dim3A_226 = vector.shape_cast %reduce_sum3A_225 : vector<64xf32> to vector<64x1xf32>
    %add3A_227 = arith.addf %add3A_180, %broadcast_in_dim3A_226 : vector<64x1xf32>
    %mul3A_228 = arith.mulf %add3A_223, %slice3A_219 : vector<64x256xf32>
    %reduce_sum3A_229 = arith.constant dense<0.000000e+00> : vector<256xf32>
    %reduce_sum3A_230 = vector.multi_reduction <add>, %mul3A_228, %reduce_sum3A_229 [0] : vector<64x256xf32> to vector<256xf32>
    %broadcast_in_dim3A_231 = vector.shape_cast %reduce_sum3A_230 : vector<256xf32> to vector<1x256xf32>
    %convert_element_type3A_232 = arith.fptosi %broadcast_in_dim3A_231 : vector<1x256xf32> to vector<1x256xi32>
    %sub3A_233 = arith.constant 1 : i32
    %sub3A_234 = vector.broadcast %sub3A_233 : i32 to vector<1x256xi32>
    %sub3A_235 = arith.subi %convert_element_type3A_232, %sub3A_234 : vector<1x256xi32>
    %lt3A_236 = arith.constant 64 : i32
    %lt3A_237 = vector.broadcast %lt3A_236 : i32 to vector<1x256xi32>
    %lt3A_238 = arith.cmpi slt, %sub3A_235, %lt3A_237 : vector<1x256xi32>
    %min3A_239 = arith.constant 63 : i32
    %min3A_240 = vector.broadcast %min3A_239 : i32 to vector<1x256xi32>
    %min3A_241 = arith.minsi %sub3A_235, %min3A_240 : vector<1x256xi32>
    %slice3A_242 = vector.extract_strided_slice %broadcast_in_dim3A_28 {offsets = [0, 1024], sizes = [1, 256], strides = [1, 1]} : vector<1x2048xi32> to vector<1x256xi32>
    %mul3A_243 = arith.constant 64 : i32
    %mul3A_244 = vector.broadcast %mul3A_243 : i32 to vector<1x256xi32>
    %mul3A_245 = arith.muli %slice3A_242, %mul3A_244 : vector<1x256xi32>
    %add3A_246 = arith.addi %mul3A_245, %min3A_241 : vector<1x256xi32>
    %jit3A_247 = arith.constant 4096 : i32
    %broadcast_in_dim3A_248 = vector.broadcast %jit3A_247 : i32 to vector<1x256xi32>
    %select_n3A_249 = arith.select %lt3A_238, %add3A_246, %broadcast_in_dim3A_248 : vector<1x256xi1>, vector<1x256xi32>
    %swap3A_250 = arith.constant 0 : index
    %swap3A_251 = arith.constant 1024 : index
    %swap3A_252 = vector.load %arg2[%swap3A_250, %swap3A_251] : memref<2x2048xi32, #tpu.memory_space<vmem>>, vector<1x256xi32>
    tpu.vector_store %arg2[%swap3A_250, %swap3A_251], %select_n3A_249 {strides = array<i32>} : memref<2x2048xi32, #tpu.memory_space<vmem>>, vector<1x256xi32>,
    %jit3A_253 = arith.constant 0 : i32
    %broadcast_in_dim3A_254 = vector.broadcast %jit3A_253 : i32 to vector<1x256xi32>
    %select_n3A_255 = arith.select %lt3A_238, %add3A_246, %broadcast_in_dim3A_254 : vector<1x256xi1>, vector<1x256xi32>
    %swap3A_256 = arith.constant 0 : index
    %swap3A_257 = arith.constant 1024 : index
    %swap3A_258 = vector.load %arg3[%swap3A_256, %swap3A_257] : memref<2x2048xi32, #tpu.memory_space<vmem>>, vector<1x256xi32>
    tpu.vector_store %arg3[%swap3A_256, %swap3A_257], %select_n3A_255 {strides = array<i32>} : memref<2x2048xi32, #tpu.memory_space<vmem>>, vector<1x256xi32>,
    %slice3A_259 = vector.extract_strided_slice %broadcast_in_dim3A_21 {offsets = [0, 1024], sizes = [1, 256], strides = [1, 1]} : vector<1x2048xf32> to vector<1x256xf32>
    %convert_element_type3A_260 = arith.extui %lt3A_238 : vector<1x256xi1> to vector<1x256xi32>
    %convert_element_type3A_261 = arith.sitofp %convert_element_type3A_260 : vector<1x256xi32> to vector<1x256xf32>
    %mul3A_262 = arith.mulf %slice3A_259, %convert_element_type3A_261 : vector<1x256xf32>
    %swap3A_263 = arith.constant 0 : index
    %swap3A_264 = arith.constant 1024 : index
    %swap3A_265 = vector.load %arg4[%swap3A_263, %swap3A_264] : memref<2x2048xf32, #tpu.memory_space<vmem>>, vector<1x256xf32>
    tpu.vector_store %arg4[%swap3A_263, %swap3A_264], %mul3A_262 {strides = array<i32>} : memref<2x2048xf32, #tpu.memory_space<vmem>>, vector<1x256xf32>,
    %slice3A_266 = vector.extract_strided_slice %convert_element_type3A_32 {offsets = [0, 1280], sizes = [64, 256], strides = [1, 1]} : vector<64x2048xf32> to vector<64x256xf32>
    %dot_general3A_267 = arith.constant dense<0.000000e+00> : vector<64x256xf32>
    %dot_general3A_268 = tpu.matmul %slice3A_266, %convert_element_type3A_1, %dot_general3A_267 {dimension_numbers = #tpu.dot_dimension_numbers<[1], [0], [0], [1], [0, 0, 1, 1], [], []>, transpose_lhs_hint = false} : vector<64x256xf32>, vector<256x256xf32>, vector<64x256xf32> -> vector<64x256xf32>
    %add3A_269 = vector.broadcast %add3A_227 : vector<64x1xf32> to vector<64x256xf32>
    %add3A_270 = arith.addf %dot_general3A_268, %add3A_269 : vector<64x256xf32>
    %reduce_sum3A_271 = arith.constant dense<0.000000e+00> : vector<64xf32>
    %reduce_sum3A_272 = vector.multi_reduction <add>, %slice3A_266, %reduce_sum3A_271 [1] : vector<64x256xf32> to vector<64xf32>
    %broadcast_in_dim3A_273 = vector.shape_cast %reduce_sum3A_272 : vector<64xf32> to vector<64x1xf32>
    %add3A_274 = arith.addf %add3A_227, %broadcast_in_dim3A_273 : vector<64x1xf32>
    %mul3A_275 = arith.mulf %add3A_270, %slice3A_266 : vector<64x256xf32>
    %reduce_sum3A_276 = arith.constant dense<0.000000e+00> : vector<256xf32>
    %reduce_sum3A_277 = vector.multi_reduction <add>, %mul3A_275, %reduce_sum3A_276 [0] : vector<64x256xf32> to vector<256xf32>
    %broadcast_in_dim3A_278 = vector.shape_cast %reduce_sum3A_277 : vector<256xf32> to vector<1x256xf32>
    %convert_element_type3A_279 = arith.fptosi %broadcast_in_dim3A_278 : vector<1x256xf32> to vector<1x256xi32>
    %sub3A_280 = arith.constant 1 : i32
    %sub3A_281 = vector.broadcast %sub3A_280 : i32 to vector<1x256xi32>
    %sub3A_282 = arith.subi %convert_element_type3A_279, %sub3A_281 : vector<1x256xi32>
    %lt3A_283 = arith.constant 64 : i32
    %lt3A_284 = vector.broadcast %lt3A_283 : i32 to vector<1x256xi32>
    %lt3A_285 = arith.cmpi slt, %sub3A_282, %lt3A_284 : vector<1x256xi32>
    %min3A_286 = arith.constant 63 : i32
    %min3A_287 = vector.broadcast %min3A_286 : i32 to vector<1x256xi32>
    %min3A_288 = arith.minsi %sub3A_282, %min3A_287 : vector<1x256xi32>
    %slice3A_289 = vector.extract_strided_slice %broadcast_in_dim3A_28 {offsets = [0, 1280], sizes = [1, 256], strides = [1, 1]} : vector<1x2048xi32> to vector<1x256xi32>
    %mul3A_290 = arith.constant 64 : i32
    %mul3A_291 = vector.broadcast %mul3A_290 : i32 to vector<1x256xi32>
    %mul3A_292 = arith.muli %slice3A_289, %mul3A_291 : vector<1x256xi32>
    %add3A_293 = arith.addi %mul3A_292, %min3A_288 : vector<1x256xi32>
    %jit3A_294 = arith.constant 4096 : i32
    %broadcast_in_dim3A_295 = vector.broadcast %jit3A_294 : i32 to vector<1x256xi32>
    %select_n3A_296 = arith.select %lt3A_285, %add3A_293, %broadcast_in_dim3A_295 : vector<1x256xi1>, vector<1x256xi32>
    %swap3A_297 = arith.constant 0 : index
    %swap3A_298 = arith.constant 1280 : index
    %swap3A_299 = vector.load %arg2[%swap3A_297, %swap3A_298] : memref<2x2048xi32, #tpu.memory_space<vmem>>, vector<1x256xi32>
    tpu.vector_store %arg2[%swap3A_297, %swap3A_298], %select_n3A_296 {strides = array<i32>} : memref<2x2048xi32, #tpu.memory_space<vmem>>, vector<1x256xi32>,
    %jit3A_300 = arith.constant 0 : i32
    %broadcast_in_dim3A_301 = vector.broadcast %jit3A_300 : i32 to vector<1x256xi32>
    %select_n3A_302 = arith.select %lt3A_285, %add3A_293, %broadcast_in_dim3A_301 : vector<1x256xi1>, vector<1x256xi32>
    %swap3A_303 = arith.constant 0 : index
    %swap3A_304 = arith.constant 1280 : index
    %swap3A_305 = vector.load %arg3[%swap3A_303, %swap3A_304] : memref<2x2048xi32, #tpu.memory_space<vmem>>, vector<1x256xi32>
    tpu.vector_store %arg3[%swap3A_303, %swap3A_304], %select_n3A_302 {strides = array<i32>} : memref<2x2048xi32, #tpu.memory_space<vmem>>, vector<1x256xi32>,
    %slice3A_306 = vector.extract_strided_slice %broadcast_in_dim3A_21 {offsets = [0, 1280], sizes = [1, 256], strides = [1, 1]} : vector<1x2048xf32> to vector<1x256xf32>
    %convert_element_type3A_307 = arith.extui %lt3A_285 : vector<1x256xi1> to vector<1x256xi32>
    %convert_element_type3A_308 = arith.sitofp %convert_element_type3A_307 : vector<1x256xi32> to vector<1x256xf32>
    %mul3A_309 = arith.mulf %slice3A_306, %convert_element_type3A_308 : vector<1x256xf32>
    %swap3A_310 = arith.constant 0 : index
    %swap3A_311 = arith.constant 1280 : index
    %swap3A_312 = vector.load %arg4[%swap3A_310, %swap3A_311] : memref<2x2048xf32, #tpu.memory_space<vmem>>, vector<1x256xf32>
    tpu.vector_store %arg4[%swap3A_310, %swap3A_311], %mul3A_309 {strides = array<i32>} : memref<2x2048xf32, #tpu.memory_space<vmem>>, vector<1x256xf32>,
    %slice3A_313 = vector.extract_strided_slice %convert_element_type3A_32 {offsets = [0, 1536], sizes = [64, 256], strides = [1, 1]} : vector<64x2048xf32> to vector<64x256xf32>
    %dot_general3A_314 = arith.constant dense<0.000000e+00> : vector<64x256xf32>
    %dot_general3A_315 = tpu.matmul %slice3A_313, %convert_element_type3A_1, %dot_general3A_314 {dimension_numbers = #tpu.dot_dimension_numbers<[1], [0], [0], [1], [0, 0, 1, 1], [], []>, transpose_lhs_hint = false} : vector<64x256xf32>, vector<256x256xf32>, vector<64x256xf32> -> vector<64x256xf32>
    %add3A_316 = vector.broadcast %add3A_274 : vector<64x1xf32> to vector<64x256xf32>
    %add3A_317 = arith.addf %dot_general3A_315, %add3A_316 : vector<64x256xf32>
    %reduce_sum3A_318 = arith.constant dense<0.000000e+00> : vector<64xf32>
    %reduce_sum3A_319 = vector.multi_reduction <add>, %slice3A_313, %reduce_sum3A_318 [1] : vector<64x256xf32> to vector<64xf32>
    %broadcast_in_dim3A_320 = vector.shape_cast %reduce_sum3A_319 : vector<64xf32> to vector<64x1xf32>
    %add3A_321 = arith.addf %add3A_274, %broadcast_in_dim3A_320 : vector<64x1xf32>
    %mul3A_322 = arith.mulf %add3A_317, %slice3A_313 : vector<64x256xf32>
    %reduce_sum3A_323 = arith.constant dense<0.000000e+00> : vector<256xf32>
    %reduce_sum3A_324 = vector.multi_reduction <add>, %mul3A_322, %reduce_sum3A_323 [0] : vector<64x256xf32> to vector<256xf32>
    %broadcast_in_dim3A_325 = vector.shape_cast %reduce_sum3A_324 : vector<256xf32> to vector<1x256xf32>
    %convert_element_type3A_326 = arith.fptosi %broadcast_in_dim3A_325 : vector<1x256xf32> to vector<1x256xi32>
    %sub3A_327 = arith.constant 1 : i32
    %sub3A_328 = vector.broadcast %sub3A_327 : i32 to vector<1x256xi32>
    %sub3A_329 = arith.subi %convert_element_type3A_326, %sub3A_328 : vector<1x256xi32>
    %lt3A_330 = arith.constant 64 : i32
    %lt3A_331 = vector.broadcast %lt3A_330 : i32 to vector<1x256xi32>
    %lt3A_332 = arith.cmpi slt, %sub3A_329, %lt3A_331 : vector<1x256xi32>
    %min3A_333 = arith.constant 63 : i32
    %min3A_334 = vector.broadcast %min3A_333 : i32 to vector<1x256xi32>
    %min3A_335 = arith.minsi %sub3A_329, %min3A_334 : vector<1x256xi32>
    %slice3A_336 = vector.extract_strided_slice %broadcast_in_dim3A_28 {offsets = [0, 1536], sizes = [1, 256], strides = [1, 1]} : vector<1x2048xi32> to vector<1x256xi32>
    %mul3A_337 = arith.constant 64 : i32
    %mul3A_338 = vector.broadcast %mul3A_337 : i32 to vector<1x256xi32>
    %mul3A_339 = arith.muli %slice3A_336, %mul3A_338 : vector<1x256xi32>
    %add3A_340 = arith.addi %mul3A_339, %min3A_335 : vector<1x256xi32>
    %jit3A_341 = arith.constant 4096 : i32
    %broadcast_in_dim3A_342 = vector.broadcast %jit3A_341 : i32 to vector<1x256xi32>
    %select_n3A_343 = arith.select %lt3A_332, %add3A_340, %broadcast_in_dim3A_342 : vector<1x256xi1>, vector<1x256xi32>
    %swap3A_344 = arith.constant 0 : index
    %swap3A_345 = arith.constant 1536 : index
    %swap3A_346 = vector.load %arg2[%swap3A_344, %swap3A_345] : memref<2x2048xi32, #tpu.memory_space<vmem>>, vector<1x256xi32>
    tpu.vector_store %arg2[%swap3A_344, %swap3A_345], %select_n3A_343 {strides = array<i32>} : memref<2x2048xi32, #tpu.memory_space<vmem>>, vector<1x256xi32>,
    %jit3A_347 = arith.constant 0 : i32
    %broadcast_in_dim3A_348 = vector.broadcast %jit3A_347 : i32 to vector<1x256xi32>
    %select_n3A_349 = arith.select %lt3A_332, %add3A_340, %broadcast_in_dim3A_348 : vector<1x256xi1>, vector<1x256xi32>
    %swap3A_350 = arith.constant 0 : index
    %swap3A_351 = arith.constant 1536 : index
    %swap3A_352 = vector.load %arg3[%swap3A_350, %swap3A_351] : memref<2x2048xi32, #tpu.memory_space<vmem>>, vector<1x256xi32>
    tpu.vector_store %arg3[%swap3A_350, %swap3A_351], %select_n3A_349 {strides = array<i32>} : memref<2x2048xi32, #tpu.memory_space<vmem>>, vector<1x256xi32>,
    %slice3A_353 = vector.extract_strided_slice %broadcast_in_dim3A_21 {offsets = [0, 1536], sizes = [1, 256], strides = [1, 1]} : vector<1x2048xf32> to vector<1x256xf32>
    %convert_element_type3A_354 = arith.extui %lt3A_332 : vector<1x256xi1> to vector<1x256xi32>
    %convert_element_type3A_355 = arith.sitofp %convert_element_type3A_354 : vector<1x256xi32> to vector<1x256xf32>
    %mul3A_356 = arith.mulf %slice3A_353, %convert_element_type3A_355 : vector<1x256xf32>
    %swap3A_357 = arith.constant 0 : index
    %swap3A_358 = arith.constant 1536 : index
    %swap3A_359 = vector.load %arg4[%swap3A_357, %swap3A_358] : memref<2x2048xf32, #tpu.memory_space<vmem>>, vector<1x256xf32>
    tpu.vector_store %arg4[%swap3A_357, %swap3A_358], %mul3A_356 {strides = array<i32>} : memref<2x2048xf32, #tpu.memory_space<vmem>>, vector<1x256xf32>,
    %slice3A_360 = vector.extract_strided_slice %convert_element_type3A_32 {offsets = [0, 1792], sizes = [64, 256], strides = [1, 1]} : vector<64x2048xf32> to vector<64x256xf32>
    %dot_general3A_361 = arith.constant dense<0.000000e+00> : vector<64x256xf32>
    %dot_general3A_362 = tpu.matmul %slice3A_360, %convert_element_type3A_1, %dot_general3A_361 {dimension_numbers = #tpu.dot_dimension_numbers<[1], [0], [0], [1], [0, 0, 1, 1], [], []>, transpose_lhs_hint = false} : vector<64x256xf32>, vector<256x256xf32>, vector<64x256xf32> -> vector<64x256xf32>
    %add3A_363 = vector.broadcast %add3A_321 : vector<64x1xf32> to vector<64x256xf32>
    %add3A_364 = arith.addf %dot_general3A_362, %add3A_363 : vector<64x256xf32>
    %mul3A_365 = arith.mulf %add3A_364, %slice3A_360 : vector<64x256xf32>
    %reduce_sum3A_366 = arith.constant dense<0.000000e+00> : vector<256xf32>
    %reduce_sum3A_367 = vector.multi_reduction <add>, %mul3A_365, %reduce_sum3A_366 [0] : vector<64x256xf32> to vector<256xf32>
    %broadcast_in_dim3A_368 = vector.shape_cast %reduce_sum3A_367 : vector<256xf32> to vector<1x256xf32>
    %convert_element_type3A_369 = arith.fptosi %broadcast_in_dim3A_368 : vector<1x256xf32> to vector<1x256xi32>
    %sub3A_370 = arith.constant 1 : i32
    %sub3A_371 = vector.broadcast %sub3A_370 : i32 to vector<1x256xi32>
    %sub3A_372 = arith.subi %convert_element_type3A_369, %sub3A_371 : vector<1x256xi32>
    %lt3A_373 = arith.constant 64 : i32
    %lt3A_374 = vector.broadcast %lt3A_373 : i32 to vector<1x256xi32>
    %lt3A_375 = arith.cmpi slt, %sub3A_372, %lt3A_374 : vector<1x256xi32>
    %min3A_376 = arith.constant 63 : i32
    %min3A_377 = vector.broadcast %min3A_376 : i32 to vector<1x256xi32>
    %min3A_378 = arith.minsi %sub3A_372, %min3A_377 : vector<1x256xi32>
    %slice3A_379 = vector.extract_strided_slice %broadcast_in_dim3A_28 {offsets = [0, 1792], sizes = [1, 256], strides = [1, 1]} : vector<1x2048xi32> to vector<1x256xi32>
    %mul3A_380 = arith.constant 64 : i32
    %mul3A_381 = vector.broadcast %mul3A_380 : i32 to vector<1x256xi32>
    %mul3A_382 = arith.muli %slice3A_379, %mul3A_381 : vector<1x256xi32>
    %add3A_383 = arith.addi %mul3A_382, %min3A_378 : vector<1x256xi32>
    %jit3A_384 = arith.constant 4096 : i32
    %broadcast_in_dim3A_385 = vector.broadcast %jit3A_384 : i32 to vector<1x256xi32>
    %select_n3A_386 = arith.select %lt3A_375, %add3A_383, %broadcast_in_dim3A_385 : vector<1x256xi1>, vector<1x256xi32>
    %swap3A_387 = arith.constant 0 : index
    %swap3A_388 = arith.constant 1792 : index
    %swap3A_389 = vector.load %arg2[%swap3A_387, %swap3A_388] : memref<2x2048xi32, #tpu.memory_space<vmem>>, vector<1x256xi32>
    tpu.vector_store %arg2[%swap3A_387, %swap3A_388], %select_n3A_386 {strides = array<i32>} : memref<2x2048xi32, #tpu.memory_space<vmem>>, vector<1x256xi32>,
    %jit3A_390 = arith.constant 0 : i32
    %broadcast_in_dim3A_391 = vector.broadcast %jit3A_390 : i32 to vector<1x256xi32>
    %select_n3A_392 = arith.select %lt3A_375, %add3A_383, %broadcast_in_dim3A_391 : vector<1x256xi1>, vector<1x256xi32>
    %swap3A_393 = arith.constant 0 : index
    %swap3A_394 = arith.constant 1792 : index
    %swap3A_395 = vector.load %arg3[%swap3A_393, %swap3A_394] : memref<2x2048xi32, #tpu.memory_space<vmem>>, vector<1x256xi32>
    tpu.vector_store %arg3[%swap3A_393, %swap3A_394], %select_n3A_392 {strides = array<i32>} : memref<2x2048xi32, #tpu.memory_space<vmem>>, vector<1x256xi32>,
    %slice3A_396 = vector.extract_strided_slice %broadcast_in_dim3A_21 {offsets = [0, 1792], sizes = [1, 256], strides = [1, 1]} : vector<1x2048xf32> to vector<1x256xf32>
    %convert_element_type3A_397 = arith.extui %lt3A_375 : vector<1x256xi1> to vector<1x256xi32>
    %convert_element_type3A_398 = arith.sitofp %convert_element_type3A_397 : vector<1x256xi32> to vector<1x256xf32>
    %mul3A_399 = arith.mulf %slice3A_396, %convert_element_type3A_398 : vector<1x256xf32>
    %swap3A_400 = arith.constant 0 : index
    %swap3A_401 = arith.constant 1792 : index
    %swap3A_402 = vector.load %arg4[%swap3A_400, %swap3A_401] : memref<2x2048xf32, #tpu.memory_space<vmem>>, vector<1x256xf32>
    tpu.vector_store %arg4[%swap3A_400, %swap3A_401], %mul3A_399 {strides = array<i32>} : memref<2x2048xf32, #tpu.memory_space<vmem>>, vector<1x256xf32>,
    %reduce_sum3A_403 = arith.constant dense<0.000000e+00> : vector<64xf32>
    %reduce_sum3A_404 = vector.multi_reduction <add>, %convert_element_type3A_32, %reduce_sum3A_403 [1] : vector<64x2048xf32> to vector<64xf32>
    %broadcast_in_dim3A_405 = vector.shape_cast %reduce_sum3A_404 : vector<64xf32> to vector<64x1xf32>
    %reduce_sum3A_406 = arith.constant dense<0.000000e+00> : vector<64xf32>
    %reduce_sum3A_407 = vector.multi_reduction <add>, %div3A_18, %reduce_sum3A_406 [1] : vector<64x2048xf32> to vector<64xf32>
    %broadcast_in_dim3A_408 = vector.shape_cast %reduce_sum3A_407 : vector<64xf32> to vector<64x1xf32>
    %mul3A_409 = arith.mulf %broadcast_in_dim3A_405, %broadcast_in_dim3A_408 : vector<64x1xf32>
    %reduce_sum3A_410 = vector.shape_cast %mul3A_409 : vector<64x1xf32> to vector<1x64x1xf32>
    %reduce_sum3A_411 = arith.constant dense<0.000000e+00> : vector<1xf32>
    %reduce_sum3A_412 = vector.multi_reduction <add>, %reduce_sum3A_410, %reduce_sum3A_411 [1, 2] : vector<1x64x1xf32> to vector<1xf32>
    %reduce_sum3A_413 = vector.shape_cast %reduce_sum3A_412 : vector<1xf32> to vector<1x1x1xf32>
    %reduce_sum3A_414 = vector.extract %reduce_sum3A_413[0, 0, 0] : f32 from vector<1x1x1xf32>
    %add3A_415 = arith.constant 0.000000e+00 : f32
    %add3A_416 = arith.addf %add3A_415, %reduce_sum3A_414 : f32
    %get3A_417 = arith.constant 1 : index
    %get3A_418 = arith.constant 0 : index
    %get3A_419 = arith.constant 0 : index
    %get3A_420 = vector.load %arg0[%get3A_417, %get3A_418, %get3A_419] : memref<2x64x2048xf32, #tpu.memory_space<vmem>>, vector<1x64x2048xf32>
    %get3A_421 = vector.shape_cast %get3A_420 : vector<1x64x2048xf32> to vector<64x2048xf32>
    %get3A_422 = arith.constant 1 : index
    %get3A_423 = arith.constant 0 : index
    %get3A_424 = arith.constant 0 : index
    %get3A_425 = vector.load %arg1[%get3A_422, %get3A_423, %get3A_424] : memref<2x64x2048xf32, #tpu.memory_space<vmem>>, vector<1x64x2048xf32>
    %get3A_426 = vector.shape_cast %get3A_425 : vector<1x64x2048xf32> to vector<64x2048xf32>
    %gt3A_427 = arith.constant 0.000000e+00 : f32
    %gt3A_428 = vector.broadcast %gt3A_427 : f32 to vector<64x2048xf32>
    %gt3A_429 = arith.cmpf ogt, %get3A_426, %gt3A_428 : vector<64x2048xf32>
    %jit3A_430 = arith.constant -1.000000e+09 : f32
    %broadcast_in_dim3A_431 = vector.broadcast %jit3A_430 : f32 to vector<64x2048xf32>
    %select_n3A_432 = arith.select %gt3A_429, %get3A_421, %broadcast_in_dim3A_431 : vector<64x2048xi1>, vector<64x2048xf32>
    %reduce_max3A_433 = arith.constant dense<0xFF800000> : vector<2048xf32>
    %reduce_max3A_434 = vector.multi_reduction <maximumf>, %select_n3A_432, %reduce_max3A_433 [0] : vector<64x2048xf32> to vector<2048xf32>
    %broadcast_in_dim3A_435 = vector.shape_cast %reduce_max3A_434 : vector<2048xf32> to vector<1x2048xf32>
    %sub3A_436 = vector.broadcast %broadcast_in_dim3A_435 : vector<1x2048xf32> to vector<64x2048xf32>
    %sub3A_437 = arith.subf %select_n3A_432, %sub3A_436 : vector<64x2048xf32>
    %exp3A_438 = math.exp %sub3A_437 : vector<64x2048xf32>
    %reduce_sum3A_439 = arith.constant dense<0.000000e+00> : vector<2048xf32>
    %reduce_sum3A_440 = vector.multi_reduction <add>, %exp3A_438, %reduce_sum3A_439 [0] : vector<64x2048xf32> to vector<2048xf32>
    %broadcast_in_dim3A_441 = vector.shape_cast %reduce_sum3A_440 : vector<2048xf32> to vector<1x2048xf32>
    %div3A_442 = vector.broadcast %broadcast_in_dim3A_441 : vector<1x2048xf32> to vector<64x2048xf32>
    %div3A_443 = arith.divf %exp3A_438, %div3A_442 : vector<64x2048xf32>
    %reduce_max3A_444 = arith.constant dense<0xFF800000> : vector<2048xf32>
    %reduce_max3A_445 = vector.multi_reduction <maximumf>, %div3A_443, %reduce_max3A_444 [0] : vector<64x2048xf32> to vector<2048xf32>
    %broadcast_in_dim3A_446 = vector.shape_cast %reduce_max3A_445 : vector<2048xf32> to vector<1x2048xf32>
    %iota3A_447 = tpu.iota {dimensions = array<i32: 0>} : vector<64x2048xi32>
    %eq3A_448 = vector.broadcast %broadcast_in_dim3A_446 : vector<1x2048xf32> to vector<64x2048xf32>
    %eq3A_449 = arith.cmpf oeq, %div3A_443, %eq3A_448 : vector<64x2048xf32>
    %jit3A_450 = arith.constant 64 : i32
    %broadcast_in_dim3A_451 = vector.broadcast %jit3A_450 : i32 to vector<64x2048xi32>
    %select_n3A_452 = arith.select %eq3A_449, %iota3A_447, %broadcast_in_dim3A_451 : vector<64x2048xi1>, vector<64x2048xi32>
    %reduce_min3A_453 = arith.constant dense<2147483647> : vector<2048xi32>
    %reduce_min3A_454 = vector.multi_reduction <minsi>, %select_n3A_452, %reduce_min3A_453 [0] : vector<64x2048xi32> to vector<2048xi32>
    %broadcast_in_dim3A_455 = vector.shape_cast %reduce_min3A_454 : vector<2048xi32> to vector<1x2048xi32>
    %eq3A_456 = vector.broadcast %broadcast_in_dim3A_455 : vector<1x2048xi32> to vector<64x2048xi32>
    %eq3A_457 = arith.cmpi eq, %iota3A_447, %eq3A_456 : vector<64x2048xi32>
    %convert_element_type3A_458 = arith.extui %eq3A_457 : vector<64x2048xi1> to vector<64x2048xi32>
    %convert_element_type3A_459 = arith.sitofp %convert_element_type3A_458 : vector<64x2048xi32> to vector<64x2048xf32>
    %swap3A_460 = arith.constant 1 : index
    %swap3A_461 = arith.constant 0 : index
    %swap3A_462 = vector.load %arg5[%swap3A_460, %swap3A_461] : memref<2x2048xi32, #tpu.memory_space<vmem>>, vector<1x2048xi32>
    tpu.vector_store %arg5[%swap3A_460, %swap3A_461], %broadcast_in_dim3A_455 {strides = array<i32>} : memref<2x2048xi32, #tpu.memory_space<vmem>>, vector<1x2048xi32>,
    %broadcast_in_dim3A_463 = arith.constant 0.000000e+00 : f32
    %broadcast_in_dim3A_464 = vector.broadcast %broadcast_in_dim3A_463 : f32 to vector<64x1xf32>
    %slice3A_465 = vector.extract_strided_slice %convert_element_type3A_459 {offsets = [0, 0], sizes = [64, 256], strides = [1, 1]} : vector<64x2048xf32> to vector<64x256xf32>
    %dot_general3A_466 = arith.constant dense<0.000000e+00> : vector<64x256xf32>
    %dot_general3A_467 = tpu.matmul %slice3A_465, %convert_element_type3A_1, %dot_general3A_466 {dimension_numbers = #tpu.dot_dimension_numbers<[1], [0], [0], [1], [0, 0, 1, 1], [], []>, transpose_lhs_hint = false} : vector<64x256xf32>, vector<256x256xf32>, vector<64x256xf32> -> vector<64x256xf32>
    %add3A_468 = vector.broadcast %broadcast_in_dim3A_464 : vector<64x1xf32> to vector<64x256xf32>
    %add3A_469 = arith.addf %dot_general3A_467, %add3A_468 : vector<64x256xf32>
    %reduce_sum3A_470 = arith.constant dense<0.000000e+00> : vector<64xf32>
    %reduce_sum3A_471 = vector.multi_reduction <add>, %slice3A_465, %reduce_sum3A_470 [1] : vector<64x256xf32> to vector<64xf32>
    %broadcast_in_dim3A_472 = vector.shape_cast %reduce_sum3A_471 : vector<64xf32> to vector<64x1xf32>
    %add3A_473 = arith.addf %broadcast_in_dim3A_464, %broadcast_in_dim3A_472 : vector<64x1xf32>
    %mul3A_474 = arith.mulf %add3A_469, %slice3A_465 : vector<64x256xf32>
    %reduce_sum3A_475 = arith.constant dense<0.000000e+00> : vector<256xf32>
    %reduce_sum3A_476 = vector.multi_reduction <add>, %mul3A_474, %reduce_sum3A_475 [0] : vector<64x256xf32> to vector<256xf32>
    %broadcast_in_dim3A_477 = vector.shape_cast %reduce_sum3A_476 : vector<256xf32> to vector<1x256xf32>
    %convert_element_type3A_478 = arith.fptosi %broadcast_in_dim3A_477 : vector<1x256xf32> to vector<1x256xi32>
    %sub3A_479 = arith.constant 1 : i32
    %sub3A_480 = vector.broadcast %sub3A_479 : i32 to vector<1x256xi32>
    %sub3A_481 = arith.subi %convert_element_type3A_478, %sub3A_480 : vector<1x256xi32>
    %lt3A_482 = arith.constant 64 : i32
    %lt3A_483 = vector.broadcast %lt3A_482 : i32 to vector<1x256xi32>
    %lt3A_484 = arith.cmpi slt, %sub3A_481, %lt3A_483 : vector<1x256xi32>
    %min3A_485 = arith.constant 63 : i32
    %min3A_486 = vector.broadcast %min3A_485 : i32 to vector<1x256xi32>
    %min3A_487 = arith.minsi %sub3A_481, %min3A_486 : vector<1x256xi32>
    %slice3A_488 = vector.extract_strided_slice %broadcast_in_dim3A_455 {offsets = [0, 0], sizes = [1, 256], strides = [1, 1]} : vector<1x2048xi32> to vector<1x256xi32>
    %mul3A_489 = arith.constant 64 : i32
    %mul3A_490 = vector.broadcast %mul3A_489 : i32 to vector<1x256xi32>
    %mul3A_491 = arith.muli %slice3A_488, %mul3A_490 : vector<1x256xi32>
    %add3A_492 = arith.addi %mul3A_491, %min3A_487 : vector<1x256xi32>
    %jit3A_493 = arith.constant 4096 : i32
    %broadcast_in_dim3A_494 = vector.broadcast %jit3A_493 : i32 to vector<1x256xi32>
    %select_n3A_495 = arith.select %lt3A_484, %add3A_492, %broadcast_in_dim3A_494 : vector<1x256xi1>, vector<1x256xi32>
    %swap3A_496 = arith.constant 1 : index
    %swap3A_497 = arith.constant 0 : index
    %swap3A_498 = vector.load %arg2[%swap3A_496, %swap3A_497] : memref<2x2048xi32, #tpu.memory_space<vmem>>, vector<1x256xi32>
    tpu.vector_store %arg2[%swap3A_496, %swap3A_497], %select_n3A_495 {strides = array<i32>} : memref<2x2048xi32, #tpu.memory_space<vmem>>, vector<1x256xi32>,
    %jit3A_499 = arith.constant 0 : i32
    %broadcast_in_dim3A_500 = vector.broadcast %jit3A_499 : i32 to vector<1x256xi32>
    %select_n3A_501 = arith.select %lt3A_484, %add3A_492, %broadcast_in_dim3A_500 : vector<1x256xi1>, vector<1x256xi32>
    %swap3A_502 = arith.constant 1 : index
    %swap3A_503 = arith.constant 0 : index
    %swap3A_504 = vector.load %arg3[%swap3A_502, %swap3A_503] : memref<2x2048xi32, #tpu.memory_space<vmem>>, vector<1x256xi32>
    tpu.vector_store %arg3[%swap3A_502, %swap3A_503], %select_n3A_501 {strides = array<i32>} : memref<2x2048xi32, #tpu.memory_space<vmem>>, vector<1x256xi32>,
    %slice3A_505 = vector.extract_strided_slice %broadcast_in_dim3A_446 {offsets = [0, 0], sizes = [1, 256], strides = [1, 1]} : vector<1x2048xf32> to vector<1x256xf32>
    %convert_element_type3A_506 = arith.extui %lt3A_484 : vector<1x256xi1> to vector<1x256xi32>
    %convert_element_type3A_507 = arith.sitofp %convert_element_type3A_506 : vector<1x256xi32> to vector<1x256xf32>
    %mul3A_508 = arith.mulf %slice3A_505, %convert_element_type3A_507 : vector<1x256xf32>
    %swap3A_509 = arith.constant 1 : index
    %swap3A_510 = arith.constant 0 : index
    %swap3A_511 = vector.load %arg4[%swap3A_509, %swap3A_510] : memref<2x2048xf32, #tpu.memory_space<vmem>>, vector<1x256xf32>
    tpu.vector_store %arg4[%swap3A_509, %swap3A_510], %mul3A_508 {strides = array<i32>} : memref<2x2048xf32, #tpu.memory_space<vmem>>, vector<1x256xf32>,
    %slice3A_512 = vector.extract_strided_slice %convert_element_type3A_459 {offsets = [0, 256], sizes = [64, 256], strides = [1, 1]} : vector<64x2048xf32> to vector<64x256xf32>
    %dot_general3A_513 = arith.constant dense<0.000000e+00> : vector<64x256xf32>
    %dot_general3A_514 = tpu.matmul %slice3A_512, %convert_element_type3A_1, %dot_general3A_513 {dimension_numbers = #tpu.dot_dimension_numbers<[1], [0], [0], [1], [0, 0, 1, 1], [], []>, transpose_lhs_hint = false} : vector<64x256xf32>, vector<256x256xf32>, vector<64x256xf32> -> vector<64x256xf32>
    %add3A_515 = vector.broadcast %add3A_473 : vector<64x1xf32> to vector<64x256xf32>
    %add3A_516 = arith.addf %dot_general3A_514, %add3A_515 : vector<64x256xf32>
    %reduce_sum3A_517 = arith.constant dense<0.000000e+00> : vector<64xf32>
    %reduce_sum3A_518 = vector.multi_reduction <add>, %slice3A_512, %reduce_sum3A_517 [1] : vector<64x256xf32> to vector<64xf32>
    %broadcast_in_dim3A_519 = vector.shape_cast %reduce_sum3A_518 : vector<64xf32> to vector<64x1xf32>
    %add3A_520 = arith.addf %add3A_473, %broadcast_in_dim3A_519 : vector<64x1xf32>
    %mul3A_521 = arith.mulf %add3A_516, %slice3A_512 : vector<64x256xf32>
    %reduce_sum3A_522 = arith.constant dense<0.000000e+00> : vector<256xf32>
    %reduce_sum3A_523 = vector.multi_reduction <add>, %mul3A_521, %reduce_sum3A_522 [0] : vector<64x256xf32> to vector<256xf32>
    %broadcast_in_dim3A_524 = vector.shape_cast %reduce_sum3A_523 : vector<256xf32> to vector<1x256xf32>
    %convert_element_type3A_525 = arith.fptosi %broadcast_in_dim3A_524 : vector<1x256xf32> to vector<1x256xi32>
    %sub3A_526 = arith.constant 1 : i32
    %sub3A_527 = vector.broadcast %sub3A_526 : i32 to vector<1x256xi32>
    %sub3A_528 = arith.subi %convert_element_type3A_525, %sub3A_527 : vector<1x256xi32>
    %lt3A_529 = arith.constant 64 : i32
    %lt3A_530 = vector.broadcast %lt3A_529 : i32 to vector<1x256xi32>
    %lt3A_531 = arith.cmpi slt, %sub3A_528, %lt3A_530 : vector<1x256xi32>
    %min3A_532 = arith.constant 63 : i32
    %min3A_533 = vector.broadcast %min3A_532 : i32 to vector<1x256xi32>
    %min3A_534 = arith.minsi %sub3A_528, %min3A_533 : vector<1x256xi32>
    %slice3A_535 = vector.extract_strided_slice %broadcast_in_dim3A_455 {offsets = [0, 256], sizes = [1, 256], strides = [1, 1]} : vector<1x2048xi32> to vector<1x256xi32>
    %mul3A_536 = arith.constant 64 : i32
    %mul3A_537 = vector.broadcast %mul3A_536 : i32 to vector<1x256xi32>
    %mul3A_538 = arith.muli %slice3A_535, %mul3A_537 : vector<1x256xi32>
    %add3A_539 = arith.addi %mul3A_538, %min3A_534 : vector<1x256xi32>
    %jit3A_540 = arith.constant 4096 : i32
    %broadcast_in_dim3A_541 = vector.broadcast %jit3A_540 : i32 to vector<1x256xi32>
    %select_n3A_542 = arith.select %lt3A_531, %add3A_539, %broadcast_in_dim3A_541 : vector<1x256xi1>, vector<1x256xi32>
    %swap3A_543 = arith.constant 1 : index
    %swap3A_544 = arith.constant 256 : index
    %swap3A_545 = vector.load %arg2[%swap3A_543, %swap3A_544] : memref<2x2048xi32, #tpu.memory_space<vmem>>, vector<1x256xi32>
    tpu.vector_store %arg2[%swap3A_543, %swap3A_544], %select_n3A_542 {strides = array<i32>} : memref<2x2048xi32, #tpu.memory_space<vmem>>, vector<1x256xi32>,
    %jit3A_546 = arith.constant 0 : i32
    %broadcast_in_dim3A_547 = vector.broadcast %jit3A_546 : i32 to vector<1x256xi32>
    %select_n3A_548 = arith.select %lt3A_531, %add3A_539, %broadcast_in_dim3A_547 : vector<1x256xi1>, vector<1x256xi32>
    %swap3A_549 = arith.constant 1 : index
    %swap3A_550 = arith.constant 256 : index
    %swap3A_551 = vector.load %arg3[%swap3A_549, %swap3A_550] : memref<2x2048xi32, #tpu.memory_space<vmem>>, vector<1x256xi32>
    tpu.vector_store %arg3[%swap3A_549, %swap3A_550], %select_n3A_548 {strides = array<i32>} : memref<2x2048xi32, #tpu.memory_space<vmem>>, vector<1x256xi32>,
    %slice3A_552 = vector.extract_strided_slice %broadcast_in_dim3A_446 {offsets = [0, 256], sizes = [1, 256], strides = [1, 1]} : vector<1x2048xf32> to vector<1x256xf32>
    %convert_element_type3A_553 = arith.extui %lt3A_531 : vector<1x256xi1> to vector<1x256xi32>
    %convert_element_type3A_554 = arith.sitofp %convert_element_type3A_553 : vector<1x256xi32> to vector<1x256xf32>
    %mul3A_555 = arith.mulf %slice3A_552, %convert_element_type3A_554 : vector<1x256xf32>
    %swap3A_556 = arith.constant 1 : index
    %swap3A_557 = arith.constant 256 : index
    %swap3A_558 = vector.load %arg4[%swap3A_556, %swap3A_557] : memref<2x2048xf32, #tpu.memory_space<vmem>>, vector<1x256xf32>
    tpu.vector_store %arg4[%swap3A_556, %swap3A_557], %mul3A_555 {strides = array<i32>} : memref<2x2048xf32, #tpu.memory_space<vmem>>, vector<1x256xf32>,
    %slice3A_559 = vector.extract_strided_slice %convert_element_type3A_459 {offsets = [0, 512], sizes = [64, 256], strides = [1, 1]} : vector<64x2048xf32> to vector<64x256xf32>
    %dot_general3A_560 = arith.constant dense<0.000000e+00> : vector<64x256xf32>
    %dot_general3A_561 = tpu.matmul %slice3A_559, %convert_element_type3A_1, %dot_general3A_560 {dimension_numbers = #tpu.dot_dimension_numbers<[1], [0], [0], [1], [0, 0, 1, 1], [], []>, transpose_lhs_hint = false} : vector<64x256xf32>, vector<256x256xf32>, vector<64x256xf32> -> vector<64x256xf32>
    %add3A_562 = vector.broadcast %add3A_520 : vector<64x1xf32> to vector<64x256xf32>
    %add3A_563 = arith.addf %dot_general3A_561, %add3A_562 : vector<64x256xf32>
    %reduce_sum3A_564 = arith.constant dense<0.000000e+00> : vector<64xf32>
    %reduce_sum3A_565 = vector.multi_reduction <add>, %slice3A_559, %reduce_sum3A_564 [1] : vector<64x256xf32> to vector<64xf32>
    %broadcast_in_dim3A_566 = vector.shape_cast %reduce_sum3A_565 : vector<64xf32> to vector<64x1xf32>
    %add3A_567 = arith.addf %add3A_520, %broadcast_in_dim3A_566 : vector<64x1xf32>
    %mul3A_568 = arith.mulf %add3A_563, %slice3A_559 : vector<64x256xf32>
    %reduce_sum3A_569 = arith.constant dense<0.000000e+00> : vector<256xf32>
    %reduce_sum3A_570 = vector.multi_reduction <add>, %mul3A_568, %reduce_sum3A_569 [0] : vector<64x256xf32> to vector<256xf32>
    %broadcast_in_dim3A_571 = vector.shape_cast %reduce_sum3A_570 : vector<256xf32> to vector<1x256xf32>
    %convert_element_type3A_572 = arith.fptosi %broadcast_in_dim3A_571 : vector<1x256xf32> to vector<1x256xi32>
    %sub3A_573 = arith.constant 1 : i32
    %sub3A_574 = vector.broadcast %sub3A_573 : i32 to vector<1x256xi32>
    %sub3A_575 = arith.subi %convert_element_type3A_572, %sub3A_574 : vector<1x256xi32>
    %lt3A_576 = arith.constant 64 : i32
    %lt3A_577 = vector.broadcast %lt3A_576 : i32 to vector<1x256xi32>
    %lt3A_578 = arith.cmpi slt, %sub3A_575, %lt3A_577 : vector<1x256xi32>
    %min3A_579 = arith.constant 63 : i32
    %min3A_580 = vector.broadcast %min3A_579 : i32 to vector<1x256xi32>
    %min3A_581 = arith.minsi %sub3A_575, %min3A_580 : vector<1x256xi32>
    %slice3A_582 = vector.extract_strided_slice %broadcast_in_dim3A_455 {offsets = [0, 512], sizes = [1, 256], strides = [1, 1]} : vector<1x2048xi32> to vector<1x256xi32>
    %mul3A_583 = arith.constant 64 : i32
    %mul3A_584 = vector.broadcast %mul3A_583 : i32 to vector<1x256xi32>
    %mul3A_585 = arith.muli %slice3A_582, %mul3A_584 : vector<1x256xi32>
    %add3A_586 = arith.addi %mul3A_585, %min3A_581 : vector<1x256xi32>
    %jit3A_587 = arith.constant 4096 : i32
    %broadcast_in_dim3A_588 = vector.broadcast %jit3A_587 : i32 to vector<1x256xi32>
    %select_n3A_589 = arith.select %lt3A_578, %add3A_586, %broadcast_in_dim3A_588 : vector<1x256xi1>, vector<1x256xi32>
    %swap3A_590 = arith.constant 1 : index
    %swap3A_591 = arith.constant 512 : index
    %swap3A_592 = vector.load %arg2[%swap3A_590, %swap3A_591] : memref<2x2048xi32, #tpu.memory_space<vmem>>, vector<1x256xi32>
    tpu.vector_store %arg2[%swap3A_590, %swap3A_591], %select_n3A_589 {strides = array<i32>} : memref<2x2048xi32, #tpu.memory_space<vmem>>, vector<1x256xi32>,
    %jit3A_593 = arith.constant 0 : i32
    %broadcast_in_dim3A_594 = vector.broadcast %jit3A_593 : i32 to vector<1x256xi32>
    %select_n3A_595 = arith.select %lt3A_578, %add3A_586, %broadcast_in_dim3A_594 : vector<1x256xi1>, vector<1x256xi32>
    %swap3A_596 = arith.constant 1 : index
    %swap3A_597 = arith.constant 512 : index
    %swap3A_598 = vector.load %arg3[%swap3A_596, %swap3A_597] : memref<2x2048xi32, #tpu.memory_space<vmem>>, vector<1x256xi32>
    tpu.vector_store %arg3[%swap3A_596, %swap3A_597], %select_n3A_595 {strides = array<i32>} : memref<2x2048xi32, #tpu.memory_space<vmem>>, vector<1x256xi32>,
    %slice3A_599 = vector.extract_strided_slice %broadcast_in_dim3A_446 {offsets = [0, 512], sizes = [1, 256], strides = [1, 1]} : vector<1x2048xf32> to vector<1x256xf32>
    %convert_element_type3A_600 = arith.extui %lt3A_578 : vector<1x256xi1> to vector<1x256xi32>
    %convert_element_type3A_601 = arith.sitofp %convert_element_type3A_600 : vector<1x256xi32> to vector<1x256xf32>
    %mul3A_602 = arith.mulf %slice3A_599, %convert_element_type3A_601 : vector<1x256xf32>
    %swap3A_603 = arith.constant 1 : index
    %swap3A_604 = arith.constant 512 : index
    %swap3A_605 = vector.load %arg4[%swap3A_603, %swap3A_604] : memref<2x2048xf32, #tpu.memory_space<vmem>>, vector<1x256xf32>
    tpu.vector_store %arg4[%swap3A_603, %swap3A_604], %mul3A_602 {strides = array<i32>} : memref<2x2048xf32, #tpu.memory_space<vmem>>, vector<1x256xf32>,
    %slice3A_606 = vector.extract_strided_slice %convert_element_type3A_459 {offsets = [0, 768], sizes = [64, 256], strides = [1, 1]} : vector<64x2048xf32> to vector<64x256xf32>
    %dot_general3A_607 = arith.constant dense<0.000000e+00> : vector<64x256xf32>
    %dot_general3A_608 = tpu.matmul %slice3A_606, %convert_element_type3A_1, %dot_general3A_607 {dimension_numbers = #tpu.dot_dimension_numbers<[1], [0], [0], [1], [0, 0, 1, 1], [], []>, transpose_lhs_hint = false} : vector<64x256xf32>, vector<256x256xf32>, vector<64x256xf32> -> vector<64x256xf32>
    %add3A_609 = vector.broadcast %add3A_567 : vector<64x1xf32> to vector<64x256xf32>
    %add3A_610 = arith.addf %dot_general3A_608, %add3A_609 : vector<64x256xf32>
    %reduce_sum3A_611 = arith.constant dense<0.000000e+00> : vector<64xf32>
    %reduce_sum3A_612 = vector.multi_reduction <add>, %slice3A_606, %reduce_sum3A_611 [1] : vector<64x256xf32> to vector<64xf32>
    %broadcast_in_dim3A_613 = vector.shape_cast %reduce_sum3A_612 : vector<64xf32> to vector<64x1xf32>
    %add3A_614 = arith.addf %add3A_567, %broadcast_in_dim3A_613 : vector<64x1xf32>
    %mul3A_615 = arith.mulf %add3A_610, %slice3A_606 : vector<64x256xf32>
    %reduce_sum3A_616 = arith.constant dense<0.000000e+00> : vector<256xf32>
    %reduce_sum3A_617 = vector.multi_reduction <add>, %mul3A_615, %reduce_sum3A_616 [0] : vector<64x256xf32> to vector<256xf32>
    %broadcast_in_dim3A_618 = vector.shape_cast %reduce_sum3A_617 : vector<256xf32> to vector<1x256xf32>
    %convert_element_type3A_619 = arith.fptosi %broadcast_in_dim3A_618 : vector<1x256xf32> to vector<1x256xi32>
    %sub3A_620 = arith.constant 1 : i32
    %sub3A_621 = vector.broadcast %sub3A_620 : i32 to vector<1x256xi32>
    %sub3A_622 = arith.subi %convert_element_type3A_619, %sub3A_621 : vector<1x256xi32>
    %lt3A_623 = arith.constant 64 : i32
    %lt3A_624 = vector.broadcast %lt3A_623 : i32 to vector<1x256xi32>
    %lt3A_625 = arith.cmpi slt, %sub3A_622, %lt3A_624 : vector<1x256xi32>
    %min3A_626 = arith.constant 63 : i32
    %min3A_627 = vector.broadcast %min3A_626 : i32 to vector<1x256xi32>
    %min3A_628 = arith.minsi %sub3A_622, %min3A_627 : vector<1x256xi32>
    %slice3A_629 = vector.extract_strided_slice %broadcast_in_dim3A_455 {offsets = [0, 768], sizes = [1, 256], strides = [1, 1]} : vector<1x2048xi32> to vector<1x256xi32>
    %mul3A_630 = arith.constant 64 : i32
    %mul3A_631 = vector.broadcast %mul3A_630 : i32 to vector<1x256xi32>
    %mul3A_632 = arith.muli %slice3A_629, %mul3A_631 : vector<1x256xi32>
    %add3A_633 = arith.addi %mul3A_632, %min3A_628 : vector<1x256xi32>
    %jit3A_634 = arith.constant 4096 : i32
    %broadcast_in_dim3A_635 = vector.broadcast %jit3A_634 : i32 to vector<1x256xi32>
    %select_n3A_636 = arith.select %lt3A_625, %add3A_633, %broadcast_in_dim3A_635 : vector<1x256xi1>, vector<1x256xi32>
    %swap3A_637 = arith.constant 1 : index
    %swap3A_638 = arith.constant 768 : index
    %swap3A_639 = vector.load %arg2[%swap3A_637, %swap3A_638] : memref<2x2048xi32, #tpu.memory_space<vmem>>, vector<1x256xi32>
    tpu.vector_store %arg2[%swap3A_637, %swap3A_638], %select_n3A_636 {strides = array<i32>} : memref<2x2048xi32, #tpu.memory_space<vmem>>, vector<1x256xi32>,
    %jit3A_640 = arith.constant 0 : i32
    %broadcast_in_dim3A_641 = vector.broadcast %jit3A_640 : i32 to vector<1x256xi32>
    %select_n3A_642 = arith.select %lt3A_625, %add3A_633, %broadcast_in_dim3A_641 : vector<1x256xi1>, vector<1x256xi32>
    %swap3A_643 = arith.constant 1 : index
    %swap3A_644 = arith.constant 768 : index
    %swap3A_645 = vector.load %arg3[%swap3A_643, %swap3A_644] : memref<2x2048xi32, #tpu.memory_space<vmem>>, vector<1x256xi32>
    tpu.vector_store %arg3[%swap3A_643, %swap3A_644], %select_n3A_642 {strides = array<i32>} : memref<2x2048xi32, #tpu.memory_space<vmem>>, vector<1x256xi32>,
    %slice3A_646 = vector.extract_strided_slice %broadcast_in_dim3A_446 {offsets = [0, 768], sizes = [1, 256], strides = [1, 1]} : vector<1x2048xf32> to vector<1x256xf32>
    %convert_element_type3A_647 = arith.extui %lt3A_625 : vector<1x256xi1> to vector<1x256xi32>
    %convert_element_type3A_648 = arith.sitofp %convert_element_type3A_647 : vector<1x256xi32> to vector<1x256xf32>
    %mul3A_649 = arith.mulf %slice3A_646, %convert_element_type3A_648 : vector<1x256xf32>
    %swap3A_650 = arith.constant 1 : index
    %swap3A_651 = arith.constant 768 : index
    %swap3A_652 = vector.load %arg4[%swap3A_650, %swap3A_651] : memref<2x2048xf32, #tpu.memory_space<vmem>>, vector<1x256xf32>
    tpu.vector_store %arg4[%swap3A_650, %swap3A_651], %mul3A_649 {strides = array<i32>} : memref<2x2048xf32, #tpu.memory_space<vmem>>, vector<1x256xf32>,
    %slice3A_653 = vector.extract_strided_slice %convert_element_type3A_459 {offsets = [0, 1024], sizes = [64, 256], strides = [1, 1]} : vector<64x2048xf32> to vector<64x256xf32>
    %dot_general3A_654 = arith.constant dense<0.000000e+00> : vector<64x256xf32>
    %dot_general3A_655 = tpu.matmul %slice3A_653, %convert_element_type3A_1, %dot_general3A_654 {dimension_numbers = #tpu.dot_dimension_numbers<[1], [0], [0], [1], [0, 0, 1, 1], [], []>, transpose_lhs_hint = false} : vector<64x256xf32>, vector<256x256xf32>, vector<64x256xf32> -> vector<64x256xf32>
    %add3A_656 = vector.broadcast %add3A_614 : vector<64x1xf32> to vector<64x256xf32>
    %add3A_657 = arith.addf %dot_general3A_655, %add3A_656 : vector<64x256xf32>
    %reduce_sum3A_658 = arith.constant dense<0.000000e+00> : vector<64xf32>
    %reduce_sum3A_659 = vector.multi_reduction <add>, %slice3A_653, %reduce_sum3A_658 [1] : vector<64x256xf32> to vector<64xf32>
    %broadcast_in_dim3A_660 = vector.shape_cast %reduce_sum3A_659 : vector<64xf32> to vector<64x1xf32>
    %add3A_661 = arith.addf %add3A_614, %broadcast_in_dim3A_660 : vector<64x1xf32>
    %mul3A_662 = arith.mulf %add3A_657, %slice3A_653 : vector<64x256xf32>
    %reduce_sum3A_663 = arith.constant dense<0.000000e+00> : vector<256xf32>
    %reduce_sum3A_664 = vector.multi_reduction <add>, %mul3A_662, %reduce_sum3A_663 [0] : vector<64x256xf32> to vector<256xf32>
    %broadcast_in_dim3A_665 = vector.shape_cast %reduce_sum3A_664 : vector<256xf32> to vector<1x256xf32>
    %convert_element_type3A_666 = arith.fptosi %broadcast_in_dim3A_665 : vector<1x256xf32> to vector<1x256xi32>
    %sub3A_667 = arith.constant 1 : i32
    %sub3A_668 = vector.broadcast %sub3A_667 : i32 to vector<1x256xi32>
    %sub3A_669 = arith.subi %convert_element_type3A_666, %sub3A_668 : vector<1x256xi32>
    %lt3A_670 = arith.constant 64 : i32
    %lt3A_671 = vector.broadcast %lt3A_670 : i32 to vector<1x256xi32>
    %lt3A_672 = arith.cmpi slt, %sub3A_669, %lt3A_671 : vector<1x256xi32>
    %min3A_673 = arith.constant 63 : i32
    %min3A_674 = vector.broadcast %min3A_673 : i32 to vector<1x256xi32>
    %min3A_675 = arith.minsi %sub3A_669, %min3A_674 : vector<1x256xi32>
    %slice3A_676 = vector.extract_strided_slice %broadcast_in_dim3A_455 {offsets = [0, 1024], sizes = [1, 256], strides = [1, 1]} : vector<1x2048xi32> to vector<1x256xi32>
    %mul3A_677 = arith.constant 64 : i32
    %mul3A_678 = vector.broadcast %mul3A_677 : i32 to vector<1x256xi32>
    %mul3A_679 = arith.muli %slice3A_676, %mul3A_678 : vector<1x256xi32>
    %add3A_680 = arith.addi %mul3A_679, %min3A_675 : vector<1x256xi32>
    %jit3A_681 = arith.constant 4096 : i32
    %broadcast_in_dim3A_682 = vector.broadcast %jit3A_681 : i32 to vector<1x256xi32>
    %select_n3A_683 = arith.select %lt3A_672, %add3A_680, %broadcast_in_dim3A_682 : vector<1x256xi1>, vector<1x256xi32>
    %swap3A_684 = arith.constant 1 : index
    %swap3A_685 = arith.constant 1024 : index
    %swap3A_686 = vector.load %arg2[%swap3A_684, %swap3A_685] : memref<2x2048xi32, #tpu.memory_space<vmem>>, vector<1x256xi32>
    tpu.vector_store %arg2[%swap3A_684, %swap3A_685], %select_n3A_683 {strides = array<i32>} : memref<2x2048xi32, #tpu.memory_space<vmem>>, vector<1x256xi32>,
    %jit3A_687 = arith.constant 0 : i32
    %broadcast_in_dim3A_688 = vector.broadcast %jit3A_687 : i32 to vector<1x256xi32>
    %select_n3A_689 = arith.select %lt3A_672, %add3A_680, %broadcast_in_dim3A_688 : vector<1x256xi1>, vector<1x256xi32>
    %swap3A_690 = arith.constant 1 : index
    %swap3A_691 = arith.constant 1024 : index
    %swap3A_692 = vector.load %arg3[%swap3A_690, %swap3A_691] : memref<2x2048xi32, #tpu.memory_space<vmem>>, vector<1x256xi32>
    tpu.vector_store %arg3[%swap3A_690, %swap3A_691], %select_n3A_689 {strides = array<i32>} : memref<2x2048xi32, #tpu.memory_space<vmem>>, vector<1x256xi32>,
    %slice3A_693 = vector.extract_strided_slice %broadcast_in_dim3A_446 {offsets = [0, 1024], sizes = [1, 256], strides = [1, 1]} : vector<1x2048xf32> to vector<1x256xf32>
    %convert_element_type3A_694 = arith.extui %lt3A_672 : vector<1x256xi1> to vector<1x256xi32>
    %convert_element_type3A_695 = arith.sitofp %convert_element_type3A_694 : vector<1x256xi32> to vector<1x256xf32>
    %mul3A_696 = arith.mulf %slice3A_693, %convert_element_type3A_695 : vector<1x256xf32>
    %swap3A_697 = arith.constant 1 : index
    %swap3A_698 = arith.constant 1024 : index
    %swap3A_699 = vector.load %arg4[%swap3A_697, %swap3A_698] : memref<2x2048xf32, #tpu.memory_space<vmem>>, vector<1x256xf32>
    tpu.vector_store %arg4[%swap3A_697, %swap3A_698], %mul3A_696 {strides = array<i32>} : memref<2x2048xf32, #tpu.memory_space<vmem>>, vector<1x256xf32>,
    %slice3A_700 = vector.extract_strided_slice %convert_element_type3A_459 {offsets = [0, 1280], sizes = [64, 256], strides = [1, 1]} : vector<64x2048xf32> to vector<64x256xf32>
    %dot_general3A_701 = arith.constant dense<0.000000e+00> : vector<64x256xf32>
    %dot_general3A_702 = tpu.matmul %slice3A_700, %convert_element_type3A_1, %dot_general3A_701 {dimension_numbers = #tpu.dot_dimension_numbers<[1], [0], [0], [1], [0, 0, 1, 1], [], []>, transpose_lhs_hint = false} : vector<64x256xf32>, vector<256x256xf32>, vector<64x256xf32> -> vector<64x256xf32>
    %add3A_703 = vector.broadcast %add3A_661 : vector<64x1xf32> to vector<64x256xf32>
    %add3A_704 = arith.addf %dot_general3A_702, %add3A_703 : vector<64x256xf32>
    %reduce_sum3A_705 = arith.constant dense<0.000000e+00> : vector<64xf32>
    %reduce_sum3A_706 = vector.multi_reduction <add>, %slice3A_700, %reduce_sum3A_705 [1] : vector<64x256xf32> to vector<64xf32>
    %broadcast_in_dim3A_707 = vector.shape_cast %reduce_sum3A_706 : vector<64xf32> to vector<64x1xf32>
    %add3A_708 = arith.addf %add3A_661, %broadcast_in_dim3A_707 : vector<64x1xf32>
    %mul3A_709 = arith.mulf %add3A_704, %slice3A_700 : vector<64x256xf32>
    %reduce_sum3A_710 = arith.constant dense<0.000000e+00> : vector<256xf32>
    %reduce_sum3A_711 = vector.multi_reduction <add>, %mul3A_709, %reduce_sum3A_710 [0] : vector<64x256xf32> to vector<256xf32>
    %broadcast_in_dim3A_712 = vector.shape_cast %reduce_sum3A_711 : vector<256xf32> to vector<1x256xf32>
    %convert_element_type3A_713 = arith.fptosi %broadcast_in_dim3A_712 : vector<1x256xf32> to vector<1x256xi32>
    %sub3A_714 = arith.constant 1 : i32
    %sub3A_715 = vector.broadcast %sub3A_714 : i32 to vector<1x256xi32>
    %sub3A_716 = arith.subi %convert_element_type3A_713, %sub3A_715 : vector<1x256xi32>
    %lt3A_717 = arith.constant 64 : i32
    %lt3A_718 = vector.broadcast %lt3A_717 : i32 to vector<1x256xi32>
    %lt3A_719 = arith.cmpi slt, %sub3A_716, %lt3A_718 : vector<1x256xi32>
    %min3A_720 = arith.constant 63 : i32
    %min3A_721 = vector.broadcast %min3A_720 : i32 to vector<1x256xi32>
    %min3A_722 = arith.minsi %sub3A_716, %min3A_721 : vector<1x256xi32>
    %slice3A_723 = vector.extract_strided_slice %broadcast_in_dim3A_455 {offsets = [0, 1280], sizes = [1, 256], strides = [1, 1]} : vector<1x2048xi32> to vector<1x256xi32>
    %mul3A_724 = arith.constant 64 : i32
    %mul3A_725 = vector.broadcast %mul3A_724 : i32 to vector<1x256xi32>
    %mul3A_726 = arith.muli %slice3A_723, %mul3A_725 : vector<1x256xi32>
    %add3A_727 = arith.addi %mul3A_726, %min3A_722 : vector<1x256xi32>
    %jit3A_728 = arith.constant 4096 : i32
    %broadcast_in_dim3A_729 = vector.broadcast %jit3A_728 : i32 to vector<1x256xi32>
    %select_n3A_730 = arith.select %lt3A_719, %add3A_727, %broadcast_in_dim3A_729 : vector<1x256xi1>, vector<1x256xi32>
    %swap3A_731 = arith.constant 1 : index
    %swap3A_732 = arith.constant 1280 : index
    %swap3A_733 = vector.load %arg2[%swap3A_731, %swap3A_732] : memref<2x2048xi32, #tpu.memory_space<vmem>>, vector<1x256xi32>
    tpu.vector_store %arg2[%swap3A_731, %swap3A_732], %select_n3A_730 {strides = array<i32>} : memref<2x2048xi32, #tpu.memory_space<vmem>>, vector<1x256xi32>,
    %jit3A_734 = arith.constant 0 : i32
    %broadcast_in_dim3A_735 = vector.broadcast %jit3A_734 : i32 to vector<1x256xi32>
    %select_n3A_736 = arith.select %lt3A_719, %add3A_727, %broadcast_in_dim3A_735 : vector<1x256xi1>, vector<1x256xi32>
    %swap3A_737 = arith.constant 1 : index
    %swap3A_738 = arith.constant 1280 : index
    %swap3A_739 = vector.load %arg3[%swap3A_737, %swap3A_738] : memref<2x2048xi32, #tpu.memory_space<vmem>>, vector<1x256xi32>
    tpu.vector_store %arg3[%swap3A_737, %swap3A_738], %select_n3A_736 {strides = array<i32>} : memref<2x2048xi32, #tpu.memory_space<vmem>>, vector<1x256xi32>,
    %slice3A_740 = vector.extract_strided_slice %broadcast_in_dim3A_446 {offsets = [0, 1280], sizes = [1, 256], strides = [1, 1]} : vector<1x2048xf32> to vector<1x256xf32>
    %convert_element_type3A_741 = arith.extui %lt3A_719 : vector<1x256xi1> to vector<1x256xi32>
    %convert_element_type3A_742 = arith.sitofp %convert_element_type3A_741 : vector<1x256xi32> to vector<1x256xf32>
    %mul3A_743 = arith.mulf %slice3A_740, %convert_element_type3A_742 : vector<1x256xf32>
    %swap3A_744 = arith.constant 1 : index
    %swap3A_745 = arith.constant 1280 : index
    %swap3A_746 = vector.load %arg4[%swap3A_744, %swap3A_745] : memref<2x2048xf32, #tpu.memory_space<vmem>>, vector<1x256xf32>
    tpu.vector_store %arg4[%swap3A_744, %swap3A_745], %mul3A_743 {strides = array<i32>} : memref<2x2048xf32, #tpu.memory_space<vmem>>, vector<1x256xf32>,
    %slice3A_747 = vector.extract_strided_slice %convert_element_type3A_459 {offsets = [0, 1536], sizes = [64, 256], strides = [1, 1]} : vector<64x2048xf32> to vector<64x256xf32>
    %dot_general3A_748 = arith.constant dense<0.000000e+00> : vector<64x256xf32>
    %dot_general3A_749 = tpu.matmul %slice3A_747, %convert_element_type3A_1, %dot_general3A_748 {dimension_numbers = #tpu.dot_dimension_numbers<[1], [0], [0], [1], [0, 0, 1, 1], [], []>, transpose_lhs_hint = false} : vector<64x256xf32>, vector<256x256xf32>, vector<64x256xf32> -> vector<64x256xf32>
    %add3A_750 = vector.broadcast %add3A_708 : vector<64x1xf32> to vector<64x256xf32>
    %add3A_751 = arith.addf %dot_general3A_749, %add3A_750 : vector<64x256xf32>
    %reduce_sum3A_752 = arith.constant dense<0.000000e+00> : vector<64xf32>
    %reduce_sum3A_753 = vector.multi_reduction <add>, %slice3A_747, %reduce_sum3A_752 [1] : vector<64x256xf32> to vector<64xf32>
    %broadcast_in_dim3A_754 = vector.shape_cast %reduce_sum3A_753 : vector<64xf32> to vector<64x1xf32>
    %add3A_755 = arith.addf %add3A_708, %broadcast_in_dim3A_754 : vector<64x1xf32>
    %mul3A_756 = arith.mulf %add3A_751, %slice3A_747 : vector<64x256xf32>
    %reduce_sum3A_757 = arith.constant dense<0.000000e+00> : vector<256xf32>
    %reduce_sum3A_758 = vector.multi_reduction <add>, %mul3A_756, %reduce_sum3A_757 [0] : vector<64x256xf32> to vector<256xf32>
    %broadcast_in_dim3A_759 = vector.shape_cast %reduce_sum3A_758 : vector<256xf32> to vector<1x256xf32>
    %convert_element_type3A_760 = arith.fptosi %broadcast_in_dim3A_759 : vector<1x256xf32> to vector<1x256xi32>
    %sub3A_761 = arith.constant 1 : i32
    %sub3A_762 = vector.broadcast %sub3A_761 : i32 to vector<1x256xi32>
    %sub3A_763 = arith.subi %convert_element_type3A_760, %sub3A_762 : vector<1x256xi32>
    %lt3A_764 = arith.constant 64 : i32
    %lt3A_765 = vector.broadcast %lt3A_764 : i32 to vector<1x256xi32>
    %lt3A_766 = arith.cmpi slt, %sub3A_763, %lt3A_765 : vector<1x256xi32>
    %min3A_767 = arith.constant 63 : i32
    %min3A_768 = vector.broadcast %min3A_767 : i32 to vector<1x256xi32>
    %min3A_769 = arith.minsi %sub3A_763, %min3A_768 : vector<1x256xi32>
    %slice3A_770 = vector.extract_strided_slice %broadcast_in_dim3A_455 {offsets = [0, 1536], sizes = [1, 256], strides = [1, 1]} : vector<1x2048xi32> to vector<1x256xi32>
    %mul3A_771 = arith.constant 64 : i32
    %mul3A_772 = vector.broadcast %mul3A_771 : i32 to vector<1x256xi32>
    %mul3A_773 = arith.muli %slice3A_770, %mul3A_772 : vector<1x256xi32>
    %add3A_774 = arith.addi %mul3A_773, %min3A_769 : vector<1x256xi32>
    %jit3A_775 = arith.constant 4096 : i32
    %broadcast_in_dim3A_776 = vector.broadcast %jit3A_775 : i32 to vector<1x256xi32>
    %select_n3A_777 = arith.select %lt3A_766, %add3A_774, %broadcast_in_dim3A_776 : vector<1x256xi1>, vector<1x256xi32>
    %swap3A_778 = arith.constant 1 : index
    %swap3A_779 = arith.constant 1536 : index
    %swap3A_780 = vector.load %arg2[%swap3A_778, %swap3A_779] : memref<2x2048xi32, #tpu.memory_space<vmem>>, vector<1x256xi32>
    tpu.vector_store %arg2[%swap3A_778, %swap3A_779], %select_n3A_777 {strides = array<i32>} : memref<2x2048xi32, #tpu.memory_space<vmem>>, vector<1x256xi32>,
    %jit3A_781 = arith.constant 0 : i32
    %broadcast_in_dim3A_782 = vector.broadcast %jit3A_781 : i32 to vector<1x256xi32>
    %select_n3A_783 = arith.select %lt3A_766, %add3A_774, %broadcast_in_dim3A_782 : vector<1x256xi1>, vector<1x256xi32>
    %swap3A_784 = arith.constant 1 : index
    %swap3A_785 = arith.constant 1536 : index
    %swap3A_786 = vector.load %arg3[%swap3A_784, %swap3A_785] : memref<2x2048xi32, #tpu.memory_space<vmem>>, vector<1x256xi32>
    tpu.vector_store %arg3[%swap3A_784, %swap3A_785], %select_n3A_783 {strides = array<i32>} : memref<2x2048xi32, #tpu.memory_space<vmem>>, vector<1x256xi32>,
    %slice3A_787 = vector.extract_strided_slice %broadcast_in_dim3A_446 {offsets = [0, 1536], sizes = [1, 256], strides = [1, 1]} : vector<1x2048xf32> to vector<1x256xf32>
    %convert_element_type3A_788 = arith.extui %lt3A_766 : vector<1x256xi1> to vector<1x256xi32>
    %convert_element_type3A_789 = arith.sitofp %convert_element_type3A_788 : vector<1x256xi32> to vector<1x256xf32>
    %mul3A_790 = arith.mulf %slice3A_787, %convert_element_type3A_789 : vector<1x256xf32>
    %swap3A_791 = arith.constant 1 : index
    %swap3A_792 = arith.constant 1536 : index
    %swap3A_793 = vector.load %arg4[%swap3A_791, %swap3A_792] : memref<2x2048xf32, #tpu.memory_space<vmem>>, vector<1x256xf32>
    tpu.vector_store %arg4[%swap3A_791, %swap3A_792], %mul3A_790 {strides = array<i32>} : memref<2x2048xf32, #tpu.memory_space<vmem>>, vector<1x256xf32>,
    %slice3A_794 = vector.extract_strided_slice %convert_element_type3A_459 {offsets = [0, 1792], sizes = [64, 256], strides = [1, 1]} : vector<64x2048xf32> to vector<64x256xf32>
    %dot_general3A_795 = arith.constant dense<0.000000e+00> : vector<64x256xf32>
    %dot_general3A_796 = tpu.matmul %slice3A_794, %convert_element_type3A_1, %dot_general3A_795 {dimension_numbers = #tpu.dot_dimension_numbers<[1], [0], [0], [1], [0, 0, 1, 1], [], []>, transpose_lhs_hint = false} : vector<64x256xf32>, vector<256x256xf32>, vector<64x256xf32> -> vector<64x256xf32>
    %add3A_797 = vector.broadcast %add3A_755 : vector<64x1xf32> to vector<64x256xf32>
    %add3A_798 = arith.addf %dot_general3A_796, %add3A_797 : vector<64x256xf32>
    %mul3A_799 = arith.mulf %add3A_798, %slice3A_794 : vector<64x256xf32>
    %reduce_sum3A_800 = arith.constant dense<0.000000e+00> : vector<256xf32>
    %reduce_sum3A_801 = vector.multi_reduction <add>, %mul3A_799, %reduce_sum3A_800 [0] : vector<64x256xf32> to vector<256xf32>
    %broadcast_in_dim3A_802 = vector.shape_cast %reduce_sum3A_801 : vector<256xf32> to vector<1x256xf32>
    %convert_element_type3A_803 = arith.fptosi %broadcast_in_dim3A_802 : vector<1x256xf32> to vector<1x256xi32>
    %sub3A_804 = arith.constant 1 : i32
    %sub3A_805 = vector.broadcast %sub3A_804 : i32 to vector<1x256xi32>
    %sub3A_806 = arith.subi %convert_element_type3A_803, %sub3A_805 : vector<1x256xi32>
    %lt3A_807 = arith.constant 64 : i32
    %lt3A_808 = vector.broadcast %lt3A_807 : i32 to vector<1x256xi32>
    %lt3A_809 = arith.cmpi slt, %sub3A_806, %lt3A_808 : vector<1x256xi32>
    %min3A_810 = arith.constant 63 : i32
    %min3A_811 = vector.broadcast %min3A_810 : i32 to vector<1x256xi32>
    %min3A_812 = arith.minsi %sub3A_806, %min3A_811 : vector<1x256xi32>
    %slice3A_813 = vector.extract_strided_slice %broadcast_in_dim3A_455 {offsets = [0, 1792], sizes = [1, 256], strides = [1, 1]} : vector<1x2048xi32> to vector<1x256xi32>
    %mul3A_814 = arith.constant 64 : i32
    %mul3A_815 = vector.broadcast %mul3A_814 : i32 to vector<1x256xi32>
    %mul3A_816 = arith.muli %slice3A_813, %mul3A_815 : vector<1x256xi32>
    %add3A_817 = arith.addi %mul3A_816, %min3A_812 : vector<1x256xi32>
    %jit3A_818 = arith.constant 4096 : i32
    %broadcast_in_dim3A_819 = vector.broadcast %jit3A_818 : i32 to vector<1x256xi32>
    %select_n3A_820 = arith.select %lt3A_809, %add3A_817, %broadcast_in_dim3A_819 : vector<1x256xi1>, vector<1x256xi32>
    %swap3A_821 = arith.constant 1 : index
    %swap3A_822 = arith.constant 1792 : index
    %swap3A_823 = vector.load %arg2[%swap3A_821, %swap3A_822] : memref<2x2048xi32, #tpu.memory_space<vmem>>, vector<1x256xi32>
    tpu.vector_store %arg2[%swap3A_821, %swap3A_822], %select_n3A_820 {strides = array<i32>} : memref<2x2048xi32, #tpu.memory_space<vmem>>, vector<1x256xi32>,
    %jit3A_824 = arith.constant 0 : i32
    %broadcast_in_dim3A_825 = vector.broadcast %jit3A_824 : i32 to vector<1x256xi32>
    %select_n3A_826 = arith.select %lt3A_809, %add3A_817, %broadcast_in_dim3A_825 : vector<1x256xi1>, vector<1x256xi32>
    %swap3A_827 = arith.constant 1 : index
    %swap3A_828 = arith.constant 1792 : index
    %swap3A_829 = vector.load %arg3[%swap3A_827, %swap3A_828] : memref<2x2048xi32, #tpu.memory_space<vmem>>, vector<1x256xi32>
    tpu.vector_store %arg3[%swap3A_827, %swap3A_828], %select_n3A_826 {strides = array<i32>} : memref<2x2048xi32, #tpu.memory_space<vmem>>, vector<1x256xi32>,
    %slice3A_830 = vector.extract_strided_slice %broadcast_in_dim3A_446 {offsets = [0, 1792], sizes = [1, 256], strides = [1, 1]} : vector<1x2048xf32> to vector<1x256xf32>
    %convert_element_type3A_831 = arith.extui %lt3A_809 : vector<1x256xi1> to vector<1x256xi32>
    %convert_element_type3A_832 = arith.sitofp %convert_element_type3A_831 : vector<1x256xi32> to vector<1x256xf32>
    %mul3A_833 = arith.mulf %slice3A_830, %convert_element_type3A_832 : vector<1x256xf32>
    %swap3A_834 = arith.constant 1 : index
    %swap3A_835 = arith.constant 1792 : index
    %swap3A_836 = vector.load %arg4[%swap3A_834, %swap3A_835] : memref<2x2048xf32, #tpu.memory_space<vmem>>, vector<1x256xf32>
    tpu.vector_store %arg4[%swap3A_834, %swap3A_835], %mul3A_833 {strides = array<i32>} : memref<2x2048xf32, #tpu.memory_space<vmem>>, vector<1x256xf32>,
    %reduce_sum3A_837 = arith.constant dense<0.000000e+00> : vector<64xf32>
    %reduce_sum3A_838 = vector.multi_reduction <add>, %convert_element_type3A_459, %reduce_sum3A_837 [1] : vector<64x2048xf32> to vector<64xf32>
    %broadcast_in_dim3A_839 = vector.shape_cast %reduce_sum3A_838 : vector<64xf32> to vector<64x1xf32>
    %reduce_sum3A_840 = arith.constant dense<0.000000e+00> : vector<64xf32>
    %reduce_sum3A_841 = vector.multi_reduction <add>, %div3A_443, %reduce_sum3A_840 [1] : vector<64x2048xf32> to vector<64xf32>
    %broadcast_in_dim3A_842 = vector.shape_cast %reduce_sum3A_841 : vector<64xf32> to vector<64x1xf32>
    %mul3A_843 = arith.mulf %broadcast_in_dim3A_839, %broadcast_in_dim3A_842 : vector<64x1xf32>
    %reduce_sum3A_844 = vector.shape_cast %mul3A_843 : vector<64x1xf32> to vector<1x64x1xf32>
    %reduce_sum3A_845 = arith.constant dense<0.000000e+00> : vector<1xf32>
    %reduce_sum3A_846 = vector.multi_reduction <add>, %reduce_sum3A_844, %reduce_sum3A_845 [1, 2] : vector<1x64x1xf32> to vector<1xf32>
    %reduce_sum3A_847 = vector.shape_cast %reduce_sum3A_846 : vector<1xf32> to vector<1x1x1xf32>
    %reduce_sum3A_848 = vector.extract %reduce_sum3A_847[0, 0, 0] : f32 from vector<1x1x1xf32>
    %add3A_849 = arith.addf %add3A_416, %reduce_sum3A_848 : f32
    %mul3A_850 = arith.constant 2.048000e+03 : f32
    %mul3A_851 = arith.constant 2.048000e+03 : f32
    %mul3A_852 = arith.mulf %mul3A_850, %mul3A_851 : f32
    %div3A_853 = arith.constant 6.400000e+01 : f32
    %div3A_854 = arith.divf %div3A_853, %mul3A_852 : f32
    %mul3A_855 = arith.mulf %add3A_849, %div3A_854 : f32
    %div3A_856 = arith.constant 2.000000e+00 : f32
    %div3A_857 = arith.divf %mul3A_855, %div3A_856 : f32
    %broadcast_in_dim3A_858 = vector.broadcast %div3A_857 : f32 to vector<1x1xf32>
    %swap3A_859 = arith.constant 0 : index
    %swap3A_860 = arith.constant 0 : index
    %swap3A_861 = vector.load %arg6[%swap3A_859, %swap3A_860] : memref<1x1xf32, #tpu.memory_space<vmem>>, vector<1x1xf32>
    tpu.vector_store %arg6[%swap3A_859, %swap3A_860], %broadcast_in_dim3A_858 {strides = array<i32>} : memref<1x1xf32, #tpu.memory_space<vmem>>, vector<1x1xf32>,
    return
  }
}

module attributes {stable_mosaic.version = 14 : i64} {
  func.func @_ffn_body(%arg0: i32, %arg1: memref<64x1024xf32, #tpu.memory_space<vmem>>, %arg2: memref<1x1024x128xf32, #tpu.memory_space<vmem>>, %arg3: memref<1x1x128xf32, #tpu.memory_space<vmem>>, %arg4: memref<1x128x1024xf32, #tpu.memory_space<vmem>>, %arg5: memref<1x1x1024xf32, #tpu.memory_space<vmem>>, %arg6: memref<64x1024xf32, #tpu.memory_space<vmem>>) attributes {dimension_semantics = [#tpu.dimension_semantics<arbitrary>], iteration_bounds = array<i64: 64>, scalar_prefetch = 0 : i64, scratch_operands = 0 : i64, tpu.core_type = #tpu.core_type<tc>, window_params = [{transform_indices = @transform_0, window_bounds = array<i64: 64, 1024>}, {transform_indices = @transform_1, window_bounds = array<i64: 1, 1024, 128>}, {transform_indices = @transform_2, window_bounds = array<i64: 1, 1, 128>}, {transform_indices = @transform_3, window_bounds = array<i64: 1, 128, 1024>}, {transform_indices = @transform_4, window_bounds = array<i64: 1, 1, 1024>}, {transform_indices = @transform_5, window_bounds = array<i64: 64, 1024>}]} {
    %get3A = arith.constant 0 : index
    %get3A_0 = arith.constant 0 : index
    %get3A_1 = vector.load %arg1[%get3A, %get3A_0] : memref<64x1024xf32, #tpu.memory_space<vmem>>, vector<64x1024xf32>
    %get3A_2 = arith.constant 0 : index
    %get3A_3 = arith.constant 0 : index
    %get3A_4 = arith.constant 0 : index
    %get3A_5 = vector.load %arg2[%get3A_2, %get3A_3, %get3A_4] : memref<1x1024x128xf32, #tpu.memory_space<vmem>>, vector<1x1024x128xf32>
    %get3A_6 = vector.shape_cast %get3A_5 : vector<1x1024x128xf32> to vector<1024x128xf32>
    %dot_general3A = arith.constant dense<0.000000e+00> : vector<64x128xf32>
    %dot_general3A_7 = tpu.matmul %get3A_1, %get3A_6, %dot_general3A {dimension_numbers = #tpu.dot_dimension_numbers<[1], [0], [0], [1], [0, 0, 1, 1], [], []>, transpose_lhs_hint = false} : vector<64x1024xf32>, vector<1024x128xf32>, vector<64x128xf32> -> vector<64x128xf32>
    %get3A_8 = arith.constant 0 : index
    %get3A_9 = arith.constant 0 : index
    %get3A_10 = arith.constant 0 : index
    %get3A_11 = vector.load %arg3[%get3A_8, %get3A_9, %get3A_10] : memref<1x1x128xf32, #tpu.memory_space<vmem>>, vector<1x1x128xf32>
    %get3A_12 = vector.shape_cast %get3A_11 : vector<1x1x128xf32> to vector<1x128xf32>
    %add3A = vector.broadcast %get3A_12 : vector<1x128xf32> to vector<64x128xf32>
    %add3A_13 = arith.addf %dot_general3A_7, %add3A : vector<64x128xf32>
    %integer_pow3A = arith.mulf %add3A_13, %add3A_13 : vector<64x128xf32>
    %integer_pow3A_14 = arith.mulf %add3A_13, %integer_pow3A : vector<64x128xf32>
    %mul3A = arith.constant 4.471500e-02 : f32
    %mul3A_15 = vector.broadcast %mul3A : f32 to vector<64x128xf32>
    %mul3A_16 = arith.mulf %mul3A_15, %integer_pow3A_14 : vector<64x128xf32>
    %add3A_17 = arith.addf %add3A_13, %mul3A_16 : vector<64x128xf32>
    %mul3A_18 = arith.constant 0.797884583 : f32
    %mul3A_19 = vector.broadcast %mul3A_18 : f32 to vector<64x128xf32>
    %mul3A_20 = arith.mulf %mul3A_19, %add3A_17 : vector<64x128xf32>
    %tanh3A = math.tanh %mul3A_20 : vector<64x128xf32>
    %add3A_21 = arith.constant 1.000000e+00 : f32
    %add3A_22 = vector.broadcast %add3A_21 : f32 to vector<64x128xf32>
    %add3A_23 = arith.addf %add3A_22, %tanh3A : vector<64x128xf32>
    %mul3A_24 = arith.constant 5.000000e-01 : f32
    %mul3A_25 = vector.broadcast %mul3A_24 : f32 to vector<64x128xf32>
    %mul3A_26 = arith.mulf %mul3A_25, %add3A_23 : vector<64x128xf32>
    %mul3A_27 = arith.mulf %add3A_13, %mul3A_26 : vector<64x128xf32>
    %get3A_28 = arith.constant 0 : index
    %get3A_29 = arith.constant 0 : index
    %get3A_30 = arith.constant 0 : index
    %get3A_31 = vector.load %arg4[%get3A_28, %get3A_29, %get3A_30] : memref<1x128x1024xf32, #tpu.memory_space<vmem>>, vector<1x128x1024xf32>
    %get3A_32 = vector.shape_cast %get3A_31 : vector<1x128x1024xf32> to vector<128x1024xf32>
    %dot_general3A_33 = arith.constant dense<0.000000e+00> : vector<64x1024xf32>
    %dot_general3A_34 = tpu.matmul %mul3A_27, %get3A_32, %dot_general3A_33 {dimension_numbers = #tpu.dot_dimension_numbers<[1], [0], [0], [1], [0, 0, 1, 1], [], []>, transpose_lhs_hint = false} : vector<64x128xf32>, vector<128x1024xf32>, vector<64x1024xf32> -> vector<64x1024xf32>
    %get3A_35 = arith.constant 0 : index
    %get3A_36 = arith.constant 0 : index
    %get3A_37 = arith.constant 0 : index
    %get3A_38 = vector.load %arg5[%get3A_35, %get3A_36, %get3A_37] : memref<1x1x1024xf32, #tpu.memory_space<vmem>>, vector<1x1x1024xf32>
    %get3A_39 = vector.shape_cast %get3A_38 : vector<1x1x1024xf32> to vector<1x1024xf32>
    %add3A_40 = vector.broadcast %get3A_39 : vector<1x1024xf32> to vector<64x1024xf32>
    %add3A_41 = arith.addf %dot_general3A_34, %add3A_40 : vector<64x1024xf32>
    %swap3A = arith.constant 0 : index
    %swap3A_42 = arith.constant 0 : index
    %swap3A_43 = vector.load %arg6[%swap3A, %swap3A_42] : memref<64x1024xf32, #tpu.memory_space<vmem>>, vector<64x1024xf32>
    tpu.vector_store %arg6[%swap3A, %swap3A_42], %add3A_41 {strides = array<i32>} : memref<64x1024xf32, #tpu.memory_space<vmem>>, vector<64x1024xf32>,
    return
  }
  func.func @transform_0(%arg0: i32) -> (i32, i32) {
    %c0_i32 = arith.constant 0 : i32
    %c0_i32_0 = arith.constant 0 : i32
    return %arg0, %c0_i32 : i32, i32
  }
  func.func @transform_1(%arg0: i32) -> (i32, i32, i32) {
    %c0_i32 = arith.constant 0 : i32
    %c0_i32_0 = arith.constant 0 : i32
    %c0_i32_1 = arith.constant 0 : i32
    return %arg0, %c0_i32, %c0_i32_0 : i32, i32, i32
  }
  func.func @transform_2(%arg0: i32) -> (i32, i32, i32) {
    %c0_i32 = arith.constant 0 : i32
    %c0_i32_0 = arith.constant 0 : i32
    %c0_i32_1 = arith.constant 0 : i32
    return %arg0, %c0_i32, %c0_i32_0 : i32, i32, i32
  }
  func.func @transform_3(%arg0: i32) -> (i32, i32, i32) {
    %c0_i32 = arith.constant 0 : i32
    %c0_i32_0 = arith.constant 0 : i32
    %c0_i32_1 = arith.constant 0 : i32
    return %arg0, %c0_i32, %c0_i32_0 : i32, i32, i32
  }
  func.func @transform_4(%arg0: i32) -> (i32, i32, i32) {
    %c0_i32 = arith.constant 0 : i32
    %c0_i32_0 = arith.constant 0 : i32
    %c0_i32_1 = arith.constant 0 : i32
    return %arg0, %c0_i32, %c0_i32_0 : i32, i32, i32
  }
  func.func @transform_5(%arg0: i32) -> (i32, i32) {
    %c0_i32 = arith.constant 0 : i32
    %c0_i32_0 = arith.constant 0 : i32
    return %arg0, %c0_i32 : i32, i32
  }
}

module attributes {stable_mosaic.version = 14 : i64} {
  func.func @_dense_body(%arg0: i32, %arg1: memref<256x1024xf32, #tpu.memory_space<vmem>>, %arg2: memref<256x1024xf32, #tpu.memory_space<vmem>>, %arg3: memref<256x1024xf32, #tpu.memory_space<vmem>>, %arg4: memref<256x2xf32, #tpu.memory_space<vmem>>, %arg5: memref<2x256xi32, #tpu.memory_space<vmem>>, %arg6: memref<64x64x256xf32, #tpu.memory_space<vmem>>, %arg7: memref<64x1xf32, #tpu.memory_space<vmem>>, %arg8: memref<128x128xf32, #tpu.memory_space<vmem>>, %arg9: memref<128x1xf32, #tpu.memory_space<vmem>>, %arg10: memref<128x256xf32, #tpu.memory_space<vmem>>, %arg11: memref<1024x256xf32, #tpu.memory_space<vmem>>, %arg12: memref<1x256xf32, #tpu.memory_space<vmem>>, %arg13: memref<256x1024xf32, #tpu.memory_space<vmem>>, %arg14: memref<1x1024xf32, #tpu.memory_space<vmem>>, %arg15: memref<1024x256xf32, #tpu.memory_space<vmem>>, %arg16: memref<1x256xf32, #tpu.memory_space<vmem>>, %arg17: memref<256x1024xf32, #tpu.memory_space<vmem>>, %arg18: memref<1x1024xf32, #tpu.memory_space<vmem>>, %arg19: memref<1x1024xf32, #tpu.memory_space<vmem>>, %arg20: memref<1x1024xf32, #tpu.memory_space<vmem>>, %arg21: memref<256x1024xf32, #tpu.memory_space<vmem>>) attributes {dimension_semantics = [#tpu.dimension_semantics<arbitrary>], iteration_bounds = array<i64: 8>, scalar_prefetch = 0 : i64, scratch_operands = 0 : i64, tpu.core_type = #tpu.core_type<tc>, window_params = [{transform_indices = @transform_0, window_bounds = array<i64: 256, 1024>}, {transform_indices = @transform_1, window_bounds = array<i64: 256, 1024>}, {transform_indices = @transform_2, window_bounds = array<i64: 256, 1024>}, {transform_indices = @transform_3, window_bounds = array<i64: 256, 2>}, {transform_indices = @transform_4, window_bounds = array<i64: 2, 256>}, {transform_indices = @transform_5, window_bounds = array<i64: 64, 64, 256>}, {pipeline_mode = #tpu.pipeline_mode<synchronous>, transform_indices = @transform_6, window_bounds = array<i64: 64, 1>}, {pipeline_mode = #tpu.pipeline_mode<synchronous>, transform_indices = @transform_7, window_bounds = array<i64: 128, 128>}, {pipeline_mode = #tpu.pipeline_mode<synchronous>, transform_indices = @transform_8, window_bounds = array<i64: 128, 1>}, {pipeline_mode = #tpu.pipeline_mode<synchronous>, transform_indices = @transform_9, window_bounds = array<i64: 128, 256>}, {pipeline_mode = #tpu.pipeline_mode<synchronous>, transform_indices = @transform_10, window_bounds = array<i64: 1024, 256>}, {pipeline_mode = #tpu.pipeline_mode<synchronous>, transform_indices = @transform_11, window_bounds = array<i64: 1, 256>}, {pipeline_mode = #tpu.pipeline_mode<synchronous>, transform_indices = @transform_12, window_bounds = array<i64: 256, 1024>}, {pipeline_mode = #tpu.pipeline_mode<synchronous>, transform_indices = @transform_13, window_bounds = array<i64: 1, 1024>}, {pipeline_mode = #tpu.pipeline_mode<synchronous>, transform_indices = @transform_14, window_bounds = array<i64: 1024, 256>}, {pipeline_mode = #tpu.pipeline_mode<synchronous>, transform_indices = @transform_15, window_bounds = array<i64: 1, 256>}, {pipeline_mode = #tpu.pipeline_mode<synchronous>, transform_indices = @transform_16, window_bounds = array<i64: 256, 1024>}, {pipeline_mode = #tpu.pipeline_mode<synchronous>, transform_indices = @transform_17, window_bounds = array<i64: 1, 1024>}, {pipeline_mode = #tpu.pipeline_mode<synchronous>, transform_indices = @transform_18, window_bounds = array<i64: 1, 1024>}, {pipeline_mode = #tpu.pipeline_mode<synchronous>, transform_indices = @transform_19, window_bounds = array<i64: 1, 1024>}, {transform_indices = @transform_20, window_bounds = array<i64: 256, 1024>}]} {
    %get3A = arith.constant 0 : index
    %get3A_0 = arith.constant 0 : index
    %get3A_1 = vector.load %arg1[%get3A, %get3A_0] : memref<256x1024xf32, #tpu.memory_space<vmem>>, vector<256x1024xf32>
    %get3A_2 = arith.constant 0 : index
    %get3A_3 = arith.constant 0 : index
    %get3A_4 = arith.constant 0 : index
    %get3A_5 = vector.load %arg6[%get3A_2, %get3A_3, %get3A_4] : memref<64x64x256xf32, #tpu.memory_space<vmem>>, vector<64x64x256xf32>
    %get3A_6 = arith.constant 0 : index
    %get3A_7 = arith.constant 0 : index
    %get3A_8 = vector.load %arg7[%get3A_6, %get3A_7] : memref<64x1xf32, #tpu.memory_space<vmem>>, vector<64x1xf32>
    %broadcast_in_dim3A = vector.shape_cast %get3A_8 : vector<64x1xf32> to vector<64x1xf32>
    %broadcast_in_dim3A_9 = vector.broadcast %broadcast_in_dim3A : vector<64x1xf32> to vector<64x256xf32>
    %broadcast_in_dim3A_10 = arith.constant 0.000000e+00 : f32
    %broadcast_in_dim3A_11 = vector.broadcast %broadcast_in_dim3A_10 : f32 to vector<256x256xf32>
    %get3A_12 = arith.constant 0 : index
    %get3A_13 = arith.constant 0 : index
    %get3A_14 = vector.load %arg5[%get3A_12, %get3A_13] : memref<2x256xi32, #tpu.memory_space<vmem>>, vector<2x256xi32>
    %slice3A = vector.extract_strided_slice %get3A_14 {offsets = [0, 0], sizes = [1, 256], strides = [1, 1]} : vector<2x256xi32> to vector<1x256xi32>
    %iota3A = tpu.iota {dimensions = array<i32: 0>} : vector<64x256xi32>
    %eq3A = vector.broadcast %slice3A : vector<1x256xi32> to vector<64x256xi32>
    %eq3A_15 = arith.cmpi eq, %iota3A, %eq3A : vector<64x256xi32>
    %convert_element_type3A = arith.extui %eq3A_15 : vector<64x256xi1> to vector<64x256xi32>
    %convert_element_type3A_16 = arith.sitofp %convert_element_type3A : vector<64x256xi32> to vector<64x256xf32>
    %broadcast_in_dim3A_17 = vector.shape_cast %convert_element_type3A_16 : vector<64x256xf32> to vector<64x1x256xf32>
    %mul3A = vector.broadcast %broadcast_in_dim3A_17 : vector<64x1x256xf32> to vector<64x64x256xf32>
    %mul3A_18 = arith.mulf %get3A_5, %mul3A : vector<64x64x256xf32>
    %reduce_sum3A = arith.constant dense<0.000000e+00> : vector<64x256xf32>
    %reduce_sum3A_19 = vector.multi_reduction <add>, %mul3A_18, %reduce_sum3A [0] : vector<64x64x256xf32> to vector<64x256xf32>
    %concatenate3A = tpu.concatenate %reduce_sum3A_19, %broadcast_in_dim3A_9 in 0 : vector<64x256xf32>, vector<64x256xf32> -> vector<128x256xf32>
    %get3A_20 = arith.constant 0 : index
    %get3A_21 = arith.constant 0 : index
    %get3A_22 = vector.load %arg8[%get3A_20, %get3A_21] : memref<128x128xf32, #tpu.memory_space<vmem>>, vector<128x128xf32>
    %dot_general3A = arith.constant dense<0.000000e+00> : vector<128x256xf32>
    %dot_general3A_23 = tpu.matmul %get3A_22, %concatenate3A, %dot_general3A {dimension_numbers = #tpu.dot_dimension_numbers<[0], [0], [1], [1], [0, 1, 1, 1], [], []>, transpose_lhs_hint = false} : vector<128x128xf32>, vector<128x256xf32>, vector<128x256xf32> -> vector<128x256xf32>
    %get3A_24 = arith.constant 0 : index
    %get3A_25 = arith.constant 0 : index
    %get3A_26 = vector.load %arg9[%get3A_24, %get3A_25] : memref<128x1xf32, #tpu.memory_space<vmem>>, vector<128x1xf32>
    %add3A = vector.broadcast %get3A_26 : vector<128x1xf32> to vector<128x256xf32>
    %add3A_27 = arith.addf %dot_general3A_23, %add3A : vector<128x256xf32>
    %max3A = arith.constant 0.000000e+00 : f32
    %max3A_28 = vector.broadcast %max3A : f32 to vector<128x256xf32>
    %max3A_29 = arith.maximumf %add3A_27, %max3A_28 : vector<128x256xf32>
    %get3A_30 = arith.constant 0 : index
    %get3A_31 = arith.constant 0 : index
    %get3A_32 = vector.load %arg10[%get3A_30, %get3A_31] : memref<128x256xf32, #tpu.memory_space<vmem>>, vector<128x256xf32>
    %dot_general3A_33 = arith.constant dense<0.000000e+00> : vector<256x256xf32>
    %dot_general3A_34 = tpu.matmul %get3A_32, %max3A_29, %dot_general3A_33 {dimension_numbers = #tpu.dot_dimension_numbers<[0], [0], [1], [1], [0, 1, 1, 1], [], []>, transpose_lhs_hint = false} : vector<128x256xf32>, vector<128x256xf32>, vector<256x256xf32> -> vector<256x256xf32>
    %add3A_35 = arith.addf %broadcast_in_dim3A_11, %dot_general3A_34 : vector<256x256xf32>
    %get3A_36 = arith.constant 0 : index
    %get3A_37 = arith.constant 0 : index
    %get3A_38 = vector.load %arg5[%get3A_36, %get3A_37] : memref<2x256xi32, #tpu.memory_space<vmem>>, vector<2x256xi32>
    %slice3A_39 = vector.extract_strided_slice %get3A_38 {offsets = [1, 0], sizes = [1, 256], strides = [1, 1]} : vector<2x256xi32> to vector<1x256xi32>
    %iota3A_40 = tpu.iota {dimensions = array<i32: 0>} : vector<64x256xi32>
    %eq3A_41 = vector.broadcast %slice3A_39 : vector<1x256xi32> to vector<64x256xi32>
    %eq3A_42 = arith.cmpi eq, %iota3A_40, %eq3A_41 : vector<64x256xi32>
    %convert_element_type3A_43 = arith.extui %eq3A_42 : vector<64x256xi1> to vector<64x256xi32>
    %convert_element_type3A_44 = arith.sitofp %convert_element_type3A_43 : vector<64x256xi32> to vector<64x256xf32>
    %broadcast_in_dim3A_45 = vector.shape_cast %convert_element_type3A_44 : vector<64x256xf32> to vector<64x1x256xf32>
    %mul3A_46 = vector.broadcast %broadcast_in_dim3A_45 : vector<64x1x256xf32> to vector<64x64x256xf32>
    %mul3A_47 = arith.mulf %get3A_5, %mul3A_46 : vector<64x64x256xf32>
    %reduce_sum3A_48 = arith.constant dense<0.000000e+00> : vector<64x256xf32>
    %reduce_sum3A_49 = vector.multi_reduction <add>, %mul3A_47, %reduce_sum3A_48 [0] : vector<64x64x256xf32> to vector<64x256xf32>
    %concatenate3A_50 = tpu.concatenate %reduce_sum3A_49, %broadcast_in_dim3A_9 in 0 : vector<64x256xf32>, vector<64x256xf32> -> vector<128x256xf32>
    %get3A_51 = arith.constant 0 : index
    %get3A_52 = arith.constant 0 : index
    %get3A_53 = vector.load %arg8[%get3A_51, %get3A_52] : memref<128x128xf32, #tpu.memory_space<vmem>>, vector<128x128xf32>
    %dot_general3A_54 = arith.constant dense<0.000000e+00> : vector<128x256xf32>
    %dot_general3A_55 = tpu.matmul %get3A_53, %concatenate3A_50, %dot_general3A_54 {dimension_numbers = #tpu.dot_dimension_numbers<[0], [0], [1], [1], [0, 1, 1, 1], [], []>, transpose_lhs_hint = false} : vector<128x128xf32>, vector<128x256xf32>, vector<128x256xf32> -> vector<128x256xf32>
    %get3A_56 = arith.constant 0 : index
    %get3A_57 = arith.constant 0 : index
    %get3A_58 = vector.load %arg9[%get3A_56, %get3A_57] : memref<128x1xf32, #tpu.memory_space<vmem>>, vector<128x1xf32>
    %add3A_59 = vector.broadcast %get3A_58 : vector<128x1xf32> to vector<128x256xf32>
    %add3A_60 = arith.addf %dot_general3A_55, %add3A_59 : vector<128x256xf32>
    %max3A_61 = arith.constant 0.000000e+00 : f32
    %max3A_62 = vector.broadcast %max3A_61 : f32 to vector<128x256xf32>
    %max3A_63 = arith.maximumf %add3A_60, %max3A_62 : vector<128x256xf32>
    %get3A_64 = arith.constant 0 : index
    %get3A_65 = arith.constant 0 : index
    %get3A_66 = vector.load %arg10[%get3A_64, %get3A_65] : memref<128x256xf32, #tpu.memory_space<vmem>>, vector<128x256xf32>
    %dot_general3A_67 = arith.constant dense<0.000000e+00> : vector<256x256xf32>
    %dot_general3A_68 = tpu.matmul %get3A_66, %max3A_63, %dot_general3A_67 {dimension_numbers = #tpu.dot_dimension_numbers<[0], [0], [1], [1], [0, 1, 1, 1], [], []>, transpose_lhs_hint = false} : vector<128x256xf32>, vector<128x256xf32>, vector<256x256xf32> -> vector<256x256xf32>
    %add3A_69 = arith.addf %add3A_35, %dot_general3A_68 : vector<256x256xf32>
    %transpose3A = tpu.transpose %add3A_69, [1, 0] : vector<256x256xf32> -> vector<256x256xf32>
    %get3A_70 = arith.constant 0 : index
    %get3A_71 = arith.constant 0 : index
    %get3A_72 = vector.load %arg11[%get3A_70, %get3A_71] : memref<1024x256xf32, #tpu.memory_space<vmem>>, vector<1024x256xf32>
    %dot_general3A_73 = arith.constant dense<0.000000e+00> : vector<256x256xf32>
    %dot_general3A_74 = tpu.matmul %get3A_1, %get3A_72, %dot_general3A_73 {dimension_numbers = #tpu.dot_dimension_numbers<[1], [0], [0], [1], [0, 0, 1, 1], [], []>, transpose_lhs_hint = false} : vector<256x1024xf32>, vector<1024x256xf32>, vector<256x256xf32> -> vector<256x256xf32>
    %get3A_75 = arith.constant 0 : index
    %get3A_76 = arith.constant 0 : index
    %get3A_77 = vector.load %arg12[%get3A_75, %get3A_76] : memref<1x256xf32, #tpu.memory_space<vmem>>, vector<1x256xf32>
    %add3A_78 = vector.broadcast %get3A_77 : vector<1x256xf32> to vector<256x256xf32>
    %add3A_79 = arith.addf %dot_general3A_74, %add3A_78 : vector<256x256xf32>
    %max3A_80 = arith.constant 0.000000e+00 : f32
    %max3A_81 = vector.broadcast %max3A_80 : f32 to vector<256x256xf32>
    %max3A_82 = arith.maximumf %add3A_79, %max3A_81 : vector<256x256xf32>
    %mul3A_83 = arith.mulf %max3A_82, %transpose3A : vector<256x256xf32>
    %get3A_84 = arith.constant 0 : index
    %get3A_85 = arith.constant 0 : index
    %get3A_86 = vector.load %arg13[%get3A_84, %get3A_85] : memref<256x1024xf32, #tpu.memory_space<vmem>>, vector<256x1024xf32>
    %dot_general3A_87 = arith.constant dense<0.000000e+00> : vector<256x1024xf32>
    %dot_general3A_88 = tpu.matmul %mul3A_83, %get3A_86, %dot_general3A_87 {dimension_numbers = #tpu.dot_dimension_numbers<[1], [0], [0], [1], [0, 0, 1, 1], [], []>, transpose_lhs_hint = false} : vector<256x256xf32>, vector<256x1024xf32>, vector<256x1024xf32> -> vector<256x1024xf32>
    %get3A_89 = arith.constant 0 : index
    %get3A_90 = arith.constant 0 : index
    %get3A_91 = vector.load %arg14[%get3A_89, %get3A_90] : memref<1x1024xf32, #tpu.memory_space<vmem>>, vector<1x1024xf32>
    %mul3A_92 = arith.constant 2.000000e+00 : f32
    %mul3A_93 = vector.broadcast %mul3A_92 : f32 to vector<1x1024xf32>
    %mul3A_94 = arith.mulf %mul3A_93, %get3A_91 : vector<1x1024xf32>
    %add3A_95 = vector.broadcast %mul3A_94 : vector<1x1024xf32> to vector<256x1024xf32>
    %add3A_96 = arith.addf %dot_general3A_88, %add3A_95 : vector<256x1024xf32>
    %get3A_97 = arith.constant 0 : index
    %get3A_98 = arith.constant 0 : index
    %get3A_99 = vector.load %arg15[%get3A_97, %get3A_98] : memref<1024x256xf32, #tpu.memory_space<vmem>>, vector<1024x256xf32>
    %dot_general3A_100 = arith.constant dense<0.000000e+00> : vector<256x256xf32>
    %dot_general3A_101 = tpu.matmul %get3A_1, %get3A_99, %dot_general3A_100 {dimension_numbers = #tpu.dot_dimension_numbers<[1], [0], [0], [1], [0, 0, 1, 1], [], []>, transpose_lhs_hint = false} : vector<256x1024xf32>, vector<1024x256xf32>, vector<256x256xf32> -> vector<256x256xf32>
    %get3A_102 = arith.constant 0 : index
    %get3A_103 = arith.constant 0 : index
    %get3A_104 = vector.load %arg16[%get3A_102, %get3A_103] : memref<1x256xf32, #tpu.memory_space<vmem>>, vector<1x256xf32>
    %add3A_105 = vector.broadcast %get3A_104 : vector<1x256xf32> to vector<256x256xf32>
    %add3A_106 = arith.addf %dot_general3A_101, %add3A_105 : vector<256x256xf32>
    %max3A_107 = arith.constant 0.000000e+00 : f32
    %max3A_108 = vector.broadcast %max3A_107 : f32 to vector<256x256xf32>
    %max3A_109 = arith.maximumf %add3A_106, %max3A_108 : vector<256x256xf32>
    %get3A_110 = arith.constant 0 : index
    %get3A_111 = arith.constant 0 : index
    %get3A_112 = vector.load %arg17[%get3A_110, %get3A_111] : memref<256x1024xf32, #tpu.memory_space<vmem>>, vector<256x1024xf32>
    %dot_general3A_113 = arith.constant dense<0.000000e+00> : vector<256x1024xf32>
    %dot_general3A_114 = tpu.matmul %max3A_109, %get3A_112, %dot_general3A_113 {dimension_numbers = #tpu.dot_dimension_numbers<[1], [0], [0], [1], [0, 0, 1, 1], [], []>, transpose_lhs_hint = false} : vector<256x256xf32>, vector<256x1024xf32>, vector<256x1024xf32> -> vector<256x1024xf32>
    %get3A_115 = arith.constant 0 : index
    %get3A_116 = arith.constant 0 : index
    %get3A_117 = vector.load %arg18[%get3A_115, %get3A_116] : memref<1x1024xf32, #tpu.memory_space<vmem>>, vector<1x1024xf32>
    %add3A_118 = vector.broadcast %get3A_117 : vector<1x1024xf32> to vector<256x1024xf32>
    %add3A_119 = arith.addf %dot_general3A_114, %add3A_118 : vector<256x1024xf32>
    %get3A_120 = arith.constant 0 : index
    %get3A_121 = arith.constant 0 : index
    %get3A_122 = vector.load %arg4[%get3A_120, %get3A_121] : memref<256x2xf32, #tpu.memory_space<vmem>>, vector<256x2xf32>
    %slice3A_123 = vector.extract_strided_slice %get3A_122 {offsets = [0, 0], sizes = [256, 1], strides = [1, 1]} : vector<256x2xf32> to vector<256x1xf32>
    %slice3A_124 = vector.extract_strided_slice %get3A_122 {offsets = [0, 1], sizes = [256, 1], strides = [1, 1]} : vector<256x2xf32> to vector<256x1xf32>
    %eq3A_125 = arith.constant 0.000000e+00 : f32
    %eq3A_126 = vector.broadcast %eq3A_125 : f32 to vector<256x1xf32>
    %eq3A_127 = arith.cmpf oeq, %slice3A_123, %eq3A_126 : vector<256x1xf32>
    %get3A_128 = arith.constant 0 : index
    %get3A_129 = arith.constant 0 : index
    %get3A_130 = vector.load %arg2[%get3A_128, %get3A_129] : memref<256x1024xf32, #tpu.memory_space<vmem>>, vector<256x1024xf32>
    %mul3A_131 = vector.broadcast %slice3A_123 : vector<256x1xf32> to vector<256x1024xf32>
    %mul3A_132 = arith.mulf %get3A_130, %mul3A_131 : vector<256x1024xf32>
    %jit3A = arith.constant 0.000000e+00 : f32
    %broadcast_in_dim3A_133 = vector.shape_cast %eq3A_127 : vector<256x1xi1> to vector<256x1xi1>
    %broadcast_in_dim3A_134 = vector.broadcast %broadcast_in_dim3A_133 : vector<256x1xi1> to vector<256x1024xi1>
    %broadcast_in_dim3A_135 = vector.broadcast %jit3A : f32 to vector<256x1024xf32>
    %select_n3A = arith.select %broadcast_in_dim3A_134, %broadcast_in_dim3A_135, %mul3A_132 : vector<256x1024xi1>, vector<256x1024xf32>
    %eq3A_136 = arith.constant 0.000000e+00 : f32
    %eq3A_137 = vector.broadcast %eq3A_136 : f32 to vector<256x1xf32>
    %eq3A_138 = arith.cmpf oeq, %slice3A_124, %eq3A_137 : vector<256x1xf32>
    %get3A_139 = arith.constant 0 : index
    %get3A_140 = arith.constant 0 : index
    %get3A_141 = vector.load %arg3[%get3A_139, %get3A_140] : memref<256x1024xf32, #tpu.memory_space<vmem>>, vector<256x1024xf32>
    %mul3A_142 = vector.broadcast %slice3A_124 : vector<256x1xf32> to vector<256x1024xf32>
    %mul3A_143 = arith.mulf %get3A_141, %mul3A_142 : vector<256x1024xf32>
    %jit3A_144 = arith.constant 0.000000e+00 : f32
    %broadcast_in_dim3A_145 = vector.shape_cast %eq3A_138 : vector<256x1xi1> to vector<256x1xi1>
    %broadcast_in_dim3A_146 = vector.broadcast %broadcast_in_dim3A_145 : vector<256x1xi1> to vector<256x1024xi1>
    %broadcast_in_dim3A_147 = vector.broadcast %jit3A_144 : f32 to vector<256x1024xf32>
    %select_n3A_148 = arith.select %broadcast_in_dim3A_146, %broadcast_in_dim3A_147, %mul3A_143 : vector<256x1024xi1>, vector<256x1024xf32>
    %add3A_149 = arith.addf %select_n3A, %select_n3A_148 : vector<256x1024xf32>
    %add3A_150 = arith.addf %add3A_149, %add3A_96 : vector<256x1024xf32>
    %add3A_151 = arith.addf %add3A_150, %add3A_119 : vector<256x1024xf32>
    %add3A_152 = arith.addf %add3A_151, %get3A_1 : vector<256x1024xf32>
    %reduce_sum3A_153 = arith.constant dense<0.000000e+00> : vector<256xf32>
    %reduce_sum3A_154 = vector.multi_reduction <add>, %add3A_152, %reduce_sum3A_153 [1] : vector<256x1024xf32> to vector<256xf32>
    %broadcast_in_dim3A_155 = vector.shape_cast %reduce_sum3A_154 : vector<256xf32> to vector<256x1xf32>
    %div3A = arith.constant 1.024000e+03 : f32
    %div3A_156 = vector.broadcast %div3A : f32 to vector<256x1xf32>
    %div3A_157 = arith.divf %broadcast_in_dim3A_155, %div3A_156 : vector<256x1xf32>
    %sub3A = vector.broadcast %div3A_157 : vector<256x1xf32> to vector<256x1024xf32>
    %sub3A_158 = arith.subf %add3A_152, %sub3A : vector<256x1024xf32>
    %mul3A_159 = arith.mulf %sub3A_158, %sub3A_158 : vector<256x1024xf32>
    %reduce_sum3A_160 = arith.constant dense<0.000000e+00> : vector<256xf32>
    %reduce_sum3A_161 = vector.multi_reduction <add>, %mul3A_159, %reduce_sum3A_160 [1] : vector<256x1024xf32> to vector<256xf32>
    %broadcast_in_dim3A_162 = vector.shape_cast %reduce_sum3A_161 : vector<256xf32> to vector<256x1xf32>
    %div3A_163 = arith.constant 1.024000e+03 : f32
    %div3A_164 = vector.broadcast %div3A_163 : f32 to vector<256x1xf32>
    %div3A_165 = arith.divf %broadcast_in_dim3A_162, %div3A_164 : vector<256x1xf32>
    %add3A_166 = arith.constant 9.99999974E-6 : f32
    %add3A_167 = vector.broadcast %add3A_166 : f32 to vector<256x1xf32>
    %add3A_168 = arith.addf %div3A_165, %add3A_167 : vector<256x1xf32>
    %sqrt3A = math.sqrt %add3A_168 : vector<256x1xf32>
    %div3A_169 = vector.broadcast %sqrt3A : vector<256x1xf32> to vector<256x1024xf32>
    %div3A_170 = arith.divf %sub3A_158, %div3A_169 : vector<256x1024xf32>
    %get3A_171 = arith.constant 0 : index
    %get3A_172 = arith.constant 0 : index
    %get3A_173 = vector.load %arg19[%get3A_171, %get3A_172] : memref<1x1024xf32, #tpu.memory_space<vmem>>, vector<1x1024xf32>
    %mul3A_174 = vector.broadcast %get3A_173 : vector<1x1024xf32> to vector<256x1024xf32>
    %mul3A_175 = arith.mulf %div3A_170, %mul3A_174 : vector<256x1024xf32>
    %get3A_176 = arith.constant 0 : index
    %get3A_177 = arith.constant 0 : index
    %get3A_178 = vector.load %arg20[%get3A_176, %get3A_177] : memref<1x1024xf32, #tpu.memory_space<vmem>>, vector<1x1024xf32>
    %add3A_179 = vector.broadcast %get3A_178 : vector<1x1024xf32> to vector<256x1024xf32>
    %add3A_180 = arith.addf %mul3A_175, %add3A_179 : vector<256x1024xf32>
    %swap3A = arith.constant 0 : index
    %swap3A_181 = arith.constant 0 : index
    %swap3A_182 = vector.load %arg21[%swap3A, %swap3A_181] : memref<256x1024xf32, #tpu.memory_space<vmem>>, vector<256x1024xf32>
    tpu.vector_store %arg21[%swap3A, %swap3A_181], %add3A_180 {strides = array<i32>} : memref<256x1024xf32, #tpu.memory_space<vmem>>, vector<256x1024xf32>,
    return
  }
  func.func @transform_0(%arg0: i32) -> (i32, i32) {
    %c0_i32 = arith.constant 0 : i32
    %c0_i32_0 = arith.constant 0 : i32
    return %arg0, %c0_i32 : i32, i32
  }
  func.func @transform_1(%arg0: i32) -> (i32, i32) {
    %c0_i32 = arith.constant 0 : i32
    %c0_i32_0 = arith.constant 0 : i32
    return %arg0, %c0_i32 : i32, i32
  }
  func.func @transform_2(%arg0: i32) -> (i32, i32) {
    %c0_i32 = arith.constant 0 : i32
    %c0_i32_0 = arith.constant 0 : i32
    return %arg0, %c0_i32 : i32, i32
  }
  func.func @transform_3(%arg0: i32) -> (i32, i32) {
    %c0_i32 = arith.constant 0 : i32
    %c0_i32_0 = arith.constant 0 : i32
    return %arg0, %c0_i32 : i32, i32
  }
  func.func @transform_4(%arg0: i32) -> (i32, i32) {
    %c0_i32 = arith.constant 0 : i32
    %c0_i32_0 = arith.constant 0 : i32
    return %c0_i32, %arg0 : i32, i32
  }
  func.func @transform_5(%arg0: i32) -> (i32, i32, i32) {
    %c0_i32 = arith.constant 0 : i32
    %c0_i32_0 = arith.constant 0 : i32
    %c0_i32_1 = arith.constant 0 : i32
    return %c0_i32, %c0_i32_0, %arg0 : i32, i32, i32
  }
  func.func @transform_6(%arg0: i32) -> (i32, i32) {
    %c0_i32 = arith.constant 0 : i32
    %c0_i32_0 = arith.constant 0 : i32
    %c0_i32_1 = arith.constant 0 : i32
    return %c0_i32, %c0_i32_0 : i32, i32
  }
  func.func @transform_7(%arg0: i32) -> (i32, i32) {
    %c0_i32 = arith.constant 0 : i32
    %c0_i32_0 = arith.constant 0 : i32
    %c0_i32_1 = arith.constant 0 : i32
    return %c0_i32, %c0_i32_0 : i32, i32
  }
  func.func @transform_8(%arg0: i32) -> (i32, i32) {
    %c0_i32 = arith.constant 0 : i32
    %c0_i32_0 = arith.constant 0 : i32
    %c0_i32_1 = arith.constant 0 : i32
    return %c0_i32, %c0_i32_0 : i32, i32
  }
  func.func @transform_9(%arg0: i32) -> (i32, i32) {
    %c0_i32 = arith.constant 0 : i32
    %c0_i32_0 = arith.constant 0 : i32
    %c0_i32_1 = arith.constant 0 : i32
    return %c0_i32, %c0_i32_0 : i32, i32
  }
  func.func @transform_10(%arg0: i32) -> (i32, i32) {
    %c0_i32 = arith.constant 0 : i32
    %c0_i32_0 = arith.constant 0 : i32
    %c0_i32_1 = arith.constant 0 : i32
    return %c0_i32, %c0_i32_0 : i32, i32
  }
  func.func @transform_11(%arg0: i32) -> (i32, i32) {
    %c0_i32 = arith.constant 0 : i32
    %c0_i32_0 = arith.constant 0 : i32
    %c0_i32_1 = arith.constant 0 : i32
    return %c0_i32, %c0_i32_0 : i32, i32
  }
  func.func @transform_12(%arg0: i32) -> (i32, i32) {
    %c0_i32 = arith.constant 0 : i32
    %c0_i32_0 = arith.constant 0 : i32
    %c0_i32_1 = arith.constant 0 : i32
    return %c0_i32, %c0_i32_0 : i32, i32
  }
  func.func @transform_13(%arg0: i32) -> (i32, i32) {
    %c0_i32 = arith.constant 0 : i32
    %c0_i32_0 = arith.constant 0 : i32
    %c0_i32_1 = arith.constant 0 : i32
    return %c0_i32, %c0_i32_0 : i32, i32
  }
  func.func @transform_14(%arg0: i32) -> (i32, i32) {
    %c0_i32 = arith.constant 0 : i32
    %c0_i32_0 = arith.constant 0 : i32
    %c0_i32_1 = arith.constant 0 : i32
    return %c0_i32, %c0_i32_0 : i32, i32
  }
  func.func @transform_15(%arg0: i32) -> (i32, i32) {
    %c0_i32 = arith.constant 0 : i32
    %c0_i32_0 = arith.constant 0 : i32
    %c0_i32_1 = arith.constant 0 : i32
    return %c0_i32, %c0_i32_0 : i32, i32
  }
  func.func @transform_16(%arg0: i32) -> (i32, i32) {
    %c0_i32 = arith.constant 0 : i32
    %c0_i32_0 = arith.constant 0 : i32
    %c0_i32_1 = arith.constant 0 : i32
    return %c0_i32, %c0_i32_0 : i32, i32
  }
  func.func @transform_17(%arg0: i32) -> (i32, i32) {
    %c0_i32 = arith.constant 0 : i32
    %c0_i32_0 = arith.constant 0 : i32
    %c0_i32_1 = arith.constant 0 : i32
    return %c0_i32, %c0_i32_0 : i32, i32
  }
  func.func @transform_18(%arg0: i32) -> (i32, i32) {
    %c0_i32 = arith.constant 0 : i32
    %c0_i32_0 = arith.constant 0 : i32
    %c0_i32_1 = arith.constant 0 : i32
    return %c0_i32, %c0_i32_0 : i32, i32
  }
  func.func @transform_19(%arg0: i32) -> (i32, i32) {
    %c0_i32 = arith.constant 0 : i32
    %c0_i32_0 = arith.constant 0 : i32
    %c0_i32_1 = arith.constant 0 : i32
    return %c0_i32, %c0_i32_0 : i32, i32
  }
  func.func @transform_20(%arg0: i32) -> (i32, i32) {
    %c0_i32 = arith.constant 0 : i32
    %c0_i32_0 = arith.constant 0 : i32
    return %arg0, %c0_i32 : i32, i32
  }
}

</mosaic_0001>

<sc_bundles>
// kernel: kernel.11.cloned.1.call-start
scs
__scs_entry_jumppad:
0x0: {  	(pc) =	sbr.rel $0x88, $3  }
0x1: {  	(tag) =	ssettag $0x0;
	lr =	simm.s32 $0x1  }
0x2: {  	[smem:$0x3F8B] =	sst lr;
	_ =	strace $0xD0000000  }
0x3: {  	_ = 	snop  }
0x4: {  	_ = 	snop  }
0x5: {  	_ = 	snop  }
0x6: {  	_ = 	snop  }
0x7: {  	_ = 	snop  }
__scs_overlays_trampoline_lowered:
0x8: {  	[smem:$0x3F9A] =	sst s0  }
0x9: {  	[smem:$0x3F9B] =	sst s1  }
0xa: {  	[smem:$0x3F9C] =	sst s2  }
0xb: {  	[smem:$0x3F9D] =	sst s3  }
0xc: {  	[smem:$0x3F9E] =	sst s4  }
0xd: {  	[smem:$0x3F9F] =	sst s5  }
0xe: {  	[smem:$0x3FA0] =	sst s6  }
0xf: {  	[smem:$0x3FA1] =	sst s7  }
0x10: {  	[smem:$0x3FA2] =	sst s8  }
0x11: {  	[smem:$0x3FA3] =	sst s9;
	s0 =	simm.s32 @!p0 $0x0  }
0x12: {  	s1 =	sld [smem:$0x3F89];
	s0 =	simm.s32 @p0 $0x1  }
0x13: {  	[smem:$0x3FA4] =	sst s0;
	s0 =	simm.s32 @!p1 $0x0  }
0x14: {  	s2 =	sld [smem:$0x3F88];
	s0 =	simm.s32 @p1 $0x1  }
0x15: {  	[smem:$0x3FA5] =	sst s0;
	s0 =	simm.s32 @!p2 $0x0  }
0x16: {  	s3 =	sld [smem:$0x3FDB];
	s0 =	simm.s32 @p2 $0x1  }
0x17: {  	s4 =	simm.s32 $0x1BF5;
	[smem:$0x3FA7] =	sst s0  }
0x18: {  	s0 =	sld [smem:$0x3F8A];
	_ =	swait.ge [sflag:s4], $0x0  }
0x19: {  	s7 =	sld [smem:$0x3F8B]  }
0x1a: {  	s8 =	sadd.s32 $0xFFFFE003, lr  }
0x1b: {  	s9 =	sadd.s32 $0xFFFFFEF7, lr;
	s5 =	simm.s32 $0xFFFFFFFF;
	p2 =	slt.u32 s8, $0xFFFFF086  }
0x1c: {  	p1 =	slt.u32 s9, $0xF7A;
	s5 =	simm.s32 @!p2 $0x0  }
0x1d: {  	s5 =	simm.s32 @p1 $0x1;
	p0 =	seq.s32 s7, s2  }
0x1e: {  	s7 =	smul.u32 @!p0 $0xF7A, s2;
	p2 =	seq.s32 @!p0 s5, $0x0  }
0x1f: {  	s9 =	smul.u32 $0xF7A, s1;
	s8 =	simm.s32 @!p0 $0x1BF5;
	p2 =	por !p2, p0  }
0x20: {  	[sflag:s8] =	ssyncset.s32 @!p0 $0xFFFFF086;
	s6 =	sadd.s32 @!p0 s3, s7;
	s7 =	simm.s32 @!p0 $0x108  }
0x21: {  	s3 =	sadd.s32 s3, s9;
	s6 =	sadd.s32 @!p0 $0x88, s6;
	s7 =	simm.s32 @p2 $0x1082  }
0x22: {  	[simem:s7], [sflag:s8] =	dma.local @!p0 [hbm:s6], $0xF7A  }
0x23: {  	s9 =	sor.u32 $0xD0000000, s2;
	s6 =	simm.s32 $0x108;
	_ =	swait.ge @!p0 [sflag:s8], $0x0  }
0x24: {  	s3 =	sadd.s32 $0x88, s3;
	s6 =	simm.s32 @!p1 $0x1082;
	[sflag:s4] =	ssyncset.s32 $0xFFFFF086  }
0x25: {  	[simem:s6], [sflag:s4] =	dma.local [hbm:s3], $0xF7A  }
0x26: {  	[smem:$0x3F8B] =	sst s1;
	(tag) =	ssettag s2;
	_ =	strace s9  }
0x27: {  	s1 =	sld [smem:$0x3F9B]  }
0x28: {  	s2 =	sld [smem:$0x3F9C]  }
0x29: {  	s4 =	sld [smem:$0x3F9E]  }
0x2a: {  	p0 =	seq.s32 s5, $0x0;
	s5 =	sld [smem:$0x3F9F]  }
0x2b: {  	s6 =	sld [smem:$0x3FA0]  }
0x2c: {  	s7 =	sld [smem:$0x3FA1]  }
0x2d: {  	s3 =	simm.s32 $0x108;
	s8 =	sld [smem:$0x3FA2]  }
0x2e: {  	s3 =	simm.s32 @!p0 $0x1082;
	s9 =	sld [smem:$0x3FA3]  }
0x2f: {  	lr =	sadd.s32 s0, s3;
	s0 =	sld [smem:$0x3F9A]  }
0x30: {  	s3 =	sld [smem:$0x3F9D]  }
0x31: {  	[smem:$0x3FA6] =	sst s10  }
0x32: {  	s10 =	sld [smem:$0x3FA4];
	_ =	sdelay $0x3  }
0x33: {  	p0 =	seq.s32 s10, $0x1;
	s10 =	sld [smem:$0x3FA6];
	_ =	sdelay $0x3  }
0x34: {  	[smem:$0x3FA6] =	sst s10  }
0x35: {  	s10 =	sld [smem:$0x3FA5];
	_ =	sdelay $0x3  }
0x36: {  	p1 =	seq.s32 s10, $0x1;
	s10 =	sld [smem:$0x3FA6];
	_ =	sdelay $0x3  }
0x37: {  	[smem:$0x3FA6] =	sst s10  }
0x38: {  	s10 =	sld [smem:$0x3FA7]  }
0x39: {  	_ = 	snop;
	(pc) =	sbr.ind lr, $3  }
0x3a: {  	_ = 	snop  }
0x3b: {  	_ = 	snop  }
0x3c: {  	p2 =	seq.s32 s10, $0x1;
	s10 =	sld [smem:$0x3FA6]  }
0x3d: {  	_ =	shalt  }
0x3e: {  	_ =	shalt  }
0x3f: {  	_ =	shalt  }
0x40: {  	_ =	shalt  }
0x41: {  	_ =	shalt  }
0x42: {  	_ =	shalt  }
0x43: {  	_ =	shalt  }
0x44: {  	_ =	shalt  }
0x45: {  	_ =	shalt  }
0x46: {  	_ =	shalt  }
0x47: {  	_ =	shalt  }
0x48: {  	_ =	shalt  }
0x49: {  	_ =	shalt  }
0x4a: {  	_ =	shalt  }
0x4b: {  	_ =	shalt  }
0x4c: {  	_ =	shalt  }
0x4d: {  	_ =	shalt  }
0x4e: {  	_ =	shalt  }
0x4f: {  	_ =	shalt  }
0x50: {  	_ =	shalt  }
0x51: {  	_ =	shalt  }
0x52: {  	_ =	shalt  }
0x53: {  	_ =	shalt  }
0x54: {  	_ =	shalt  }
0x55: {  	_ =	shalt  }
0x56: {  	_ =	shalt  }
0x57: {  	_ =	shalt  }
0x58: {  	_ =	shalt  }
0x59: {  	_ =	shalt  }
0x5a: {  	_ =	shalt  }
0x5b: {  	_ =	shalt  }
0x5c: {  	_ =	shalt  }
0x5d: {  	_ =	shalt  }
0x5e: {  	_ =	shalt  }
0x5f: {  	_ =	shalt  }
0x60: {  	_ =	shalt  }
0x61: {  	_ =	shalt  }
0x62: {  	_ =	shalt  }
0x63: {  	_ =	shalt  }
0x64: {  	_ =	shalt  }
0x65: {  	_ =	shalt  }
0x66: {  	_ =	shalt  }
0x67: {  	_ =	shalt  }
0x68: {  	_ =	shalt  }
0x69: {  	_ =	shalt  }
0x6a: {  	_ =	shalt  }
0x6b: {  	_ =	shalt  }
0x6c: {  	_ =	shalt  }
0x6d: {  	_ =	shalt  }
0x6e: {  	_ =	shalt  }
0x6f: {  	_ =	shalt  }
0x70: {  	_ =	shalt  }
0x71: {  	_ =	shalt  }
0x72: {  	_ =	shalt  }
0x73: {  	_ =	shalt  }
0x74: {  	_ =	shalt  }
0x75: {  	_ =	shalt  }
0x76: {  	_ =	shalt  }
0x77: {  	_ =	shalt  }
0x78: {  	_ =	shalt  }
0x79: {  	_ =	shalt  }
0x7a: {  	_ =	shalt  }
0x7b: {  	_ =	shalt  }
0x7c: {  	_ =	shalt  }
0x7d: {  	_ =	shalt  }
0x7e: {  	_ =	shalt  }
0x7f: {  	_ =	shalt  }
0x80: {  	_ =	shalt  }
0x81: {  	_ =	shalt  }
0x82: {  	_ =	shalt  }
0x83: {  	_ =	shalt  }
0x84: {  	_ =	shalt  }
0x85: {  	_ =	shalt  }
0x86: {  	_ =	shalt  }
0x87: {  	_ =	shalt  }
.Lfunc_end0:
.L_simem_size_0:
called_computation.1_lowered:
.L_overlay_start_0:
0x88: {  	s2 =	sld [smem:$0x3FD9]  }
0x89: {  	s3 =	sld [smem:$0x3FFE];
	_ =	sdelay $0x1  }
0x8a: {  	s1 =	srdreg.scid  }
0x8b: {  	s0 =	sand.u32 $0x1, s1  }
0x8c: {  	s14 =	sshll.u32 s0, $0xA;
	s2 =	sadd.s32 s3, s2  }
0x8d: {  	s2 =	sadd.s32 s2, s14  }
0x8e: {  	[smem:$0x3FB2] =	sst s2  }
0x8f: {  	_ = 	snop  }
0x90: {  	s2 =	sld [smem:$0x3FD0];
	_ =	sdelay $0x2  }
0x91: {  	s15 =	simm.s32 $0xA;
	s4 =	simm.s32 $0x10  }
0x92: {  	[smem:s4], [sflag:s15] =	dma.local [hbm:s2], $0x1  }
0x93: {  	_ =	swait.eq [sflag:s15], $0x1  }
0x94: {  	[sflag:s15] =	ssyncset.done $0x0  }
0x95: {  	[sflag:s15] =	ssyncadd.s32 $0xFFFFFFFF  }
0x96: {  	s16 =	sld [smem:$0x10];
	(tm) =	ssettm $0x1  }
0x97: {  	s17 =	sld [smem:$0x3FFB];
	_ =	sdelay $0x3  }
0x98: {  	_ =	strace s17  }
0x99: {  	s3 =	sld [smem:$0x3FFC];
	_ =	sdelay $0x3  }
0x9a: {  	_ =	strace s3  }
0x9b: {  	s3 =	sld [smem:$0x3FFD];
	_ =	sdelay $0x3  }
0x9c: {  	_ =	strace s3  }
0x9d: {  	_ =	strace $0x8FFFFFFF  }
0x9e: {  	s18 =	sld [smem:$0x3FDB];
	_ =	sdelay $0x1  }
0x9f: {  	s19 =	simm.s32 $_scs_section_size  }
0xa0: {  	s5 =	simm.s32 $_size__tile_overlayer_lowered;
	s6 =	simm.s32 $_tile_overlayer_lowered  }
0xa1: {  	s22 =	simm.s32 $0x1BFF;
	s21 =	sshll.u32 s6, $0x1;
	s3 =	sadd.s32 s19, s18  }
0xa2: {  	s7 =	simm.s32 $0x0;
	s20 =	sshll.u32 s5, $0x1;
	s5 =	sadd.s32 s21, s3  }
0xa3: {  	[timem:s7], [sflag:s22] =	dma.local [hbm:s5], s20  }
0xa4: {  	_ =	swait.ge [sflag:s22], s20  }
0xa5: {  	s4 =	ssub.s32 $0x0, s20;
	[sflag:s22] =	ssyncset.done $0x0  }
0xa6: {  	[sflag:s22] =	ssyncadd.s32 s4;
	_ =	sdelay $0x1  }
0xa7: {  	s23 =	simm.s32 $0x1B8B  }
0xa8: {  	_ =	swait.ge [sflag:s23], $0x1  }
0xa9: {  	[sflag:s23] =	ssyncset.done $0x0  }
0xaa: {  	s25 =	simm.s32 $0x1B8E;
	s24 =	sld [smem:$0x3FFE];
	[sflag:s23] =	ssyncadd.s32 $0xFFFFFFFF  }
0xab: {  	s26 =	simm.s32 $execute0_lowered;
	[smem:$0x3FD2] =	sst s25  }
0xac: {  	s5 =	sshll.u32 s26, $0x1;
	_ =	strace $0x80000049;
	[dreg:$0x1] =	wrdreg $0xFFFFFFFF  }
0xad: {  	s28 =	simm.s32 $_size_execute0_lowered;
	s3 =	sadd.s32 s3, s5;
	[dreg:$0x0] =	wrdreg $0x0  }
0xae: {  	s5 =	sshll.u32 s28, $0x1;
	[dreg:$0x2] =	wrdreg s3  }
0xaf: {  	[dreg:$0x3] =	wrdreg s5  }
0xb0: {  	[dreg:$0x4] =	wrdreg $0xC0  }
0xb1: {  	_ =	task [dreg:s7], $0x5FFFF  }
0xb2: {  	[dreg:$0x1] =	wrdreg $0xFFFFFFFF  }
0xb3: {  	[dreg:$0x0] =	wrdreg $0x60  }
0xb4: {  	[dreg:$0x2] =	wrdreg s24  }
0xb5: {  	[dreg:$0x3] =	wrdreg s16  }
0xb6: {  	[dreg:$0x4] =	wrdreg $0x9  }
0xb7: {  	_ =	task.clear_ibuf [dreg:s7], $0x5FFFF;
	_ =	strace $0x90000049  }
0xb8: {  	s29 =	simm.s32 $0x9;
	_ =	strace $0x8000004B  }
0xb9: {  	_ =	swait.ge [sflag:s29], $0x1  }
0xba: {  	[sflag:s29] =	ssyncadd.s32 $0xFFFFFFFF  }
0xbb: {  	_ =	strace $0x9000004B  }
0xbc: {  	_ =	sfence  }
0xbd: {  	s30 =	sld [smem:$0x0];
	_ =	sdelay $0x2  }
0xbe: {  	s31 =	sshll.u32 s1, $0xD;
	s1 =	sshrl.u32 s1, $0x2  }
0xbf: {  	s3 =	sand.u32 $0x4000, s31;
	s1 =	sadd.s32 s1, s30  }
0xc0: {  	s0 =	sor.u32 s3, s0;
	s1 =	sshll.u32 s1, $0x11  }
0xc1: {  	s0 =	sor.u32 s1, s0  }
0xc2: {  	s0 =	sadd.s32 $0x8F2B, s0  }
0xc3: {  	[sflag:s0] =	ssyncadd.remote.s32 $0x1  }
0xc4: {  	_ =	sfence.sel $0xFFFF  }
0xc5: {  	[dreg:$0x0] =	wrdreg $0xFFFFFFFF;
	(pc) =	sbr.abs _section_cstart, $3  }
0xc6: {  	[dreg:$0x1] =	wrdreg $0xFFFFFFFF  }
0xc7: {  	_ =	task.clear_ibuf [dreg:s7], $0x2FFFF;
	_ =	strace $0x9FFFFFFF  }
0xc8: {  	(tm) =	ssettm $0x7FFFFFFF  }
0xc9: {  	_ =	shalt  }
tec
execute0_lowered:
.L_overlay_start_1:
0x0: {  	(tag) =	ssettag $0x1  }
0x1: {  	s0 =	rddreg [dreg:$0x0]  }
0x2: {  	s1 =	rddreg [dreg:$0x1];
	s2 =	srdreg.scid  }
0x3: {  	s3 =	stileid.u32;
	s13 =	simm.s32 $0x2;
	s28 =	simm.s32 $0x10000  }
0x4: {  	s29 =	simm.s32 $0x800;
	s30 =	simm.s32 $0x1000;
	s31 =	simm.s32 $0x1800  }
0x5: {  	s14 =	simm.s32 $0x3800;
	s15 =	simm.s32 $0x4000;
	s16 =	simm.s32 $0x4800  }
0x6: {  	s17 =	simm.s32 $0x5000;
	s18 =	simm.s32 $0x5800;
	s19 =	simm.s32 $0x6000  }
0x7: {  	s20 =	simm.s32 $0x6800;
	s21 =	simm.s32 $0x7000;
	s22 =	simm.s32 $0x7800  }
0x8: {  	s23 =	simm.s32 $0x8000;
	s5 =	sand.u32 $0x1, s2;
	s2 =	simm.s32 $0x0  }
0x9: {  	s3 =	sshll.u32 s3, $0x7;
	s4 =	sadd.s32 $0x5C00, s0;
	s10 =	sadd.s32 $0x5600, s0  }
0xa: {  	s6 =	sshll.u32 s5, $0x6;
	[smem:$0x7FF] =	sst s2;
	s5 =	ssub.s32 $0x2, s5  }
0xb: {  	s7 =	sor.u32 s6, s3;
	_ =	strace $0x8000004A;
	s3 =	sadd.s32 $0x85C00, s0  }
0xc: {  	s12 =	sshrl.u32 s5, $0x1;
	s8 =	sshll.u32 s7, $0x1;
	s7 =	sshll.u32 s7, $0x7  }
0xd: {  	s12 =	ssub.s32 s5, s12;
	s5 =	sadd.s32 $0x85D00, s0;
	s9 =	sand.u32 $0xF00, s8  }
0xe: {  	s11 =	sadd.s32 s7, s0;
	s1 =	sadd.s32 s1, s7;
	s7 =	sadd.s32 $0x85F00, s0  }
0xf: {  	s9 =	sor.u32 s6, s9;
	s6 =	sor.u32 s6, s8;
	[dreg:$0x4] =	wrdreg s1  }
0x10: {  	s8 =	sadd.s32 $0x5D00, s0;
	s26 =	sadd.s32 $0x105C00, s11;
	s11 =	smax.u32 s12, $0x1  }
0x11: {  	s1 =	simm.s32 $0x2800;
	s12 =	simm.s32 $0x3000;
	s9 =	sshrl.u32 s9, $0x3  }
0x12: {  	s6 =	sshrl.u32 s6, $0x3;
	[dreg:$0x6] =	wrdreg s26;
	s9 =	sadd.s32 s10, s9  }
0x13: {  	v2 =	vlaneseq.u32;
	s24 =	sor.u32 $0x10, s6;
	s6 =	sadd.s32 $0x85E00, s0;
	[dreg:$0x3] =	wrdreg s9  }
0x14: {  	vm0 =	vmmov $0xffff;
	v1 =	vshrl.u32 v2, $0x3;
	s25 =	sadd.s32 s10, s24;
	s9 =	sadd.s32 $0x5E00, s0;
	s10 =	sadd.s32 $0x5F00, s0  }
0x15: {  	v0 =	vand.u32 $0x7, v2;
	v2 =	vor.u32 $0x8, v2;
	v1 =	vmul.u32 $0x8, v1;
	s24 =	simm.s32 $0x8800;
	[dreg:$0x5] =	wrdreg s25;
	s25 =	simm.s32 $0x1  }
.LBB2_1:
0x16: {  	s26 =	rddreg [dreg:$0x3]  }
0x17: {  	[tilespmem:s28], [sflag:$0x2] =	stream.linear.gather [hbm4b:s26+s2], $0x40, $0x38;
	[tilespmem:$0x10080] =	vst v63  }
0x18: {  	_ =	swait.ge [sflag:s13], $0x40  }
0x19: {  	[sflag:s13] =	ssyncset.done $0x0  }
0x1a: {  	[sflag:s13] =	ssyncadd.s32 $0xFFFFFFC0  }
0x1b: {  	v3 =	vld [tilespmem:$0x10000];
	_ =	sdelay $0x4  }
0x1c: {  	v4 =	vshll.u32 v3, $0x3  }
0x1d: {  	v3 =	vand.u32 $0x7, v3;
	v4 =	vand.u32 $0xFFFFFFC0, v4  }
0x1e: {  	v3 =	vor.u32 v3, v4  }
0x1f: {  	v4 =	vperm.xlane v3, v0;
	_ =	sdelay $0x1  }
0x20: {  	v4 =	vadd.s32 v1, v4;
	_ =	sdelay $0x4  }
0x21: {  	[tilespmem:s2], [sflag:$0x1] =	stream.indirect_vreg.gather [hbm4b:s3+s2], $0x80, v4, vm0, $0xb8;
	[tilespmem:$0x10080] =	vst v63  }
0x22: {  	v3 =	vperm.xlane v3, v2  }
0x23: {  	[tilespmem:s29], [sflag:$0x1] =	stream.indirect_vreg.gather [hbm4b:s5+s2], $0x80, v4, vm0, $0xb8;
	[tilespmem:$0x10080] =	vst v63  }
0x24: {  	v3 =	vadd.s32 v1, v3  }
0x25: {  	[tilespmem:s30], [sflag:$0x1] =	stream.indirect_vreg.gather [hbm4b:s6+s2], $0x80, v4, vm0, $0xb8;
	[tilespmem:$0x10080] =	vst v63  }
0x26: {  	_ = 	snop  }
0x27: {  	[tilespmem:s31], [sflag:$0x1] =	stream.indirect_vreg.gather [hbm4b:s7+s2], $0x80, v4, vm0, $0xb8;
	[tilespmem:$0x10080] =	vst v63  }
0x28: {  	s0 =	simm.s32 $0x2000  }
0x29: {  	[tilespmem:s0], [sflag:$0x1] =	stream.indirect_vreg.gather [hbm4b:s3+s2], $0x80, v3, vm0, $0xb8;
	[tilespmem:$0x10080] =	vst v63  }
0x2a: {  	_ = 	snop  }
0x2b: {  	[tilespmem:s1], [sflag:$0x1] =	stream.indirect_vreg.gather [hbm4b:s5+s2], $0x80, v3, vm0, $0xb8;
	[tilespmem:$0x10080] =	vst v63  }
0x2c: {  	_ = 	snop  }
0x2d: {  	[tilespmem:s12], [sflag:$0x1] =	stream.indirect_vreg.gather [hbm4b:s6+s2], $0x80, v3, vm0, $0xb8;
	[tilespmem:$0x10080] =	vst v63  }
0x2e: {  	_ = 	snop  }
0x2f: {  	[tilespmem:s14], [sflag:$0x1] =	stream.indirect_vreg.gather [hbm4b:s7+s2], $0x80, v3, vm0, $0xb8;
	[tilespmem:$0x10080] =	vst v63  }
0x30: {  	v3 =	vld [tilespmem:$0x10010];
	_ =	sdelay $0x4  }
0x31: {  	v57 =	vshll.u32 v3, $0x3  }
0x32: {  	v3 =	vand.u32 $0x7, v3;
	v4 =	vand.u32 $0xFFFFFFC0, v57  }
0x33: {  	v3 =	vor.u32 v3, v4  }
0x34: {  	v4 =	vperm.xlane v3, v0;
	_ =	sdelay $0x1  }
0x35: {  	v4 =	vadd.s32 v1, v4;
	_ =	sdelay $0x4  }
0x36: {  	[tilespmem:s15], [sflag:$0x1] =	stream.indirect_vreg.gather [hbm4b:s3+s2], $0x80, v4, vm0, $0xb8;
	[tilespmem:$0x10080] =	vst v63  }
0x37: {  	v3 =	vperm.xlane v3, v2  }
0x38: {  	[tilespmem:s16], [sflag:$0x1] =	stream.indirect_vreg.gather [hbm4b:s5+s2], $0x80, v4, vm0, $0xb8;
	[tilespmem:$0x10080] =	vst v63  }
0x39: {  	v3 =	vadd.s32 v1, v3  }
0x3a: {  	[tilespmem:s17], [sflag:$0x1] =	stream.indirect_vreg.gather [hbm4b:s6+s2], $0x80, v4, vm0, $0xb8;
	[tilespmem:$0x10080] =	vst v63  }
0x3b: {  	_ = 	snop  }
0x3c: {  	[tilespmem:s18], [sflag:$0x1] =	stream.indirect_vreg.gather [hbm4b:s7+s2], $0x80, v4, vm0, $0xb8;
	[tilespmem:$0x10080] =	vst v63  }
0x3d: {  	_ = 	snop  }
0x3e: {  	[tilespmem:s19], [sflag:$0x1] =	stream.indirect_vreg.gather [hbm4b:s3+s2], $0x80, v3, vm0, $0xb8;
	[tilespmem:$0x10080] =	vst v63  }
0x3f: {  	_ = 	snop  }
0x40: {  	[tilespmem:s20], [sflag:$0x1] =	stream.indirect_vreg.gather [hbm4b:s5+s2], $0x80, v3, vm0, $0xb8;
	[tilespmem:$0x10080] =	vst v63  }
0x41: {  	_ = 	snop  }
0x42: {  	[tilespmem:s21], [sflag:$0x1] =	stream.indirect_vreg.gather [hbm4b:s6+s2], $0x80, v3, vm0, $0xb8;
	[tilespmem:$0x10080] =	vst v63  }
0x43: {  	_ = 	snop  }
0x44: {  	[tilespmem:s22], [sflag:$0x1] =	stream.indirect_vreg.gather [hbm4b:s7+s2], $0x80, v3, vm0, $0xb8;
	[tilespmem:$0x10080] =	vst v63  }
0x45: {  	v3 =	vld [tilespmem:$0x10020];
	_ =	sdelay $0x4  }
0x46: {  	v58 =	vshll.u32 v3, $0x3  }
0x47: {  	v3 =	vand.u32 $0x7, v3;
	v4 =	vand.u32 $0xFFFFFFC0, v58  }
0x48: {  	v3 =	vor.u32 v3, v4  }
0x49: {  	v4 =	vperm.xlane v3, v0;
	_ =	sdelay $0x1  }
0x4a: {  	v4 =	vadd.s32 v1, v4;
	_ =	sdelay $0x4  }
0x4b: {  	[tilespmem:s23], [sflag:$0x1] =	stream.indirect_vreg.gather [hbm4b:s3+s2], $0x80, v4, vm0, $0xb8;
	[tilespmem:$0x10080] =	vst v63  }
0x4c: {  	v3 =	vperm.xlane v3, v2  }
0x4d: {  	[tilespmem:s24], [sflag:$0x1] =	stream.indirect_vreg.gather [hbm4b:s5+s2], $0x80, v4, vm0, $0xb8;
	[tilespmem:$0x10080] =	vst v63  }
0x4e: {  	s26 =	simm.s32 $0x9000;
	v3 =	vadd.s32 v1, v3  }
0x4f: {  	[tilespmem:s26], [sflag:$0x1] =	stream.indirect_vreg.gather [hbm4b:s6+s2], $0x80, v4, vm0, $0xb8;
	[tilespmem:$0x10080] =	vst v63  }
0x50: {  	s26 =	simm.s32 $0x9800  }
0x51: {  	[tilespmem:s26], [sflag:$0x1] =	stream.indirect_vreg.gather [hbm4b:s7+s2], $0x80, v4, vm0, $0xb8;
	[tilespmem:$0x10080] =	vst v63  }
0x52: {  	s26 =	simm.s32 $0xA000  }
0x53: {  	[tilespmem:s26], [sflag:$0x1] =	stream.indirect_vreg.gather [hbm4b:s3+s2], $0x80, v3, vm0, $0xb8;
	[tilespmem:$0x10080] =	vst v63  }
0x54: {  	s26 =	simm.s32 $0xA800  }
0x55: {  	[tilespmem:s26], [sflag:$0x1] =	stream.indirect_vreg.gather [hbm4b:s5+s2], $0x80, v3, vm0, $0xb8;
	[tilespmem:$0x10080] =	vst v63  }
0x56: {  	s26 =	simm.s32 $0xB000  }
0x57: {  	[tilespmem:s26], [sflag:$0x1] =	stream.indirect_vreg.gather [hbm4b:s6+s2], $0x80, v3, vm0, $0xb8;
	[tilespmem:$0x10080] =	vst v63  }
0x58: {  	s26 =	simm.s32 $0xB800  }
0x59: {  	[tilespmem:s26], [sflag:$0x1] =	stream.indirect_vreg.gather [hbm4b:s7+s2], $0x80, v3, vm0, $0xb8;
	[tilespmem:$0x10080] =	vst v63  }
0x5a: {  	v3 =	vld [tilespmem:$0x10030];
	_ =	sdelay $0x4  }
0x5b: {  	v59 =	vshll.u32 v3, $0x3  }
0x5c: {  	v3 =	vand.u32 $0x7, v3;
	v4 =	vand.u32 $0xFFFFFFC0, v59  }
0x5d: {  	v3 =	vor.u32 v3, v4  }
0x5e: {  	v4 =	vperm.xlane v3, v0;
	_ =	sdelay $0x1  }
0x5f: {  	v4 =	vadd.s32 v1, v4;
	_ =	sdelay $0x3  }
0x60: {  	s26 =	simm.s32 $0xC000  }
0x61: {  	[tilespmem:s26], [sflag:$0x1] =	stream.indirect_vreg.gather [hbm4b:s3+s2], $0x80, v4, vm0, $0xb8;
	[tilespmem:$0x10080] =	vst v63  }
0x62: {  	v3 =	vperm.xlane v3, v2;
	s26 =	simm.s32 $0xC800  }
0x63: {  	[tilespmem:s26], [sflag:$0x1] =	stream.indirect_vreg.gather [hbm4b:s5+s2], $0x80, v4, vm0, $0xb8;
	[tilespmem:$0x10080] =	vst v63  }
0x64: {  	v3 =	vadd.s32 v1, v3;
	s26 =	simm.s32 $0xD000  }
0x65: {  	[tilespmem:s26], [sflag:$0x1] =	stream.indirect_vreg.gather [hbm4b:s6+s2], $0x80, v4, vm0, $0xb8;
	[tilespmem:$0x10080] =	vst v63  }
0x66: {  	s26 =	simm.s32 $0xD800  }
0x67: {  	[tilespmem:s26], [sflag:$0x1] =	stream.indirect_vreg.gather [hbm4b:s7+s2], $0x80, v4, vm0, $0xb8;
	[tilespmem:$0x10080] =	vst v63  }
0x68: {  	s26 =	simm.s32 $0xE000  }
0x69: {  	[tilespmem:s26], [sflag:$0x1] =	stream.indirect_vreg.gather [hbm4b:s3+s2], $0x80, v3, vm0, $0xb8;
	[tilespmem:$0x10080] =	vst v63  }
0x6a: {  	s26 =	simm.s32 $0xE800  }
0x6b: {  	[tilespmem:s26], [sflag:$0x1] =	stream.indirect_vreg.gather [hbm4b:s5+s2], $0x80, v3, vm0, $0xb8;
	[tilespmem:$0x10080] =	vst v63  }
0x6c: {  	s26 =	simm.s32 $0xF000  }
0x6d: {  	[tilespmem:s26], [sflag:$0x1] =	stream.indirect_vreg.gather [hbm4b:s6+s2], $0x80, v3, vm0, $0xb8;
	[tilespmem:$0x10080] =	vst v63  }
0x6e: {  	s26 =	simm.s32 $0xF800  }
0x6f: {  	[tilespmem:s26], [sflag:$0x1] =	stream.indirect_vreg.gather [hbm4b:s7+s2], $0x80, v3, vm0, $0xb8;
	[tilespmem:$0x10080] =	vst v63  }
0x70: {  	_ =	swait.ge [sflag:s25], $0x10000  }
0x71: {  	[sflag:s25] =	ssyncset.done $0x0  }
0x72: {  	s26 =	rddreg [dreg:$0x4];
	[sflag:s25] =	ssyncadd.s32 $0xFFFF0000  }
0x73: {  	[hbm4b:s26+s2] =	stream.linear.scatter [tilespmem:s2], [sflag:$0x2], $0x10000, $0x38;
	[tilespmem:$0x10080] =	vst v63  }
0x74: {  	_ =	swait.ge [sflag:s13], $0x10000  }
0x75: {  	[sflag:s13] =	ssyncset.done $0x0  }
0x76: {  	s26 =	rddreg [dreg:$0x5];
	[sflag:s13] =	ssyncadd.s32 $0xFFFF0000  }
0x77: {  	[tilespmem:s28], [sflag:$0x2] =	stream.linear.gather [hbm4b:s26+s2], $0x40, $0x38;
	[tilespmem:$0x10080] =	vst v63  }
0x78: {  	_ =	swait.ge [sflag:s13], $0x40  }
0x79: {  	[sflag:s13] =	ssyncset.done $0x0  }
0x7a: {  	[sflag:s13] =	ssyncadd.s32 $0xFFFFFFC0  }
0x7b: {  	v3 =	vld [tilespmem:$0x10000];
	_ =	sdelay $0x4  }
0x7c: {  	v60 =	vshll.u32 v3, $0x3  }
0x7d: {  	v3 =	vand.u32 $0x7, v3;
	v4 =	vand.u32 $0xFFFFFFC0, v60  }
0x7e: {  	v3 =	vor.u32 v3, v4  }
0x7f: {  	v4 =	vperm.xlane v3, v0;
	_ =	sdelay $0x1  }
0x80: {  	v4 =	vadd.s32 v1, v4;
	_ =	sdelay $0x4  }
0x81: {  	[tilespmem:s2], [sflag:$0x1] =	stream.indirect_vreg.gather [hbm4b:s4+s2], $0x80, v4, vm0, $0xb8;
	[tilespmem:$0x10080] =	vst v63  }
0x82: {  	v3 =	vperm.xlane v3, v2  }
0x83: {  	[tilespmem:s29], [sflag:$0x1] =	stream.indirect_vreg.gather [hbm4b:s8+s2], $0x80, v4, vm0, $0xb8;
	[tilespmem:$0x10080] =	vst v63  }
0x84: {  	v3 =	vadd.s32 v1, v3  }
0x85: {  	[tilespmem:s30], [sflag:$0x1] =	stream.indirect_vreg.gather [hbm4b:s9+s2], $0x80, v4, vm0, $0xb8;
	[tilespmem:$0x10080] =	vst v63  }
0x86: {  	_ = 	snop  }
0x87: {  	[tilespmem:s31], [sflag:$0x1] =	stream.indirect_vreg.gather [hbm4b:s10+s2], $0x80, v4, vm0, $0xb8;
	[tilespmem:$0x10080] =	vst v63  }
0x88: {  	_ = 	snop  }
0x89: {  	[tilespmem:s0], [sflag:$0x1] =	stream.indirect_vreg.gather [hbm4b:s4+s2], $0x80, v3, vm0, $0xb8;
	[tilespmem:$0x10080] =	vst v63  }
0x8a: {  	_ = 	snop  }
0x8b: {  	[tilespmem:s1], [sflag:$0x1] =	stream.indirect_vreg.gather [hbm4b:s8+s2], $0x80, v3, vm0, $0xb8;
	[tilespmem:$0x10080] =	vst v63  }
0x8c: {  	_ = 	snop  }
0x8d: {  	[tilespmem:s12], [sflag:$0x1] =	stream.indirect_vreg.gather [hbm4b:s9+s2], $0x80, v3, vm0, $0xb8;
	[tilespmem:$0x10080] =	vst v63  }
0x8e: {  	_ = 	snop  }
0x8f: {  	[tilespmem:s14], [sflag:$0x1] =	stream.indirect_vreg.gather [hbm4b:s10+s2], $0x80, v3, vm0, $0xb8;
	[tilespmem:$0x10080] =	vst v63  }
0x90: {  	v3 =	vld [tilespmem:$0x10010];
	_ =	sdelay $0x4  }
0x91: {  	v61 =	vshll.u32 v3, $0x3  }
0x92: {  	v3 =	vand.u32 $0x7, v3;
	v4 =	vand.u32 $0xFFFFFFC0, v61  }
0x93: {  	v3 =	vor.u32 v3, v4  }
0x94: {  	v4 =	vperm.xlane v3, v0;
	_ =	sdelay $0x1  }
0x95: {  	v4 =	vadd.s32 v1, v4;
	_ =	sdelay $0x4  }
0x96: {  	[tilespmem:s15], [sflag:$0x1] =	stream.indirect_vreg.gather [hbm4b:s4+s2], $0x80, v4, vm0, $0xb8;
	[tilespmem:$0x10080] =	vst v63  }
0x97: {  	v3 =	vperm.xlane v3, v2  }
0x98: {  	[tilespmem:s16], [sflag:$0x1] =	stream.indirect_vreg.gather [hbm4b:s8+s2], $0x80, v4, vm0, $0xb8;
	[tilespmem:$0x10080] =	vst v63  }
0x99: {  	v3 =	vadd.s32 v1, v3  }
0x9a: {  	[tilespmem:s17], [sflag:$0x1] =	stream.indirect_vreg.gather [hbm4b:s9+s2], $0x80, v4, vm0, $0xb8;
	[tilespmem:$0x10080] =	vst v63  }
0x9b: {  	_ = 	snop  }
0x9c: {  	[tilespmem:s18], [sflag:$0x1] =	stream.indirect_vreg.gather [hbm4b:s10+s2], $0x80, v4, vm0, $0xb8;
	[tilespmem:$0x10080] =	vst v63  }
0x9d: {  	_ = 	snop  }
0x9e: {  	[tilespmem:s19], [sflag:$0x1] =	stream.indirect_vreg.gather [hbm4b:s4+s2], $0x80, v3, vm0, $0xb8;
	[tilespmem:$0x10080] =	vst v63  }
0x9f: {  	_ = 	snop  }
0xa0: {  	[tilespmem:s20], [sflag:$0x1] =	stream.indirect_vreg.gather [hbm4b:s8+s2], $0x80, v3, vm0, $0xb8;
	[tilespmem:$0x10080] =	vst v63  }
0xa1: {  	_ = 	snop  }
0xa2: {  	[tilespmem:s21], [sflag:$0x1] =	stream.indirect_vreg.gather [hbm4b:s9+s2], $0x80, v3, vm0, $0xb8;
	[tilespmem:$0x10080] =	vst v63  }
0xa3: {  	_ = 	snop  }
0xa4: {  	[tilespmem:s22], [sflag:$0x1] =	stream.indirect_vreg.gather [hbm4b:s10+s2], $0x80, v3, vm0, $0xb8;
	[tilespmem:$0x10080] =	vst v63  }
0xa5: {  	v3 =	vld [tilespmem:$0x10020];
	_ =	sdelay $0x4  }
0xa6: {  	v62 =	vshll.u32 v3, $0x3  }
0xa7: {  	v3 =	vand.u32 $0x7, v3;
	v4 =	vand.u32 $0xFFFFFFC0, v62  }
0xa8: {  	v3 =	vor.u32 v3, v4  }
0xa9: {  	v4 =	vperm.xlane v3, v0;
	_ =	sdelay $0x1  }
0xaa: {  	v4 =	vadd.s32 v1, v4;
	_ =	sdelay $0x4  }
0xab: {  	[tilespmem:s23], [sflag:$0x1] =	stream.indirect_vreg.gather [hbm4b:s4+s2], $0x80, v4, vm0, $0xb8;
	[tilespmem:$0x10080] =	vst v63  }
0xac: {  	v3 =	vperm.xlane v3, v2  }
0xad: {  	[tilespmem:s24], [sflag:$0x1] =	stream.indirect_vreg.gather [hbm4b:s8+s2], $0x80, v4, vm0, $0xb8;
	[tilespmem:$0x10080] =	vst v63  }
0xae: {  	s26 =	simm.s32 $0x9000;
	v3 =	vadd.s32 v1, v3  }
0xaf: {  	[tilespmem:s26], [sflag:$0x1] =	stream.indirect_vreg.gather [hbm4b:s9+s2], $0x80, v4, vm0, $0xb8;
	[tilespmem:$0x10080] =	vst v63  }
0xb0: {  	s26 =	simm.s32 $0x9800  }
0xb1: {  	[tilespmem:s26], [sflag:$0x1] =	stream.indirect_vreg.gather [hbm4b:s10+s2], $0x80, v4, vm0, $0xb8;
	[tilespmem:$0x10080] =	vst v63  }
0xb2: {  	s26 =	simm.s32 $0xA000  }
0xb3: {  	[tilespmem:s26], [sflag:$0x1] =	stream.indirect_vreg.gather [hbm4b:s4+s2], $0x80, v3, vm0, $0xb8;
	[tilespmem:$0x10080] =	vst v63  }
0xb4: {  	s26 =	simm.s32 $0xA800  }
0xb5: {  	[tilespmem:s26], [sflag:$0x1] =	stream.indirect_vreg.gather [hbm4b:s8+s2], $0x80, v3, vm0, $0xb8;
	[tilespmem:$0x10080] =	vst v63  }
0xb6: {  	s26 =	simm.s32 $0xB000  }
0xb7: {  	[tilespmem:s26], [sflag:$0x1] =	stream.indirect_vreg.gather [hbm4b:s9+s2], $0x80, v3, vm0, $0xb8;
	[tilespmem:$0x10080] =	vst v63  }
0xb8: {  	s26 =	simm.s32 $0xB800  }
0xb9: {  	[tilespmem:s26], [sflag:$0x1] =	stream.indirect_vreg.gather [hbm4b:s10+s2], $0x80, v3, vm0, $0xb8;
	[tilespmem:$0x10080] =	vst v63  }
0xba: {  	v3 =	vld [tilespmem:$0x10030];
	_ =	sdelay $0x4  }
0xbb: {  	v63 =	vshll.u32 v3, $0x3  }
0xbc: {  	v3 =	vand.u32 $0x7, v3;
	v4 =	vand.u32 $0xFFFFFFC0, v63  }
0xbd: {  	v3 =	vor.u32 v3, v4  }
0xbe: {  	v4 =	vperm.xlane v3, v0;
	_ =	sdelay $0x1  }
0xbf: {  	v4 =	vadd.s32 v1, v4;
	_ =	sdelay $0x3  }
0xc0: {  	s26 =	simm.s32 $0xC000  }
0xc1: {  	[tilespmem:s26], [sflag:$0x1] =	stream.indirect_vreg.gather [hbm4b:s4+s2], $0x80, v4, vm0, $0xb8;
	[tilespmem:$0x10080] =	vst v63  }
0xc2: {  	v3 =	vperm.xlane v3, v2;
	s26 =	simm.s32 $0xC800  }
0xc3: {  	[tilespmem:s26], [sflag:$0x1] =	stream.indirect_vreg.gather [hbm4b:s8+s2], $0x80, v4, vm0, $0xb8;
	[tilespmem:$0x10080] =	vst v63  }
0xc4: {  	v3 =	vadd.s32 v1, v3;
	s26 =	simm.s32 $0xD000  }
0xc5: {  	[tilespmem:s26], [sflag:$0x1] =	stream.indirect_vreg.gather [hbm4b:s9+s2], $0x80, v4, vm0, $0xb8;
	[tilespmem:$0x10080] =	vst v63  }
0xc6: {  	s26 =	simm.s32 $0xD800  }
0xc7: {  	[tilespmem:s26], [sflag:$0x1] =	stream.indirect_vreg.gather [hbm4b:s10+s2], $0x80, v4, vm0, $0xb8;
	[tilespmem:$0x10080] =	vst v63  }
0xc8: {  	s26 =	simm.s32 $0xE000  }
0xc9: {  	[tilespmem:s26], [sflag:$0x1] =	stream.indirect_vreg.gather [hbm4b:s4+s2], $0x80, v3, vm0, $0xb8;
	[tilespmem:$0x10080] =	vst v63  }
0xca: {  	s26 =	simm.s32 $0xE800  }
0xcb: {  	[tilespmem:s26], [sflag:$0x1] =	stream.indirect_vreg.gather [hbm4b:s8+s2], $0x80, v3, vm0, $0xb8;
	[tilespmem:$0x10080] =	vst v63  }
0xcc: {  	s26 =	simm.s32 $0xF000  }
0xcd: {  	[tilespmem:s26], [sflag:$0x1] =	stream.indirect_vreg.gather [hbm4b:s9+s2], $0x80, v3, vm0, $0xb8;
	[tilespmem:$0x10080] =	vst v63  }
0xce: {  	s26 =	simm.s32 $0xF800  }
0xcf: {  	[tilespmem:s26], [sflag:$0x1] =	stream.indirect_vreg.gather [hbm4b:s10+s2], $0x80, v3, vm0, $0xb8;
	[tilespmem:$0x10080] =	vst v63  }
0xd0: {  	_ =	swait.ge [sflag:s25], $0x10000  }
0xd1: {  	p0 =	sne.s32 s11, $0x1;
	[sflag:s25] =	ssyncset.done $0x0  }
.Ltmp0:
0xd2: {  	s0 =	rddreg [dreg:$0x6];
	[sflag:s25] =	ssyncadd.s32 $0xFFFF0000;
	(pc) =	sbr.rel @p0 .LBB2_1-.Ltmp0, $4  }
0xd3: {  	[hbm4b:s0+s2] =	stream.linear.scatter [tilespmem:s2], [sflag:$0x2], $0x10000, $0x38;
	[tilespmem:$0x10080] =	vst v63  }
0xd4: {  	_ =	swait.ge [sflag:s13], $0x10000  }
0xd5: {  	[sflag:s13] =	ssyncset.done $0x0  }
0xd6: {  	s11 =	sadd.s32 $0xFFFFFFFF, s11;
	[sflag:s13] =	ssyncadd.s32 $0xFFFF0000  }
0xd7: {  	_ =	sfence.sel $0x180000  }
0xd8: {  	[bflag:$0x0] =	sbarrier.arrive $0xFFFF  }
0xd9: {  	_ =	strace $0x9000004A  }
0xda: {  	s0 =	stileid.u32;
	[bflag:$0x2] =	sbarrier.arrive $0xFFFF  }
0xdb: {  	p0 =	sne.s32 s0, $0x0;
	s0 =	rddreg [dreg:$0x2]  }
0xdc: {  	s0 =	sadd.s32 @!p0 $0x100000, s0  }
0xdd: {  	[sflag:s0] =	ssyncadd.tile.s32 @!p0 $0x1;
	_ =	shalt  }
.Lfunc_end2:
_tile_overlayer_lowered:
.L_overlay_start_2:
0xde: {  	(tag) =	ssettag $0x2  }
0xdf: {  	s0 =	rddreg [dreg:$0x0];
	s2 =	stileid.u32  }
0xe0: {  	s1 =	rddreg [dreg:$0x1];
	p0 =	sne.s32 s2, $0x0  }
0xe1: {  	s3 =	rddreg [dreg:$0x2];
	[bflag:$0x3] =	sbarrier.arrive $0xFFFF;
	s2 =	simm.s32 @!p0 $0x1C02  }
0xe2: {  	[timem:s3], [sflag:s2] =	dma.local @!p0 [hbm:s0], s1  }
0xe3: {  	s0 =	simm.s32 @!p0 $0x2  }
0xe4: {  	_ =	swait.ge @!p0 [sflag:s0], s1  }
0xe5: {  	s1 =	ssub.s32 @!p0 $0x0, s1;
	[sflag:s0] =	ssyncset.done @!p0 $0x0  }
0xe6: {  	[sflag:s0] =	ssyncadd.s32 @!p0 s1  }
0xe7: {  	[bflag:$0x3] =	sbarrier.arrive $0xFFFF  }
0xe8: {  	_ =	shalt  }

// kernel: kernel.8.cloned.1.call-start
scs
__scs_entry_jumppad:
0x0: {  	(pc) =	sbr.rel $0x88, $3  }
0x1: {  	(tag) =	ssettag $0x0;
	lr =	simm.s32 $0x1  }
0x2: {  	[smem:$0x3F8B] =	sst lr;
	_ =	strace $0xD0000000  }
0x3: {  	_ = 	snop  }
0x4: {  	_ = 	snop  }
0x5: {  	_ = 	snop  }
0x6: {  	_ = 	snop  }
0x7: {  	_ = 	snop  }
__scs_overlays_trampoline_lowered:
0x8: {  	[smem:$0x3F9A] =	sst s0  }
0x9: {  	[smem:$0x3F9B] =	sst s1  }
0xa: {  	[smem:$0x3F9C] =	sst s2  }
0xb: {  	[smem:$0x3F9D] =	sst s3  }
0xc: {  	[smem:$0x3F9E] =	sst s4  }
0xd: {  	[smem:$0x3F9F] =	sst s5  }
0xe: {  	[smem:$0x3FA0] =	sst s6  }
0xf: {  	[smem:$0x3FA1] =	sst s7  }
0x10: {  	[smem:$0x3FA2] =	sst s8  }
0x11: {  	[smem:$0x3FA3] =	sst s9;
	s0 =	simm.s32 @!p0 $0x0  }
0x12: {  	s1 =	sld [smem:$0x3F89];
	s0 =	simm.s32 @p0 $0x1  }
0x13: {  	[smem:$0x3FA4] =	sst s0;
	s0 =	simm.s32 @!p1 $0x0  }
0x14: {  	s2 =	sld [smem:$0x3F88];
	s0 =	simm.s32 @p1 $0x1  }
0x15: {  	[smem:$0x3FA5] =	sst s0;
	s0 =	simm.s32 @!p2 $0x0  }
0x16: {  	s3 =	sld [smem:$0x3FDB];
	s0 =	simm.s32 @p2 $0x1  }
0x17: {  	s4 =	simm.s32 $0x1BF5;
	[smem:$0x3FA7] =	sst s0  }
0x18: {  	s0 =	sld [smem:$0x3F8A];
	_ =	swait.ge [sflag:s4], $0x0  }
0x19: {  	s7 =	sld [smem:$0x3F8B]  }
0x1a: {  	s8 =	sadd.s32 $0xFFFFE003, lr  }
0x1b: {  	s9 =	sadd.s32 $0xFFFFFEF7, lr;
	s5 =	simm.s32 $0xFFFFFFFF;
	p2 =	slt.u32 s8, $0xFFFFF086  }
0x1c: {  	p1 =	slt.u32 s9, $0xF7A;
	s5 =	simm.s32 @!p2 $0x0  }
0x1d: {  	s5 =	simm.s32 @p1 $0x1;
	p0 =	seq.s32 s7, s2  }
0x1e: {  	s7 =	smul.u32 @!p0 $0xF7A, s2;
	p2 =	seq.s32 @!p0 s5, $0x0  }
0x1f: {  	s9 =	smul.u32 $0xF7A, s1;
	s8 =	simm.s32 @!p0 $0x1BF5;
	p2 =	por !p2, p0  }
0x20: {  	[sflag:s8] =	ssyncset.s32 @!p0 $0xFFFFF086;
	s6 =	sadd.s32 @!p0 s3, s7;
	s7 =	simm.s32 @!p0 $0x108  }
0x21: {  	s3 =	sadd.s32 s3, s9;
	s6 =	sadd.s32 @!p0 $0x88, s6;
	s7 =	simm.s32 @p2 $0x1082  }
0x22: {  	[simem:s7], [sflag:s8] =	dma.local @!p0 [hbm:s6], $0xF7A  }
0x23: {  	s9 =	sor.u32 $0xD0000000, s2;
	s6 =	simm.s32 $0x108;
	_ =	swait.ge @!p0 [sflag:s8], $0x0  }
0x24: {  	s3 =	sadd.s32 $0x88, s3;
	s6 =	simm.s32 @!p1 $0x1082;
	[sflag:s4] =	ssyncset.s32 $0xFFFFF086  }
0x25: {  	[simem:s6], [sflag:s4] =	dma.local [hbm:s3], $0xF7A  }
0x26: {  	[smem:$0x3F8B] =	sst s1;
	(tag) =	ssettag s2;
	_ =	strace s9  }
0x27: {  	s1 =	sld [smem:$0x3F9B]  }
0x28: {  	s2 =	sld [smem:$0x3F9C]  }
0x29: {  	s4 =	sld [smem:$0x3F9E]  }
0x2a: {  	p0 =	seq.s32 s5, $0x0;
	s5 =	sld [smem:$0x3F9F]  }
0x2b: {  	s6 =	sld [smem:$0x3FA0]  }
0x2c: {  	s7 =	sld [smem:$0x3FA1]  }
0x2d: {  	s3 =	simm.s32 $0x108;
	s8 =	sld [smem:$0x3FA2]  }
0x2e: {  	s3 =	simm.s32 @!p0 $0x1082;
	s9 =	sld [smem:$0x3FA3]  }
0x2f: {  	lr =	sadd.s32 s0, s3;
	s0 =	sld [smem:$0x3F9A]  }
0x30: {  	s3 =	sld [smem:$0x3F9D]  }
0x31: {  	[smem:$0x3FA6] =	sst s10  }
0x32: {  	s10 =	sld [smem:$0x3FA4];
	_ =	sdelay $0x3  }
0x33: {  	p0 =	seq.s32 s10, $0x1;
	s10 =	sld [smem:$0x3FA6];
	_ =	sdelay $0x3  }
0x34: {  	[smem:$0x3FA6] =	sst s10  }
0x35: {  	s10 =	sld [smem:$0x3FA5];
	_ =	sdelay $0x3  }
0x36: {  	p1 =	seq.s32 s10, $0x1;
	s10 =	sld [smem:$0x3FA6];
	_ =	sdelay $0x3  }
0x37: {  	[smem:$0x3FA6] =	sst s10  }
0x38: {  	s10 =	sld [smem:$0x3FA7]  }
0x39: {  	_ = 	snop;
	(pc) =	sbr.ind lr, $3  }
0x3a: {  	_ = 	snop  }
0x3b: {  	_ = 	snop  }
0x3c: {  	p2 =	seq.s32 s10, $0x1;
	s10 =	sld [smem:$0x3FA6]  }
0x3d: {  	_ =	shalt  }
0x3e: {  	_ =	shalt  }
0x3f: {  	_ =	shalt  }
0x40: {  	_ =	shalt  }
0x41: {  	_ =	shalt  }
0x42: {  	_ =	shalt  }
0x43: {  	_ =	shalt  }
0x44: {  	_ =	shalt  }
0x45: {  	_ =	shalt  }
0x46: {  	_ =	shalt  }
0x47: {  	_ =	shalt  }
0x48: {  	_ =	shalt  }
0x49: {  	_ =	shalt  }
0x4a: {  	_ =	shalt  }
0x4b: {  	_ =	shalt  }
0x4c: {  	_ =	shalt  }
0x4d: {  	_ =	shalt  }
0x4e: {  	_ =	shalt  }
0x4f: {  	_ =	shalt  }
0x50: {  	_ =	shalt  }
0x51: {  	_ =	shalt  }
0x52: {  	_ =	shalt  }
0x53: {  	_ =	shalt  }
0x54: {  	_ =	shalt  }
0x55: {  	_ =	shalt  }
0x56: {  	_ =	shalt  }
0x57: {  	_ =	shalt  }
0x58: {  	_ =	shalt  }
0x59: {  	_ =	shalt  }
0x5a: {  	_ =	shalt  }
0x5b: {  	_ =	shalt  }
0x5c: {  	_ =	shalt  }
0x5d: {  	_ =	shalt  }
0x5e: {  	_ =	shalt  }
0x5f: {  	_ =	shalt  }
0x60: {  	_ =	shalt  }
0x61: {  	_ =	shalt  }
0x62: {  	_ =	shalt  }
0x63: {  	_ =	shalt  }
0x64: {  	_ =	shalt  }
0x65: {  	_ =	shalt  }
0x66: {  	_ =	shalt  }
0x67: {  	_ =	shalt  }
0x68: {  	_ =	shalt  }
0x69: {  	_ =	shalt  }
0x6a: {  	_ =	shalt  }
0x6b: {  	_ =	shalt  }
0x6c: {  	_ =	shalt  }
0x6d: {  	_ =	shalt  }
0x6e: {  	_ =	shalt  }
0x6f: {  	_ =	shalt  }
0x70: {  	_ =	shalt  }
0x71: {  	_ =	shalt  }
0x72: {  	_ =	shalt  }
0x73: {  	_ =	shalt  }
0x74: {  	_ =	shalt  }
0x75: {  	_ =	shalt  }
0x76: {  	_ =	shalt  }
0x77: {  	_ =	shalt  }
0x78: {  	_ =	shalt  }
0x79: {  	_ =	shalt  }
0x7a: {  	_ =	shalt  }
0x7b: {  	_ =	shalt  }
0x7c: {  	_ =	shalt  }
0x7d: {  	_ =	shalt  }
0x7e: {  	_ =	shalt  }
0x7f: {  	_ =	shalt  }
0x80: {  	_ =	shalt  }
0x81: {  	_ =	shalt  }
0x82: {  	_ =	shalt  }
0x83: {  	_ =	shalt  }
0x84: {  	_ =	shalt  }
0x85: {  	_ =	shalt  }
0x86: {  	_ =	shalt  }
0x87: {  	_ =	shalt  }
.Lfunc_end0:
.L_simem_size_0:
called_computation_lowered:
.L_overlay_start_0:
0x88: {  	s2 =	sld [smem:$0x3FD9]  }
0x89: {  	s3 =	sld [smem:$0x3FFE];
	_ =	sdelay $0x1  }
0x8a: {  	s1 =	srdreg.scid  }
0x8b: {  	s0 =	sand.u32 $0x1, s1  }
0x8c: {  	s14 =	sshll.u32 s0, $0xA;
	s2 =	sadd.s32 s3, s2  }
0x8d: {  	s2 =	sadd.s32 s2, s14  }
0x8e: {  	[smem:$0x3FB2] =	sst s2  }
0x8f: {  	_ = 	snop  }
0x90: {  	s2 =	sld [smem:$0x3FD0];
	_ =	sdelay $0x2  }
0x91: {  	s4 =	simm.s32 $0xA;
	s5 =	simm.s32 $0x10;
	s15 =	sld [smem:$0x3FC9]  }
0x92: {  	[smem:s5], [sflag:s4] =	dma.local [hbm:s2], $0x1  }
0x93: {  	_ =	swait.eq [sflag:s4], $0x1  }
0x94: {  	[sflag:s4] =	ssyncset.done $0x0  }
0x95: {  	[sflag:s4] =	ssyncadd.s32 $0xFFFFFFFF  }
0x96: {  	s16 =	sld [smem:$0x10];
	(tm) =	ssettm $0x1  }
0x97: {  	s17 =	sld [smem:$0x3FFB];
	_ =	sdelay $0x3  }
0x98: {  	_ =	strace s17  }
0x99: {  	s4 =	sld [smem:$0x3FFC];
	_ =	sdelay $0x3  }
0x9a: {  	_ =	strace s4  }
0x9b: {  	s4 =	sld [smem:$0x3FFD];
	_ =	sdelay $0x3  }
0x9c: {  	_ =	strace s4  }
0x9d: {  	_ =	strace $0x8FFFFFFF  }
0x9e: {  	s18 =	sld [smem:$0x3FDB];
	_ =	sdelay $0x1  }
0x9f: {  	s19 =	simm.s32 $_scs_section_size  }
0xa0: {  	s6 =	simm.s32 $_size__tile_overlayer_lowered;
	s7 =	simm.s32 $_tile_overlayer_lowered  }
0xa1: {  	s22 =	simm.s32 $0x1BFF;
	s21 =	sshll.u32 s7, $0x1;
	s4 =	sadd.s32 s19, s18  }
0xa2: {  	s8 =	simm.s32 $0x0;
	s20 =	sshll.u32 s6, $0x1;
	s6 =	sadd.s32 s21, s4  }
0xa3: {  	[timem:s8], [sflag:s22] =	dma.local [hbm:s6], s20  }
0xa4: {  	_ =	swait.ge [sflag:s22], s20  }
0xa5: {  	s5 =	ssub.s32 $0x0, s20;
	[sflag:s22] =	ssyncset.done $0x0  }
0xa6: {  	[sflag:s22] =	ssyncadd.s32 s5;
	_ =	sdelay $0x1  }
0xa7: {  	s23 =	simm.s32 $0x1B8B  }
0xa8: {  	_ =	swait.ge [sflag:s23], $0x1  }
0xa9: {  	[sflag:s23] =	ssyncset.done $0x0  }
0xaa: {  	s25 =	simm.s32 $0x1B8E;
	s24 =	sld [smem:$0x3FFE];
	[sflag:s23] =	ssyncadd.s32 $0xFFFFFFFF  }
0xab: {  	s26 =	simm.s32 $execute0_lowered;
	[smem:$0x3FD2] =	sst s25  }
0xac: {  	s6 =	sshll.u32 s26, $0x1;
	_ =	strace $0x80000046;
	[dreg:$0x1] =	wrdreg $0xFFFFFFFF  }
0xad: {  	s28 =	simm.s32 $_size_execute0_lowered;
	s4 =	sadd.s32 s4, s6;
	[dreg:$0x0] =	wrdreg $0x0  }
0xae: {  	s6 =	sshll.u32 s28, $0x1;
	[dreg:$0x2] =	wrdreg s4  }
0xaf: {  	[dreg:$0x3] =	wrdreg s6  }
0xb0: {  	[dreg:$0x4] =	wrdreg $0xC0  }
0xb1: {  	_ =	task [dreg:s8], $0x5FFFF  }
0xb2: {  	[dreg:$0x1] =	wrdreg $0xFFFFFFFF  }
0xb3: {  	[dreg:$0x0] =	wrdreg $0x60  }
0xb4: {  	[dreg:$0x2] =	wrdreg s15  }
0xb5: {  	[dreg:$0x3] =	wrdreg s16  }
0xb6: {  	[dreg:$0x4] =	wrdreg s24  }
0xb7: {  	[dreg:$0x5] =	wrdreg $0x9  }
0xb8: {  	_ =	task.clear_ibuf [dreg:s8], $0x6FFFF;
	_ =	strace $0x90000046  }
0xb9: {  	s29 =	simm.s32 $0x9;
	_ =	strace $0x80000048  }
0xba: {  	_ =	swait.ge [sflag:s29], $0x1  }
0xbb: {  	[sflag:s29] =	ssyncadd.s32 $0xFFFFFFFF  }
0xbc: {  	_ =	strace $0x90000048  }
0xbd: {  	_ =	sfence  }
0xbe: {  	s30 =	sld [smem:$0x0];
	_ =	sdelay $0x2  }
0xbf: {  	s31 =	sshll.u32 s1, $0xD;
	s1 =	sshrl.u32 s1, $0x2  }
0xc0: {  	s3 =	sand.u32 $0x4000, s31;
	s1 =	sadd.s32 s1, s30  }
0xc1: {  	s0 =	sor.u32 s3, s0;
	s1 =	sshll.u32 s1, $0x11  }
0xc2: {  	s0 =	sor.u32 s1, s0  }
0xc3: {  	s0 =	sadd.s32 $0x8F2B, s0  }
0xc4: {  	[sflag:s0] =	ssyncadd.remote.s32 $0x1  }
0xc5: {  	_ =	sfence.sel $0xFFFF  }
0xc6: {  	[dreg:$0x0] =	wrdreg $0xFFFFFFFF;
	(pc) =	sbr.abs _section_cstart, $3  }
0xc7: {  	[dreg:$0x1] =	wrdreg $0xFFFFFFFF  }
0xc8: {  	_ =	task.clear_ibuf [dreg:s8], $0x2FFFF;
	_ =	strace $0x9FFFFFFF  }
0xc9: {  	(tm) =	ssettm $0x7FFFFFFF  }
tec
execute0_lowered:
.L_overlay_start_1:
0x0: {  	(tag) =	ssettag $0x1  }
0x1: {  	s0 =	rddreg [dreg:$0x0]  }
0x2: {  	s1 =	rddreg [dreg:$0x1]  }
0x3: {  	s10 =	rddreg [dreg:$0x2]  }
0x4: {  	s2 =	srdreg.scid;
	s3 =	stileid.u32;
	s26 =	simm.s32 $0x10000  }
0x5: {  	s28 =	simm.s32 $0x10080;
	s12 =	simm.s32 $0x3;
	s29 =	simm.s32 $0x1800  }
0x6: {  	s30 =	simm.s32 $0x2000;
	s31 =	simm.s32 $0x2800;
	s13 =	simm.s32 $0x4000  }
0x7: {  	s14 =	simm.s32 $0x4800;
	s15 =	simm.s32 $0x5000;
	s16 =	simm.s32 $0x5800  }
0x8: {  	s17 =	simm.s32 $0x6000;
	s18 =	simm.s32 $0x6800;
	s19 =	simm.s32 $0x7000  }
0x9: {  	s4 =	sand.u32 $0x1, s2;
	s2 =	simm.s32 $0x0;
	s3 =	sshll.u32 s3, $0x7  }
0xa: {  	s9 =	sadd.s32 $0x5E00, s10;
	s5 =	sshll.u32 s4, $0x6;
	[smem:$0x7FF] =	sst s2  }
0xb: {  	s8 =	ssub.s32 $0x2, s4;
	s6 =	sor.u32 s5, s3;
	_ =	strace $0x80000047  }
0xc: {  	s3 =	sadd.s32 $0x87C00, s10;
	s23 =	sshrl.u32 s8, $0x1;
	[dreg:$0x7] =	wrdreg s26  }
0xd: {  	[dreg:$0x8] =	wrdreg s28;
	s7 =	sshll.u32 s6, $0x1;
	s6 =	sshll.u32 s6, $0x7  }
0xe: {  	s25 =	ssub.s32 s8, s23;
	s8 =	sadd.s32 $0x5D00, s10;
	s23 =	simm.s32 $0x9000  }
0xf: {  	s20 =	sand.u32 $0xF00, s7;
	s0 =	sadd.s32 s0, s6;
	s6 =	sadd.s32 $0x87E00, s10  }
0x10: {  	s11 =	smax.u32 s25, $0x1;
	s25 =	simm.s32 $0xA000;
	s4 =	sor.u32 s5, s20  }
0x11: {  	s5 =	sor.u32 s5, s7;
	[dreg:$0x4] =	wrdreg s0;
	s7 =	sadd.s32 $0x87F00, s10  }
0x12: {  	s20 =	simm.s32 $0x7800;
	s4 =	sshrl.u32 s4, $0x3;
	s5 =	sshrl.u32 s5, $0x3  }
0x13: {  	s21 =	sadd.s32 s1, s4;
	s22 =	sor.u32 $0x10, s5;
	s4 =	sadd.s32 $0x5C00, s10  }
0x14: {  	v2 =	vlaneseq.u32;
	s5 =	sadd.s32 $0x87D00, s10;
	s10 =	sadd.s32 $0x5F00, s10;
	[dreg:$0x5] =	wrdreg s21  }
0x15: {  	vm0 =	vmmov $0xffff;
	v1 =	vshrl.u32 v2, $0x3;
	s24 =	sadd.s32 s1, s22;
	s1 =	simm.s32 $0x3800;
	s21 =	simm.s32 $0x8000  }
0x16: {  	v0 =	vand.u32 $0x7, v2;
	v2 =	vor.u32 $0x8, v2;
	v1 =	vmul.u32 $0x8, v1;
	s22 =	simm.s32 $0x8800;
	[dreg:$0x6] =	wrdreg s24;
	s24 =	simm.s32 $0x9800  }
.LBB2_1:
0x17: {  	s26 =	rddreg [dreg:$0x4]  }
0x18: {  	[tilespmem:s2], [sflag:$0x3] =	stream.linear.gather [hbm4b:s26+s2], $0x10000, $0x38;
	[tilespmem:$0x10100] =	vst v63  }
0x19: {  	_ =	swait.ge [sflag:s12], $0x10000  }
0x1a: {  	s0 =	rddreg [dreg:$0x5];
	[sflag:s12] =	ssyncset.done $0x0  }
0x1b: {  	s28 =	rddreg [dreg:$0x7];
	[sflag:s12] =	ssyncadd.s32 $0xFFFF0000  }
0x1c: {  	[tilespmem:s28], [sflag:$0x3] =	stream.linear.gather [hbm4b:s0+s2], $0x40, $0x38;
	[tilespmem:$0x10100] =	vst v63  }
0x1d: {  	_ =	swait.ge [sflag:s12], $0x40  }
0x1e: {  	s26 =	rddreg [dreg:$0x6];
	[sflag:s12] =	ssyncset.done $0x0  }
0x1f: {  	s0 =	rddreg [dreg:$0x8];
	[sflag:s12] =	ssyncadd.s32 $0xFFFFFFC0  }
0x20: {  	[tilespmem:s0], [sflag:$0x3] =	stream.linear.gather [hbm4b:s26+s2], $0x40, $0x38;
	[tilespmem:$0x10100] =	vst v63  }
0x21: {  	_ =	swait.ge [sflag:s12], $0x40  }
0x22: {  	[sflag:s12] =	ssyncset.done $0x0  }
0x23: {  	[sflag:s12] =	ssyncadd.s32 $0xFFFFFFC0  }
0x24: {  	v3 =	vld [tilespmem:$0x10000];
	_ =	sdelay $0x4  }
0x25: {  	v4 =	vshll.u32 v3, $0x3  }
0x26: {  	v3 =	vand.u32 $0x7, v3;
	v4 =	vand.u32 $0xFFFFFFC0, v4  }
0x27: {  	v3 =	vor.u32 v3, v4  }
0x28: {  	v4 =	vperm.xlane v3, v0;
	_ =	sdelay $0x1  }
0x29: {  	v4 =	vadd.s32 v1, v4;
	_ =	sdelay $0x4  }
0x2a: {  	[hbm4b:s3+s2] =	stream.indirect_vreg.scatter [tilespmem:s2], [sflag:$0x1], $0x80, v4, vm0, $0xb8;
	[tilespmem:$0x10100] =	vst v63  }
0x2b: {  	s26 =	simm.s32 $0x800;
	v3 =	vperm.xlane v3, v2  }
0x2c: {  	[hbm4b:s5+s2] =	stream.indirect_vreg.scatter [tilespmem:s26], [sflag:$0x1], $0x80, v4, vm0, $0xb8;
	[tilespmem:$0x10100] =	vst v63  }
0x2d: {  	s28 =	simm.s32 $0x1000;
	v3 =	vadd.s32 v1, v3  }
0x2e: {  	[hbm4b:s6+s2] =	stream.indirect_vreg.scatter [tilespmem:s28], [sflag:$0x1], $0x80, v4, vm0, $0xb8;
	[tilespmem:$0x10100] =	vst v63  }
0x2f: {  	_ = 	snop  }
0x30: {  	[hbm4b:s7+s2] =	stream.indirect_vreg.scatter [tilespmem:s29], [sflag:$0x1], $0x80, v4, vm0, $0xb8;
	[tilespmem:$0x10100] =	vst v63  }
0x31: {  	_ = 	snop  }
0x32: {  	[hbm4b:s3+s2] =	stream.indirect_vreg.scatter [tilespmem:s30], [sflag:$0x1], $0x80, v3, vm0, $0xb8;
	[tilespmem:$0x10100] =	vst v63  }
0x33: {  	_ = 	snop  }
0x34: {  	[hbm4b:s5+s2] =	stream.indirect_vreg.scatter [tilespmem:s31], [sflag:$0x1], $0x80, v3, vm0, $0xb8;
	[tilespmem:$0x10100] =	vst v63  }
0x35: {  	s0 =	simm.s32 $0x3000  }
0x36: {  	[hbm4b:s6+s2] =	stream.indirect_vreg.scatter [tilespmem:s0], [sflag:$0x1], $0x80, v3, vm0, $0xb8;
	[tilespmem:$0x10100] =	vst v63  }
0x37: {  	_ = 	snop  }
0x38: {  	[hbm4b:s7+s2] =	stream.indirect_vreg.scatter [tilespmem:s1], [sflag:$0x1], $0x80, v3, vm0, $0xb8;
	[tilespmem:$0x10100] =	vst v63  }
0x39: {  	v3 =	vld [tilespmem:$0x10010];
	_ =	sdelay $0x4  }
0x3a: {  	v57 =	vshll.u32 v3, $0x3  }
0x3b: {  	v3 =	vand.u32 $0x7, v3;
	v4 =	vand.u32 $0xFFFFFFC0, v57  }
0x3c: {  	v3 =	vor.u32 v3, v4  }
0x3d: {  	v4 =	vperm.xlane v3, v0;
	_ =	sdelay $0x1  }
0x3e: {  	v4 =	vadd.s32 v1, v4;
	_ =	sdelay $0x4  }
0x3f: {  	[hbm4b:s3+s2] =	stream.indirect_vreg.scatter [tilespmem:s13], [sflag:$0x1], $0x80, v4, vm0, $0xb8;
	[tilespmem:$0x10100] =	vst v63  }
0x40: {  	v3 =	vperm.xlane v3, v2  }
0x41: {  	[hbm4b:s5+s2] =	stream.indirect_vreg.scatter [tilespmem:s14], [sflag:$0x1], $0x80, v4, vm0, $0xb8;
	[tilespmem:$0x10100] =	vst v63  }
0x42: {  	v3 =	vadd.s32 v1, v3  }
0x43: {  	[hbm4b:s6+s2] =	stream.indirect_vreg.scatter [tilespmem:s15], [sflag:$0x1], $0x80, v4, vm0, $0xb8;
	[tilespmem:$0x10100] =	vst v63  }
0x44: {  	_ = 	snop  }
0x45: {  	[hbm4b:s7+s2] =	stream.indirect_vreg.scatter [tilespmem:s16], [sflag:$0x1], $0x80, v4, vm0, $0xb8;
	[tilespmem:$0x10100] =	vst v63  }
0x46: {  	_ = 	snop  }
0x47: {  	[hbm4b:s3+s2] =	stream.indirect_vreg.scatter [tilespmem:s17], [sflag:$0x1], $0x80, v3, vm0, $0xb8;
	[tilespmem:$0x10100] =	vst v63  }
0x48: {  	_ = 	snop  }
0x49: {  	[hbm4b:s5+s2] =	stream.indirect_vreg.scatter [tilespmem:s18], [sflag:$0x1], $0x80, v3, vm0, $0xb8;
	[tilespmem:$0x10100] =	vst v63  }
0x4a: {  	_ = 	snop  }
0x4b: {  	[hbm4b:s6+s2] =	stream.indirect_vreg.scatter [tilespmem:s19], [sflag:$0x1], $0x80, v3, vm0, $0xb8;
	[tilespmem:$0x10100] =	vst v63  }
0x4c: {  	_ = 	snop  }
0x4d: {  	[hbm4b:s7+s2] =	stream.indirect_vreg.scatter [tilespmem:s20], [sflag:$0x1], $0x80, v3, vm0, $0xb8;
	[tilespmem:$0x10100] =	vst v63  }
0x4e: {  	v3 =	vld [tilespmem:$0x10020];
	_ =	sdelay $0x4  }
0x4f: {  	v58 =	vshll.u32 v3, $0x3  }
0x50: {  	v3 =	vand.u32 $0x7, v3;
	v4 =	vand.u32 $0xFFFFFFC0, v58  }
0x51: {  	v3 =	vor.u32 v3, v4  }
0x52: {  	v4 =	vperm.xlane v3, v0;
	_ =	sdelay $0x1  }
0x53: {  	v4 =	vadd.s32 v1, v4;
	_ =	sdelay $0x4  }
0x54: {  	[hbm4b:s3+s2] =	stream.indirect_vreg.scatter [tilespmem:s21], [sflag:$0x1], $0x80, v4, vm0, $0xb8;
	[tilespmem:$0x10100] =	vst v63  }
0x55: {  	v3 =	vperm.xlane v3, v2  }
0x56: {  	[hbm4b:s5+s2] =	stream.indirect_vreg.scatter [tilespmem:s22], [sflag:$0x1], $0x80, v4, vm0, $0xb8;
	[tilespmem:$0x10100] =	vst v63  }
0x57: {  	v3 =	vadd.s32 v1, v3  }
0x58: {  	[hbm4b:s6+s2] =	stream.indirect_vreg.scatter [tilespmem:s23], [sflag:$0x1], $0x80, v4, vm0, $0xb8;
	[tilespmem:$0x10100] =	vst v63  }
0x59: {  	_ = 	snop  }
0x5a: {  	[hbm4b:s7+s2] =	stream.indirect_vreg.scatter [tilespmem:s24], [sflag:$0x1], $0x80, v4, vm0, $0xb8;
	[tilespmem:$0x10100] =	vst v63  }
0x5b: {  	_ = 	snop  }
0x5c: {  	[hbm4b:s3+s2] =	stream.indirect_vreg.scatter [tilespmem:s25], [sflag:$0x1], $0x80, v3, vm0, $0xb8;
	[tilespmem:$0x10100] =	vst v63  }
0x5d: {  	s0 =	simm.s32 $0xA800  }
0x5e: {  	[hbm4b:s5+s2] =	stream.indirect_vreg.scatter [tilespmem:s0], [sflag:$0x1], $0x80, v3, vm0, $0xb8;
	[tilespmem:$0x10100] =	vst v63  }
0x5f: {  	s0 =	simm.s32 $0xB000  }
0x60: {  	[hbm4b:s6+s2] =	stream.indirect_vreg.scatter [tilespmem:s0], [sflag:$0x1], $0x80, v3, vm0, $0xb8;
	[tilespmem:$0x10100] =	vst v63  }
0x61: {  	s0 =	simm.s32 $0xB800  }
0x62: {  	[hbm4b:s7+s2] =	stream.indirect_vreg.scatter [tilespmem:s0], [sflag:$0x1], $0x80, v3, vm0, $0xb8;
	[tilespmem:$0x10100] =	vst v63  }
0x63: {  	v3 =	vld [tilespmem:$0x10030];
	_ =	sdelay $0x4  }
0x64: {  	v59 =	vshll.u32 v3, $0x3  }
0x65: {  	v3 =	vand.u32 $0x7, v3;
	v4 =	vand.u32 $0xFFFFFFC0, v59  }
0x66: {  	v3 =	vor.u32 v3, v4  }
0x67: {  	v4 =	vperm.xlane v3, v0;
	_ =	sdelay $0x1  }
0x68: {  	v4 =	vadd.s32 v1, v4;
	_ =	sdelay $0x3  }
0x69: {  	s0 =	simm.s32 $0xC000  }
0x6a: {  	[hbm4b:s3+s2] =	stream.indirect_vreg.scatter [tilespmem:s0], [sflag:$0x1], $0x80, v4, vm0, $0xb8;
	[tilespmem:$0x10100] =	vst v63  }
0x6b: {  	v3 =	vperm.xlane v3, v2;
	s0 =	simm.s32 $0xC800  }
0x6c: {  	[hbm4b:s5+s2] =	stream.indirect_vreg.scatter [tilespmem:s0], [sflag:$0x1], $0x80, v4, vm0, $0xb8;
	[tilespmem:$0x10100] =	vst v63  }
0x6d: {  	v3 =	vadd.s32 v1, v3;
	s0 =	simm.s32 $0xD000  }
0x6e: {  	[hbm4b:s6+s2] =	stream.indirect_vreg.scatter [tilespmem:s0], [sflag:$0x1], $0x80, v4, vm0, $0xb8;
	[tilespmem:$0x10100] =	vst v63  }
0x6f: {  	s0 =	simm.s32 $0xD800  }
0x70: {  	[hbm4b:s7+s2] =	stream.indirect_vreg.scatter [tilespmem:s0], [sflag:$0x1], $0x80, v4, vm0, $0xb8;
	[tilespmem:$0x10100] =	vst v63  }
0x71: {  	s0 =	simm.s32 $0xE000  }
0x72: {  	[hbm4b:s3+s2] =	stream.indirect_vreg.scatter [tilespmem:s0], [sflag:$0x1], $0x80, v3, vm0, $0xb8;
	[tilespmem:$0x10100] =	vst v63  }
0x73: {  	s0 =	simm.s32 $0xE800  }
0x74: {  	[hbm4b:s5+s2] =	stream.indirect_vreg.scatter [tilespmem:s0], [sflag:$0x1], $0x80, v3, vm0, $0xb8;
	[tilespmem:$0x10100] =	vst v63  }
0x75: {  	s0 =	simm.s32 $0xF000  }
0x76: {  	[hbm4b:s6+s2] =	stream.indirect_vreg.scatter [tilespmem:s0], [sflag:$0x1], $0x80, v3, vm0, $0xb8;
	[tilespmem:$0x10100] =	vst v63  }
0x77: {  	s0 =	simm.s32 $0xF800  }
0x78: {  	[hbm4b:s7+s2] =	stream.indirect_vreg.scatter [tilespmem:s0], [sflag:$0x1], $0x80, v3, vm0, $0xb8;
	[tilespmem:$0x10100] =	vst v63  }
0x79: {  	v3 =	vld [tilespmem:$0x10080];
	_ =	sdelay $0x4  }
0x7a: {  	v60 =	vshll.u32 v3, $0x3  }
0x7b: {  	v3 =	vand.u32 $0x7, v3;
	v4 =	vand.u32 $0xFFFFFFC0, v60  }
0x7c: {  	v3 =	vor.u32 v3, v4  }
0x7d: {  	v4 =	vperm.xlane v3, v0;
	_ =	sdelay $0x1  }
0x7e: {  	v4 =	vadd.s32 v1, v4;
	_ =	sdelay $0x4  }
0x7f: {  	[hbm4b:s4+s2] =	stream.indirect_vreg.scatter [tilespmem:s2], [sflag:$0x2], $0x80, v4, vm0, $0xb8;
	[tilespmem:$0x10100] =	vst v63  }
0x80: {  	v3 =	vperm.xlane v3, v2  }
0x81: {  	[hbm4b:s8+s2] =	stream.indirect_vreg.scatter [tilespmem:s26], [sflag:$0x2], $0x80, v4, vm0, $0xb8;
	[tilespmem:$0x10100] =	vst v63  }
0x82: {  	v3 =	vadd.s32 v1, v3  }
0x83: {  	[hbm4b:s9+s2] =	stream.indirect_vreg.scatter [tilespmem:s28], [sflag:$0x2], $0x80, v4, vm0, $0xb8;
	[tilespmem:$0x10100] =	vst v63  }
0x84: {  	_ = 	snop  }
0x85: {  	[hbm4b:s10+s2] =	stream.indirect_vreg.scatter [tilespmem:s29], [sflag:$0x2], $0x80, v4, vm0, $0xb8;
	[tilespmem:$0x10100] =	vst v63  }
0x86: {  	_ = 	snop  }
0x87: {  	[hbm4b:s4+s2] =	stream.indirect_vreg.scatter [tilespmem:s30], [sflag:$0x2], $0x80, v3, vm0, $0xb8;
	[tilespmem:$0x10100] =	vst v63  }
0x88: {  	_ = 	snop  }
0x89: {  	[hbm4b:s8+s2] =	stream.indirect_vreg.scatter [tilespmem:s31], [sflag:$0x2], $0x80, v3, vm0, $0xb8;
	[tilespmem:$0x10100] =	vst v63  }
0x8a: {  	s26 =	simm.s32 $0x3000  }
0x8b: {  	[hbm4b:s9+s2] =	stream.indirect_vreg.scatter [tilespmem:s26], [sflag:$0x2], $0x80, v3, vm0, $0xb8;
	[tilespmem:$0x10100] =	vst v63  }
0x8c: {  	_ = 	snop  }
0x8d: {  	[hbm4b:s10+s2] =	stream.indirect_vreg.scatter [tilespmem:s1], [sflag:$0x2], $0x80, v3, vm0, $0xb8;
	[tilespmem:$0x10100] =	vst v63  }
0x8e: {  	v3 =	vld [tilespmem:$0x10090];
	_ =	sdelay $0x4  }
0x8f: {  	v61 =	vshll.u32 v3, $0x3  }
0x90: {  	v3 =	vand.u32 $0x7, v3;
	v4 =	vand.u32 $0xFFFFFFC0, v61  }
0x91: {  	v3 =	vor.u32 v3, v4  }
0x92: {  	v4 =	vperm.xlane v3, v0;
	_ =	sdelay $0x1  }
0x93: {  	v4 =	vadd.s32 v1, v4;
	_ =	sdelay $0x4  }
0x94: {  	[hbm4b:s4+s2] =	stream.indirect_vreg.scatter [tilespmem:s13], [sflag:$0x2], $0x80, v4, vm0, $0xb8;
	[tilespmem:$0x10100] =	vst v63  }
0x95: {  	v3 =	vperm.xlane v3, v2  }
0x96: {  	[hbm4b:s8+s2] =	stream.indirect_vreg.scatter [tilespmem:s14], [sflag:$0x2], $0x80, v4, vm0, $0xb8;
	[tilespmem:$0x10100] =	vst v63  }
0x97: {  	v3 =	vadd.s32 v1, v3  }
0x98: {  	[hbm4b:s9+s2] =	stream.indirect_vreg.scatter [tilespmem:s15], [sflag:$0x2], $0x80, v4, vm0, $0xb8;
	[tilespmem:$0x10100] =	vst v63  }
0x99: {  	_ = 	snop  }
0x9a: {  	[hbm4b:s10+s2] =	stream.indirect_vreg.scatter [tilespmem:s16], [sflag:$0x2], $0x80, v4, vm0, $0xb8;
	[tilespmem:$0x10100] =	vst v63  }
0x9b: {  	_ = 	snop  }
0x9c: {  	[hbm4b:s4+s2] =	stream.indirect_vreg.scatter [tilespmem:s17], [sflag:$0x2], $0x80, v3, vm0, $0xb8;
	[tilespmem:$0x10100] =	vst v63  }
0x9d: {  	_ = 	snop  }
0x9e: {  	[hbm4b:s8+s2] =	stream.indirect_vreg.scatter [tilespmem:s18], [sflag:$0x2], $0x80, v3, vm0, $0xb8;
	[tilespmem:$0x10100] =	vst v63  }
0x9f: {  	_ = 	snop  }
0xa0: {  	[hbm4b:s9+s2] =	stream.indirect_vreg.scatter [tilespmem:s19], [sflag:$0x2], $0x80, v3, vm0, $0xb8;
	[tilespmem:$0x10100] =	vst v63  }
0xa1: {  	_ = 	snop  }
0xa2: {  	[hbm4b:s10+s2] =	stream.indirect_vreg.scatter [tilespmem:s20], [sflag:$0x2], $0x80, v3, vm0, $0xb8;
	[tilespmem:$0x10100] =	vst v63  }
0xa3: {  	v3 =	vld [tilespmem:$0x100A0];
	_ =	sdelay $0x4  }
0xa4: {  	v62 =	vshll.u32 v3, $0x3  }
0xa5: {  	v3 =	vand.u32 $0x7, v3;
	v4 =	vand.u32 $0xFFFFFFC0, v62  }
0xa6: {  	v3 =	vor.u32 v3, v4  }
0xa7: {  	v4 =	vperm.xlane v3, v0;
	_ =	sdelay $0x1  }
0xa8: {  	v4 =	vadd.s32 v1, v4;
	_ =	sdelay $0x4  }
0xa9: {  	[hbm4b:s4+s2] =	stream.indirect_vreg.scatter [tilespmem:s21], [sflag:$0x2], $0x80, v4, vm0, $0xb8;
	[tilespmem:$0x10100] =	vst v63  }
0xaa: {  	v3 =	vperm.xlane v3, v2  }
0xab: {  	[hbm4b:s8+s2] =	stream.indirect_vreg.scatter [tilespmem:s22], [sflag:$0x2], $0x80, v4, vm0, $0xb8;
	[tilespmem:$0x10100] =	vst v63  }
0xac: {  	v3 =	vadd.s32 v1, v3  }
0xad: {  	[hbm4b:s9+s2] =	stream.indirect_vreg.scatter [tilespmem:s23], [sflag:$0x2], $0x80, v4, vm0, $0xb8;
	[tilespmem:$0x10100] =	vst v63  }
0xae: {  	_ = 	snop  }
0xaf: {  	[hbm4b:s10+s2] =	stream.indirect_vreg.scatter [tilespmem:s24], [sflag:$0x2], $0x80, v4, vm0, $0xb8;
	[tilespmem:$0x10100] =	vst v63  }
0xb0: {  	_ = 	snop  }
0xb1: {  	[hbm4b:s4+s2] =	stream.indirect_vreg.scatter [tilespmem:s25], [sflag:$0x2], $0x80, v3, vm0, $0xb8;
	[tilespmem:$0x10100] =	vst v63  }
0xb2: {  	s28 =	simm.s32 $0xA800  }
0xb3: {  	[hbm4b:s8+s2] =	stream.indirect_vreg.scatter [tilespmem:s28], [sflag:$0x2], $0x80, v3, vm0, $0xb8;
	[tilespmem:$0x10100] =	vst v63  }
0xb4: {  	s26 =	simm.s32 $0xB000  }
0xb5: {  	[hbm4b:s9+s2] =	stream.indirect_vreg.scatter [tilespmem:s26], [sflag:$0x2], $0x80, v3, vm0, $0xb8;
	[tilespmem:$0x10100] =	vst v63  }
0xb6: {  	s28 =	simm.s32 $0xB800  }
0xb7: {  	[hbm4b:s10+s2] =	stream.indirect_vreg.scatter [tilespmem:s28], [sflag:$0x2], $0x80, v3, vm0, $0xb8;
	[tilespmem:$0x10100] =	vst v63  }
0xb8: {  	v3 =	vld [tilespmem:$0x100B0];
	_ =	sdelay $0x4  }
0xb9: {  	v63 =	vshll.u32 v3, $0x3  }
0xba: {  	v3 =	vand.u32 $0x7, v3;
	v4 =	vand.u32 $0xFFFFFFC0, v63  }
0xbb: {  	v3 =	vor.u32 v3, v4  }
0xbc: {  	v4 =	vperm.xlane v3, v0;
	_ =	sdelay $0x1  }
0xbd: {  	v4 =	vadd.s32 v1, v4;
	_ =	sdelay $0x3  }
0xbe: {  	s26 =	simm.s32 $0xC000  }
0xbf: {  	[hbm4b:s4+s2] =	stream.indirect_vreg.scatter [tilespmem:s26], [sflag:$0x2], $0x80, v4, vm0, $0xb8;
	[tilespmem:$0x10100] =	vst v63  }
0xc0: {  	s28 =	simm.s32 $0xC800;
	v3 =	vperm.xlane v3, v2  }
0xc1: {  	[hbm4b:s8+s2] =	stream.indirect_vreg.scatter [tilespmem:s28], [sflag:$0x2], $0x80, v4, vm0, $0xb8;
	[tilespmem:$0x10100] =	vst v63  }
0xc2: {  	v3 =	vadd.s32 v1, v3;
	s26 =	simm.s32 $0xD000  }
0xc3: {  	[hbm4b:s9+s2] =	stream.indirect_vreg.scatter [tilespmem:s26], [sflag:$0x2], $0x80, v4, vm0, $0xb8;
	[tilespmem:$0x10100] =	vst v63  }
0xc4: {  	s28 =	simm.s32 $0xD800  }
0xc5: {  	[hbm4b:s10+s2] =	stream.indirect_vreg.scatter [tilespmem:s28], [sflag:$0x2], $0x80, v4, vm0, $0xb8;
	[tilespmem:$0x10100] =	vst v63  }
0xc6: {  	s26 =	simm.s32 $0xE000  }
0xc7: {  	[hbm4b:s4+s2] =	stream.indirect_vreg.scatter [tilespmem:s26], [sflag:$0x2], $0x80, v3, vm0, $0xb8;
	[tilespmem:$0x10100] =	vst v63  }
0xc8: {  	s28 =	simm.s32 $0xE800  }
0xc9: {  	[hbm4b:s8+s2] =	stream.indirect_vreg.scatter [tilespmem:s28], [sflag:$0x2], $0x80, v3, vm0, $0xb8;
	[tilespmem:$0x10100] =	vst v63  }
0xca: {  	s26 =	simm.s32 $0xF000  }
0xcb: {  	[hbm4b:s9+s2] =	stream.indirect_vreg.scatter [tilespmem:s26], [sflag:$0x2], $0x80, v3, vm0, $0xb8;
	[tilespmem:$0x10100] =	vst v63  }
0xcc: {  	s28 =	simm.s32 $0xF800;
	s26 =	simm.s32 $0x1  }
0xcd: {  	[hbm4b:s10+s2] =	stream.indirect_vreg.scatter [tilespmem:s28], [sflag:$0x2], $0x80, v3, vm0, $0xb8;
	[tilespmem:$0x10100] =	vst v63  }
0xce: {  	p0 =	sne.s32 s11, $0x1;
	_ =	swait.ge [sflag:s26], $0x10000  }
.Ltmp0:
0xcf: {  	[sflag:s26] =	ssyncset.done $0x0;
	(pc) =	sbr.rel @p0 .LBB2_1-.Ltmp0, $4  }
0xd0: {  	s28 =	simm.s32 $0x2;
	[sflag:s26] =	ssyncadd.s32 $0xFFFF0000  }
0xd1: {  	_ =	swait.ge [sflag:s28], $0x10000  }
0xd2: {  	[sflag:s28] =	ssyncset.done $0x0  }
0xd3: {  	s11 =	sadd.s32 $0xFFFFFFFF, s11;
	[sflag:s28] =	ssyncadd.s32 $0xFFFF0000  }
0xd4: {  	_ =	sfence.sel $0x180000  }
0xd5: {  	[bflag:$0x0] =	sbarrier.arrive $0xFFFF  }
0xd6: {  	_ =	strace $0x90000047  }
0xd7: {  	s0 =	stileid.u32;
	[bflag:$0x2] =	sbarrier.arrive $0xFFFF  }
0xd8: {  	p0 =	sne.s32 s0, $0x0;
	s0 =	rddreg [dreg:$0x3]  }
0xd9: {  	s0 =	sadd.s32 @!p0 $0x100000, s0  }
0xda: {  	[sflag:s0] =	ssyncadd.tile.s32 @!p0 $0x1;
	_ =	shalt  }
.Lfunc_end2:
_tile_overlayer_lowered:
.L_overlay_start_2:
0xdb: {  	(tag) =	ssettag $0x2  }
0xdc: {  	s0 =	rddreg [dreg:$0x0];
	s2 =	stileid.u32  }
0xdd: {  	s1 =	rddreg [dreg:$0x1];
	p0 =	sne.s32 s2, $0x0  }
0xde: {  	s3 =	rddreg [dreg:$0x2];
	[bflag:$0x3] =	sbarrier.arrive $0xFFFF;
	s2 =	simm.s32 @!p0 $0x1C03  }
0xdf: {  	[timem:s3], [sflag:s2] =	dma.local @!p0 [hbm:s0], s1  }
0xe0: {  	s0 =	simm.s32 @!p0 $0x3  }
0xe1: {  	_ =	swait.ge @!p0 [sflag:s0], s1  }
0xe2: {  	s1 =	ssub.s32 @!p0 $0x0, s1;
	[sflag:s0] =	ssyncset.done @!p0 $0x0  }
0xe3: {  	[sflag:s0] =	ssyncadd.s32 @!p0 s1  }
0xe4: {  	[bflag:$0x3] =	sbarrier.arrive $0xFFFF  }
0xe5: {  	_ =	shalt  }

</sc_bundles>
